<compile_context>
chip_gen: v7x
topology: tpu7x:2x2x1
jax: 0.10.2.dev20260603
libtpu: 0.0.44.dev20260713+nightly
codegen_flags: <defaults>
</compile_context>

<pallas_src>
import functools

import jax
import jax.numpy as jnp
from jax import lax
from jax.experimental import pallas as pl
from jax.experimental.pallas import tpu as pltpu
from jax.experimental.pallas import tpu_sc as plsc

_V_DIAG = 100000
_V_PRESC = 1000
_V_YDELSE = 1000
_V_TOT = _V_DIAG + _V_PRESC + _V_YDELSE
_TBL = _V_TOT + 8
_BATCH = 1024
_ND = 200
_NP = 50
_NY = 50
_NWORKERS = 32
_RPW = _BATCH // _NWORKERS
_DPW = _RPW * _ND
_PPW = _RPW * _NP
_YPW = _RPW * _NY
_TPW = _DPW + _PPW + _YPW
_POFF = _DPW
_YOFF = _DPW + _PPW

_mesh = plsc.VectorSubcoreMesh(core_axis_name="c", subcore_axis_name="s")


def _row_groups(r):
    groups = []
    for gidx in range(13):
        groups.append((_ND * r + 16 * gidx, 16 * gidx, 8 if gidx == 12 else 16))
    for gidx in range(4):
        groups.append((_POFF + _NP * r + 16 * gidx, _ND + 16 * gidx,
                       2 if gidx == 3 else 16))
    for gidx in range(4):
        groups.append((_YOFF + _NY * r + 16 * gidx, _ND + _NP + 16 * gidx,
                       2 if gidx == 3 else 16))
    return groups


@functools.partial(
    pl.kernel,
    out_type=jax.ShapeDtypeStruct((_BATCH * 16,), jnp.float32),
    mesh=_mesh,
    compiler_params=pltpu.CompilerParams(
        needs_layout_passes=False, use_tc_tiling_on_sc=False
    ),
    scratch_types=[
        pltpu.VMEM((_TPW + 16,), jnp.int32),
        pltpu.VMEM((_TBL,), jnp.int32),
        pltpu.VMEM((_TPW + 16,), jnp.int32),
        pltpu.VMEM((_RPW * 16,), jnp.float32),
        pltpu.VMEM((16,), jnp.float32),
        pltpu.VMEM_SHARED((_TBL,), jnp.int32),
        pltpu.SemaphoreType.DMA,
    ],
)
def _bow_sc(d_hbm, p_hbm, y_hbm, w_hbm, b_hbm, out_hbm,
            tok_v, mark, g, out_v, b_v, w_sh, sem):
    sid = lax.axis_index("s")
    wid = sid * 2 + lax.axis_index("c")

    @pl.when(sid == 0)
    def _():
        pltpu.sync_copy(w_hbm, w_sh)

    pltpu.sync_copy(d_hbm.at[pl.ds(wid * _DPW, _DPW)], tok_v.at[pl.ds(0, _DPW)])
    pltpu.sync_copy(p_hbm.at[pl.ds(wid * _PPW, _PPW)],
                    tok_v.at[pl.ds(_POFF, _PPW)])
    pltpu.sync_copy(y_hbm.at[pl.ds(wid * _YPW, _YPW)],
                    tok_v.at[pl.ds(_YOFF, _YPW)])
    pltpu.sync_copy(b_hbm, b_v)

    lanes = lax.iota(jnp.int32, 16)
    zeros16 = jnp.zeros((16,), jnp.int32)

    tok_v[pl.ds(_TPW, 16)] = zeros16

    for k in range(_PPW // 16):
        sl = pl.ds(_POFF + 16 * k, 16)
        tok_v[sl] = tok_v[sl] + _V_DIAG
    for k in range(_YPW // 16):
        sl = pl.ds(_YOFF + 16 * k, 16)
        tok_v[sl] = tok_v[sl] + (_V_DIAG + _V_PRESC)

    plsc.subcore_barrier()

    pltpu.async_copy(w_sh.at[tok_v], g, sem)

    def scatter_row(r):
        for base, pos, nval in _row_groups(r):
            tv = tok_v[pl.ds(base, 16)]
            jv = lanes + pos
            if nval == 16:
                plsc.store_scatter(mark, [tv], jv)
            else:
                plsc.store_scatter(mark, [tv], jv, mask=lanes < nval)

    scatter_row(0)
    pltpu.make_async_copy(w_sh.at[tok_v], g, sem).wait()

    def row_body(r, carry):
        acc0 = jnp.zeros((16,), jnp.float32)
        acc1 = jnp.zeros((16,), jnp.float32)
        for base, pos, nval in _row_groups(r):
            tv = tok_v[pl.ds(base, 16)]
            keep = plsc.load_gather(mark, [tv]) == lanes + pos
            if nval != 16:
                keep = jnp.logical_and(keep, lanes < nval)
            pw = g[pl.ds(base, 16)]
            w0v = lax.bitcast_convert_type(lax.shift_left(pw, 16), jnp.float32)
            w1v = lax.bitcast_convert_type(
                lax.bitwise_and(pw, jnp.int32(-65536)), jnp.float32
            )
            acc0 = acc0 + jnp.where(keep, w0v, 0.0)
            acc1 = acc1 + jnp.where(keep, w1v, 0.0)
        s0 = jnp.sum(acc0)
        s1 = jnp.sum(acc1)
        res = jnp.where(lanes == 0, s0, jnp.where(lanes == 1, s1, 0.0))
        out_v[pl.ds(r * 16, 16)] = res + b_v[pl.ds(0, 16)]

        @pl.when(r < _RPW - 1)
        def _():
            scatter_row(r + 1)

        return carry

    lax.fori_loop(0, _RPW, row_body, 0)
    pltpu.sync_copy(out_v, out_hbm.at[pl.ds(wid * _RPW * 16, _RPW * 16)])


def kernel(diag_tokens, prescription_tokens, ydelse_tokens, W, b):
    d = diag_tokens.astype(jnp.int32).reshape(_BATCH * _ND)
    p = prescription_tokens.astype(jnp.int32).reshape(_BATCH * _NP)
    y = ydelse_tokens.astype(jnp.int32).reshape(_BATCH * _NY)
    wfull = jnp.concatenate(
        [W, jnp.zeros((_TBL - _V_TOT, 2), jnp.float32)], axis=0
    )
    wb = jax.lax.bitcast_convert_type(
        wfull.astype(jnp.bfloat16), jnp.uint16
    ).astype(jnp.uint32)
    w01 = (wb[:, 0] | (wb[:, 1] << 16)).astype(jnp.int32)
    b_vec = jnp.concatenate([b, jnp.zeros((14,), jnp.float32)])
    out = _bow_sc(d, p, y, w01, b_vec)
    return out.reshape(_BATCH, 16)[:, :2]

# --- scband reference (transcript-rebuilt; emitter-appended) ---
"""Pipeline reference for scband-bag-of-words-23871428232004 (READ-ONLY COPY).

The authoritative reference and input builder live on the scoring server;
editing this copy changes nothing except your own understanding.
"""

import jax, jax.numpy as jnp
import numpy as np

VOCAB_DIAG = 100000
VOCAB_PRESC = 1000
VOCAB_YDELSE = 1000
EMB_DIM = VOCAB_DIAG + VOCAB_PRESC + VOCAB_YDELSE
NUM_CLASSES = 2
BATCH = 1024


def _embed_tokens(tokens, vocab_size):
    # Faithful to torch: sort + unique + scatter(ones) == one-hot 'set' scatter.
    # Duplicate indices all write 1.0, so .at[...].set(1.0) is exact.
    B = tokens.shape[0]
    tokens = jnp.sort(tokens, axis=1)
    rows = jnp.arange(B)[:, None]
    one_hot = jnp.zeros((B, vocab_size), dtype=jnp.float32)
    one_hot = one_hot.at[rows, tokens].set(1.0)
    return one_hot


def setup_inputs(seed: int = 0) -> dict:
    key = jax.random.key(seed)
    k1, k2, k3, k4 = jax.random.split(key, 4)
    diag_tokens = jax.random.randint(k1, (BATCH, 200), 0, VOCAB_DIAG, dtype=jnp.int64 if jax.config.jax_enable_x64 else jnp.int32)
    prescription_tokens = jax.random.randint(k2, (BATCH, 50), 0, VOCAB_PRESC, dtype=jnp.int64 if jax.config.jax_enable_x64 else jnp.int32)
    ydelse_tokens = jax.random.randint(k3, (BATCH, 50), 0, VOCAB_YDELSE, dtype=jnp.int64 if jax.config.jax_enable_x64 else jnp.int32)
    W = jax.random.normal(k4, (EMB_DIM, NUM_CLASSES), dtype=jnp.float32) * 0.01
    b = jnp.zeros((NUM_CLASSES,), dtype=jnp.float32)
    return {"diag_tokens": diag_tokens, "prescription_tokens": prescription_tokens, "ydelse_tokens": ydelse_tokens, "W": W, "b": b}


def reference(diag_tokens, prescription_tokens, ydelse_tokens, W, b):
    embeddings = [
        _embed_tokens(diag_tokens, VOCAB_DIAG),
        _embed_tokens(prescription_tokens, VOCAB_PRESC),
        _embed_tokens(ydelse_tokens, VOCAB_YDELSE),
    ]
    embedding = jnp.concatenate(embeddings, axis=1)
    output = embedding @ W + b
    return output

if __name__ == "__main__":
    import jax
    _d = setup_inputs()
    print(jax.jit(kernel)(*tuple(_d.values())))

</pallas_src>

<mosaic_0001>
#map = affine_map<(d0, d1) -> (0)>
module attributes {stable_mosaic.version = 14 : i64} {
  func.func @_bow_sc(%arg0: i32, %arg1: i32, %arg2: memref<204800xi32, #tpu.memory_space<hbm>>, %arg3: memref<51200xi32, #tpu.memory_space<hbm>>, %arg4: memref<51200xi32, #tpu.memory_space<hbm>>, %arg5: memref<102008xi32, #tpu.memory_space<hbm>>, %arg6: memref<16xf32, #tpu.memory_space<hbm>>, %arg7: memref<16384xf32, #tpu.memory_space<hbm>>, %arg8: memref<9616xi32, #tpu.memory_space<vmem>>, %arg9: memref<102008xi32, #tpu.memory_space<vmem>>, %arg10: memref<9616xi32, #tpu.memory_space<vmem>>, %arg11: memref<512xf32, #tpu.memory_space<vmem>>, %arg12: memref<16xf32, #tpu.memory_space<vmem>>, %arg13: memref<102008xi32, #tpu.memory_space<vmem_shared>>, %arg14: memref<!tpu.dma_semaphore, #tpu.memory_space<semaphore_mem>>) attributes {dimension_semantics = [#tpu.dimension_semantics<core_parallel>, #tpu.dimension_semantics<subcore_parallel>], iteration_bounds = array<i64: 2, 16>, scalar_prefetch = 0 : i64, scratch_operands = 7 : i64, tpu.core_type = #tpu.core_type<sc_vector_subcore>, window_params = [{transform_indices = #map}, {transform_indices = #map}, {transform_indices = #map}, {transform_indices = #map}, {transform_indices = #map}, {transform_indices = #map}]} {
    %mul3A = arith.constant 2 : i32
    %mul3A_0 = arith.muli %arg1, %mul3A : i32
    %add3A = arith.addi %mul3A_0, %arg0 : i32
    %eq3A = arith.constant 0 : i32
    %eq3A_1 = arith.cmpi eq, %arg1, %eq3A : i32
    %convert_element_type3A = arith.extui %eq3A_1 : i1 to i32
    %cond3A = arith.constant 0 : i32
    %cond3A_2 = arith.cmpi ne, %convert_element_type3A, %cond3A : i32
    scf.if %cond3A_2 {
      "tpu.region"() ({
        %run_scoped3A = tpu.sem_alloc : memref<!tpu.dma_semaphore, #tpu.memory_space<semaphore_mem>>
        tpu.enqueue_dma source(%arg5 : memref<102008xi32, #tpu.memory_space<hbm>>) target(%arg13 : memref<102008xi32, #tpu.memory_space<vmem_shared>>) target_semaphore(%run_scoped3A : memref<!tpu.dma_semaphore, #tpu.memory_space<semaphore_mem>>)
        tpu.wait_dma2 semaphore(%run_scoped3A : memref<!tpu.dma_semaphore, #tpu.memory_space<semaphore_mem>>) src(%arg5 : memref<102008xi32, #tpu.memory_space<hbm>>) dst(%arg13 : memref<102008xi32, #tpu.memory_space<vmem_shared>>)
        tpu.yield
      }) : () -> ()
    } else {
    }
    %mul3A_3 = arith.constant 6400 : i32
    %mul3A_4 = arith.muli %add3A, %mul3A_3 : i32
    "tpu.region"() ({
      %run_scoped3A = tpu.sem_alloc : memref<!tpu.dma_semaphore, #tpu.memory_space<semaphore_mem>>
      %dma_start3A_1534 = arith.constant 0 : i32
      %dma_start3A_1535 = tpu.memref_slice %arg8[%dma_start3A_1534] : memref<9616xi32, #tpu.memory_space<vmem>> -> memref<6400xi32, #tpu.memory_space<vmem>>
      %dma_start3A_1536 = tpu.memref_slice %arg2[%mul3A_4] : memref<204800xi32, #tpu.memory_space<hbm>> -> memref<6400xi32, #tpu.memory_space<hbm>>
      %dma_start3A_1537 = arith.constant 0 : i32
      %dma_start3A_1538 = tpu.memref_slice %arg8[%dma_start3A_1537] : memref<9616xi32, #tpu.memory_space<vmem>> -> memref<6400xi32, #tpu.memory_space<vmem>>
      %dma_start3A_1539 = tpu.memref_slice %arg2[%mul3A_4] : memref<204800xi32, #tpu.memory_space<hbm>> -> memref<6400xi32, #tpu.memory_space<hbm>>
      tpu.enqueue_dma source(%dma_start3A_1539 : memref<6400xi32, #tpu.memory_space<hbm>>) target(%dma_start3A_1538 : memref<6400xi32, #tpu.memory_space<vmem>>) target_semaphore(%run_scoped3A : memref<!tpu.dma_semaphore, #tpu.memory_space<semaphore_mem>>)
      %dma_wait3A_1540 = arith.constant 0 : i32
      %dma_wait3A_1541 = tpu.memref_slice %arg8[%dma_wait3A_1540] : memref<9616xi32, #tpu.memory_space<vmem>> -> memref<6400xi32, #tpu.memory_space<vmem>>
      %dma_wait3A_1542 = tpu.memref_slice %arg2[%mul3A_4] : memref<204800xi32, #tpu.memory_space<hbm>> -> memref<6400xi32, #tpu.memory_space<hbm>>
      %dma_wait3A_1543 = arith.constant 0 : i32
      %dma_wait3A_1544 = tpu.memref_slice %arg8[%dma_wait3A_1543] : memref<9616xi32, #tpu.memory_space<vmem>> -> memref<6400xi32, #tpu.memory_space<vmem>>
      %dma_wait3A_1545 = tpu.memref_slice %arg2[%mul3A_4] : memref<204800xi32, #tpu.memory_space<hbm>> -> memref<6400xi32, #tpu.memory_space<hbm>>
      tpu.wait_dma2 semaphore(%run_scoped3A : memref<!tpu.dma_semaphore, #tpu.memory_space<semaphore_mem>>) src(%dma_wait3A_1545 : memref<6400xi32, #tpu.memory_space<hbm>>) dst(%dma_wait3A_1544 : memref<6400xi32, #tpu.memory_space<vmem>>)
      tpu.yield
    }) : () -> ()
    %mul3A_5 = arith.constant 1600 : i32
    %mul3A_6 = arith.muli %add3A, %mul3A_5 : i32
    "tpu.region"() ({
      %run_scoped3A = tpu.sem_alloc : memref<!tpu.dma_semaphore, #tpu.memory_space<semaphore_mem>>
      %dma_start3A_1534 = arith.constant 6400 : i32
      %dma_start3A_1535 = tpu.memref_slice %arg8[%dma_start3A_1534] : memref<9616xi32, #tpu.memory_space<vmem>> -> memref<1600xi32, #tpu.memory_space<vmem>>
      %dma_start3A_1536 = tpu.memref_slice %arg3[%mul3A_6] : memref<51200xi32, #tpu.memory_space<hbm>> -> memref<1600xi32, #tpu.memory_space<hbm>>
      %dma_start3A_1537 = arith.constant 6400 : i32
      %dma_start3A_1538 = tpu.memref_slice %arg8[%dma_start3A_1537] : memref<9616xi32, #tpu.memory_space<vmem>> -> memref<1600xi32, #tpu.memory_space<vmem>>
      %dma_start3A_1539 = tpu.memref_slice %arg3[%mul3A_6] : memref<51200xi32, #tpu.memory_space<hbm>> -> memref<1600xi32, #tpu.memory_space<hbm>>
      tpu.enqueue_dma source(%dma_start3A_1539 : memref<1600xi32, #tpu.memory_space<hbm>>) target(%dma_start3A_1538 : memref<1600xi32, #tpu.memory_space<vmem>>) target_semaphore(%run_scoped3A : memref<!tpu.dma_semaphore, #tpu.memory_space<semaphore_mem>>)
      %dma_wait3A_1540 = arith.constant 6400 : i32
      %dma_wait3A_1541 = tpu.memref_slice %arg8[%dma_wait3A_1540] : memref<9616xi32, #tpu.memory_space<vmem>> -> memref<1600xi32, #tpu.memory_space<vmem>>
      %dma_wait3A_1542 = tpu.memref_slice %arg3[%mul3A_6] : memref<51200xi32, #tpu.memory_space<hbm>> -> memref<1600xi32, #tpu.memory_space<hbm>>
      %dma_wait3A_1543 = arith.constant 6400 : i32
      %dma_wait3A_1544 = tpu.memref_slice %arg8[%dma_wait3A_1543] : memref<9616xi32, #tpu.memory_space<vmem>> -> memref<1600xi32, #tpu.memory_space<vmem>>
      %dma_wait3A_1545 = tpu.memref_slice %arg3[%mul3A_6] : memref<51200xi32, #tpu.memory_space<hbm>> -> memref<1600xi32, #tpu.memory_space<hbm>>
      tpu.wait_dma2 semaphore(%run_scoped3A : memref<!tpu.dma_semaphore, #tpu.memory_space<semaphore_mem>>) src(%dma_wait3A_1545 : memref<1600xi32, #tpu.memory_space<hbm>>) dst(%dma_wait3A_1544 : memref<1600xi32, #tpu.memory_space<vmem>>)
      tpu.yield
    }) : () -> ()
    %mul3A_7 = arith.constant 1600 : i32
    %mul3A_8 = arith.muli %add3A, %mul3A_7 : i32
    "tpu.region"() ({
      %run_scoped3A = tpu.sem_alloc : memref<!tpu.dma_semaphore, #tpu.memory_space<semaphore_mem>>
      %dma_start3A_1534 = arith.constant 8000 : i32
      %dma_start3A_1535 = tpu.memref_slice %arg8[%dma_start3A_1534] : memref<9616xi32, #tpu.memory_space<vmem>> -> memref<1600xi32, #tpu.memory_space<vmem>>
      %dma_start3A_1536 = tpu.memref_slice %arg4[%mul3A_8] : memref<51200xi32, #tpu.memory_space<hbm>> -> memref<1600xi32, #tpu.memory_space<hbm>>
      %dma_start3A_1537 = arith.constant 8000 : i32
      %dma_start3A_1538 = tpu.memref_slice %arg8[%dma_start3A_1537] : memref<9616xi32, #tpu.memory_space<vmem>> -> memref<1600xi32, #tpu.memory_space<vmem>>
      %dma_start3A_1539 = tpu.memref_slice %arg4[%mul3A_8] : memref<51200xi32, #tpu.memory_space<hbm>> -> memref<1600xi32, #tpu.memory_space<hbm>>
      tpu.enqueue_dma source(%dma_start3A_1539 : memref<1600xi32, #tpu.memory_space<hbm>>) target(%dma_start3A_1538 : memref<1600xi32, #tpu.memory_space<vmem>>) target_semaphore(%run_scoped3A : memref<!tpu.dma_semaphore, #tpu.memory_space<semaphore_mem>>)
      %dma_wait3A_1540 = arith.constant 8000 : i32
      %dma_wait3A_1541 = tpu.memref_slice %arg8[%dma_wait3A_1540] : memref<9616xi32, #tpu.memory_space<vmem>> -> memref<1600xi32, #tpu.memory_space<vmem>>
      %dma_wait3A_1542 = tpu.memref_slice %arg4[%mul3A_8] : memref<51200xi32, #tpu.memory_space<hbm>> -> memref<1600xi32, #tpu.memory_space<hbm>>
      %dma_wait3A_1543 = arith.constant 8000 : i32
      %dma_wait3A_1544 = tpu.memref_slice %arg8[%dma_wait3A_1543] : memref<9616xi32, #tpu.memory_space<vmem>> -> memref<1600xi32, #tpu.memory_space<vmem>>
      %dma_wait3A_1545 = tpu.memref_slice %arg4[%mul3A_8] : memref<51200xi32, #tpu.memory_space<hbm>> -> memref<1600xi32, #tpu.memory_space<hbm>>
      tpu.wait_dma2 semaphore(%run_scoped3A : memref<!tpu.dma_semaphore, #tpu.memory_space<semaphore_mem>>) src(%dma_wait3A_1545 : memref<1600xi32, #tpu.memory_space<hbm>>) dst(%dma_wait3A_1544 : memref<1600xi32, #tpu.memory_space<vmem>>)
      tpu.yield
    }) : () -> ()
    "tpu.region"() ({
      %run_scoped3A = tpu.sem_alloc : memref<!tpu.dma_semaphore, #tpu.memory_space<semaphore_mem>>
      tpu.enqueue_dma source(%arg6 : memref<16xf32, #tpu.memory_space<hbm>>) target(%arg12 : memref<16xf32, #tpu.memory_space<vmem>>) target_semaphore(%run_scoped3A : memref<!tpu.dma_semaphore, #tpu.memory_space<semaphore_mem>>)
      tpu.wait_dma2 semaphore(%run_scoped3A : memref<!tpu.dma_semaphore, #tpu.memory_space<semaphore_mem>>) src(%arg6 : memref<16xf32, #tpu.memory_space<hbm>>) dst(%arg12 : memref<16xf32, #tpu.memory_space<vmem>>)
      tpu.yield
    }) : () -> ()
    %iota3A = tpu.iota {dimensions = array<i32: 0>} : vector<16xi32>
    %broadcast_in_dim3A = arith.constant 0 : i32
    %broadcast_in_dim3A_9 = vector.broadcast %broadcast_in_dim3A : i32 to vector<16xi32>
    %swap3A = arith.constant 9600 : index
    %swap3A_10 = tpu.vector_load %arg8[%swap3A] {strides = array<i32>} : memref<9616xi32, #tpu.memory_space<vmem>>, vector<16xi32>,
    tpu.vector_store %arg8[%swap3A], %broadcast_in_dim3A_9 {strides = array<i32>} : memref<9616xi32, #tpu.memory_space<vmem>>, vector<16xi32>,
    %get3A = arith.constant 6400 : index
    %get3A_11 = tpu.vector_load %arg8[%get3A] {strides = array<i32>} : memref<9616xi32, #tpu.memory_space<vmem>>, vector<16xi32>,
    %add3A_12 = arith.constant 100000 : i32
    %add3A_13 = vector.broadcast %add3A_12 : i32 to vector<16xi32>
    %add3A_14 = arith.addi %get3A_11, %add3A_13 : vector<16xi32>
    %swap3A_15 = arith.constant 6400 : index
    %swap3A_16 = tpu.vector_load %arg8[%swap3A_15] {strides = array<i32>} : memref<9616xi32, #tpu.memory_space<vmem>>, vector<16xi32>,
    tpu.vector_store %arg8[%swap3A_15], %add3A_14 {strides = array<i32>} : memref<9616xi32, #tpu.memory_space<vmem>>, vector<16xi32>,
    %get3A_17 = arith.constant 6416 : index
    %get3A_18 = tpu.vector_load %arg8[%get3A_17] {strides = array<i32>} : memref<9616xi32, #tpu.memory_space<vmem>>, vector<16xi32>,
    %add3A_19 = arith.constant 100000 : i32
    %add3A_20 = vector.broadcast %add3A_19 : i32 to vector<16xi32>
    %add3A_21 = arith.addi %get3A_18, %add3A_20 : vector<16xi32>
    %swap3A_22 = arith.constant 6416 : index
    %swap3A_23 = tpu.vector_load %arg8[%swap3A_22] {strides = array<i32>} : memref<9616xi32, #tpu.memory_space<vmem>>, vector<16xi32>,
    tpu.vector_store %arg8[%swap3A_22], %add3A_21 {strides = array<i32>} : memref<9616xi32, #tpu.memory_space<vmem>>, vector<16xi32>,
    %get3A_24 = arith.constant 6432 : index
    %get3A_25 = tpu.vector_load %arg8[%get3A_24] {strides = array<i32>} : memref<9616xi32, #tpu.memory_space<vmem>>, vector<16xi32>,
    %add3A_26 = arith.constant 100000 : i32
    %add3A_27 = vector.broadcast %add3A_26 : i32 to vector<16xi32>
    %add3A_28 = arith.addi %get3A_25, %add3A_27 : vector<16xi32>
    %swap3A_29 = arith.constant 6432 : index
    %swap3A_30 = tpu.vector_load %arg8[%swap3A_29] {strides = array<i32>} : memref<9616xi32, #tpu.memory_space<vmem>>, vector<16xi32>,
    tpu.vector_store %arg8[%swap3A_29], %add3A_28 {strides = array<i32>} : memref<9616xi32, #tpu.memory_space<vmem>>, vector<16xi32>,
    %get3A_31 = arith.constant 6448 : index
    %get3A_32 = tpu.vector_load %arg8[%get3A_31] {strides = array<i32>} : memref<9616xi32, #tpu.memory_space<vmem>>, vector<16xi32>,
    %add3A_33 = arith.constant 100000 : i32
    %add3A_34 = vector.broadcast %add3A_33 : i32 to vector<16xi32>
    %add3A_35 = arith.addi %get3A_32, %add3A_34 : vector<16xi32>
    %swap3A_36 = arith.constant 6448 : index
    %swap3A_37 = tpu.vector_load %arg8[%swap3A_36] {strides = array<i32>} : memref<9616xi32, #tpu.memory_space<vmem>>, vector<16xi32>,
    tpu.vector_store %arg8[%swap3A_36], %add3A_35 {strides = array<i32>} : memref<9616xi32, #tpu.memory_space<vmem>>, vector<16xi32>,
    %get3A_38 = arith.constant 6464 : index
    %get3A_39 = tpu.vector_load %arg8[%get3A_38] {strides = array<i32>} : memref<9616xi32, #tpu.memory_space<vmem>>, vector<16xi32>,
    %add3A_40 = arith.constant 100000 : i32
    %add3A_41 = vector.broadcast %add3A_40 : i32 to vector<16xi32>
    %add3A_42 = arith.addi %get3A_39, %add3A_41 : vector<16xi32>
    %swap3A_43 = arith.constant 6464 : index
    %swap3A_44 = tpu.vector_load %arg8[%swap3A_43] {strides = array<i32>} : memref<9616xi32, #tpu.memory_space<vmem>>, vector<16xi32>,
    tpu.vector_store %arg8[%swap3A_43], %add3A_42 {strides = array<i32>} : memref<9616xi32, #tpu.memory_space<vmem>>, vector<16xi32>,
    %get3A_45 = arith.constant 6480 : index
    %get3A_46 = tpu.vector_load %arg8[%get3A_45] {strides = array<i32>} : memref<9616xi32, #tpu.memory_space<vmem>>, vector<16xi32>,
    %add3A_47 = arith.constant 100000 : i32
    %add3A_48 = vector.broadcast %add3A_47 : i32 to vector<16xi32>
    %add3A_49 = arith.addi %get3A_46, %add3A_48 : vector<16xi32>
    %swap3A_50 = arith.constant 6480 : index
    %swap3A_51 = tpu.vector_load %arg8[%swap3A_50] {strides = array<i32>} : memref<9616xi32, #tpu.memory_space<vmem>>, vector<16xi32>,
    tpu.vector_store %arg8[%swap3A_50], %add3A_49 {strides = array<i32>} : memref<9616xi32, #tpu.memory_space<vmem>>, vector<16xi32>,
    %get3A_52 = arith.constant 6496 : index
    %get3A_53 = tpu.vector_load %arg8[%get3A_52] {strides = array<i32>} : memref<9616xi32, #tpu.memory_space<vmem>>, vector<16xi32>,
    %add3A_54 = arith.constant 100000 : i32
    %add3A_55 = vector.broadcast %add3A_54 : i32 to vector<16xi32>
    %add3A_56 = arith.addi %get3A_53, %add3A_55 : vector<16xi32>
    %swap3A_57 = arith.constant 6496 : index
    %swap3A_58 = tpu.vector_load %arg8[%swap3A_57] {strides = array<i32>} : memref<9616xi32, #tpu.memory_space<vmem>>, vector<16xi32>,
    tpu.vector_store %arg8[%swap3A_57], %add3A_56 {strides = array<i32>} : memref<9616xi32, #tpu.memory_space<vmem>>, vector<16xi32>,
    %get3A_59 = arith.constant 6512 : index
    %get3A_60 = tpu.vector_load %arg8[%get3A_59] {strides = array<i32>} : memref<9616xi32, #tpu.memory_space<vmem>>, vector<16xi32>,
    %add3A_61 = arith.constant 100000 : i32
    %add3A_62 = vector.broadcast %add3A_61 : i32 to vector<16xi32>
    %add3A_63 = arith.addi %get3A_60, %add3A_62 : vector<16xi32>
    %swap3A_64 = arith.constant 6512 : index
    %swap3A_65 = tpu.vector_load %arg8[%swap3A_64] {strides = array<i32>} : memref<9616xi32, #tpu.memory_space<vmem>>, vector<16xi32>,
    tpu.vector_store %arg8[%swap3A_64], %add3A_63 {strides = array<i32>} : memref<9616xi32, #tpu.memory_space<vmem>>, vector<16xi32>,
    %get3A_66 = arith.constant 6528 : index
    %get3A_67 = tpu.vector_load %arg8[%get3A_66] {strides = array<i32>} : memref<9616xi32, #tpu.memory_space<vmem>>, vector<16xi32>,
    %add3A_68 = arith.constant 100000 : i32
    %add3A_69 = vector.broadcast %add3A_68 : i32 to vector<16xi32>
    %add3A_70 = arith.addi %get3A_67, %add3A_69 : vector<16xi32>
    %swap3A_71 = arith.constant 6528 : index
    %swap3A_72 = tpu.vector_load %arg8[%swap3A_71] {strides = array<i32>} : memref<9616xi32, #tpu.memory_space<vmem>>, vector<16xi32>,
    tpu.vector_store %arg8[%swap3A_71], %add3A_70 {strides = array<i32>} : memref<9616xi32, #tpu.memory_space<vmem>>, vector<16xi32>,
    %get3A_73 = arith.constant 6544 : index
    %get3A_74 = tpu.vector_load %arg8[%get3A_73] {strides = array<i32>} : memref<9616xi32, #tpu.memory_space<vmem>>, vector<16xi32>,
    %add3A_75 = arith.constant 100000 : i32
    %add3A_76 = vector.broadcast %add3A_75 : i32 to vector<16xi32>
    %add3A_77 = arith.addi %get3A_74, %add3A_76 : vector<16xi32>
    %swap3A_78 = arith.constant 6544 : index
    %swap3A_79 = tpu.vector_load %arg8[%swap3A_78] {strides = array<i32>} : memref<9616xi32, #tpu.memory_space<vmem>>, vector<16xi32>,
    tpu.vector_store %arg8[%swap3A_78], %add3A_77 {strides = array<i32>} : memref<9616xi32, #tpu.memory_space<vmem>>, vector<16xi32>,
    %get3A_80 = arith.constant 6560 : index
    %get3A_81 = tpu.vector_load %arg8[%get3A_80] {strides = array<i32>} : memref<9616xi32, #tpu.memory_space<vmem>>, vector<16xi32>,
    %add3A_82 = arith.constant 100000 : i32
    %add3A_83 = vector.broadcast %add3A_82 : i32 to vector<16xi32>
    %add3A_84 = arith.addi %get3A_81, %add3A_83 : vector<16xi32>
    %swap3A_85 = arith.constant 6560 : index
    %swap3A_86 = tpu.vector_load %arg8[%swap3A_85] {strides = array<i32>} : memref<9616xi32, #tpu.memory_space<vmem>>, vector<16xi32>,
    tpu.vector_store %arg8[%swap3A_85], %add3A_84 {strides = array<i32>} : memref<9616xi32, #tpu.memory_space<vmem>>, vector<16xi32>,
    %get3A_87 = arith.constant 6576 : index
    %get3A_88 = tpu.vector_load %arg8[%get3A_87] {strides = array<i32>} : memref<9616xi32, #tpu.memory_space<vmem>>, vector<16xi32>,
    %add3A_89 = arith.constant 100000 : i32
    %add3A_90 = vector.broadcast %add3A_89 : i32 to vector<16xi32>
    %add3A_91 = arith.addi %get3A_88, %add3A_90 : vector<16xi32>
    %swap3A_92 = arith.constant 6576 : index
    %swap3A_93 = tpu.vector_load %arg8[%swap3A_92] {strides = array<i32>} : memref<9616xi32, #tpu.memory_space<vmem>>, vector<16xi32>,
    tpu.vector_store %arg8[%swap3A_92], %add3A_91 {strides = array<i32>} : memref<9616xi32, #tpu.memory_space<vmem>>, vector<16xi32>,
    %get3A_94 = arith.constant 6592 : index
    %get3A_95 = tpu.vector_load %arg8[%get3A_94] {strides = array<i32>} : memref<9616xi32, #tpu.memory_space<vmem>>, vector<16xi32>,
    %add3A_96 = arith.constant 100000 : i32
    %add3A_97 = vector.broadcast %add3A_96 : i32 to vector<16xi32>
    %add3A_98 = arith.addi %get3A_95, %add3A_97 : vector<16xi32>
    %swap3A_99 = arith.constant 6592 : index
    %swap3A_100 = tpu.vector_load %arg8[%swap3A_99] {strides = array<i32>} : memref<9616xi32, #tpu.memory_space<vmem>>, vector<16xi32>,
    tpu.vector_store %arg8[%swap3A_99], %add3A_98 {strides = array<i32>} : memref<9616xi32, #tpu.memory_space<vmem>>, vector<16xi32>,
    %get3A_101 = arith.constant 6608 : index
    %get3A_102 = tpu.vector_load %arg8[%get3A_101] {strides = array<i32>} : memref<9616xi32, #tpu.memory_space<vmem>>, vector<16xi32>,
    %add3A_103 = arith.constant 100000 : i32
    %add3A_104 = vector.broadcast %add3A_103 : i32 to vector<16xi32>
    %add3A_105 = arith.addi %get3A_102, %add3A_104 : vector<16xi32>
    %swap3A_106 = arith.constant 6608 : index
    %swap3A_107 = tpu.vector_load %arg8[%swap3A_106] {strides = array<i32>} : memref<9616xi32, #tpu.memory_space<vmem>>, vector<16xi32>,
    tpu.vector_store %arg8[%swap3A_106], %add3A_105 {strides = array<i32>} : memref<9616xi32, #tpu.memory_space<vmem>>, vector<16xi32>,
    %get3A_108 = arith.constant 6624 : index
    %get3A_109 = tpu.vector_load %arg8[%get3A_108] {strides = array<i32>} : memref<9616xi32, #tpu.memory_space<vmem>>, vector<16xi32>,
    %add3A_110 = arith.constant 100000 : i32
    %add3A_111 = vector.broadcast %add3A_110 : i32 to vector<16xi32>
    %add3A_112 = arith.addi %get3A_109, %add3A_111 : vector<16xi32>
    %swap3A_113 = arith.constant 6624 : index
    %swap3A_114 = tpu.vector_load %arg8[%swap3A_113] {strides = array<i32>} : memref<9616xi32, #tpu.memory_space<vmem>>, vector<16xi32>,
    tpu.vector_store %arg8[%swap3A_113], %add3A_112 {strides = array<i32>} : memref<9616xi32, #tpu.memory_space<vmem>>, vector<16xi32>,
    %get3A_115 = arith.constant 6640 : index
    %get3A_116 = tpu.vector_load %arg8[%get3A_115] {strides = array<i32>} : memref<9616xi32, #tpu.memory_space<vmem>>, vector<16xi32>,
    %add3A_117 = arith.constant 100000 : i32
    %add3A_118 = vector.broadcast %add3A_117 : i32 to vector<16xi32>
    %add3A_119 = arith.addi %get3A_116, %add3A_118 : vector<16xi32>
    %swap3A_120 = arith.constant 6640 : index
    %swap3A_121 = tpu.vector_load %arg8[%swap3A_120] {strides = array<i32>} : memref<9616xi32, #tpu.memory_space<vmem>>, vector<16xi32>,
    tpu.vector_store %arg8[%swap3A_120], %add3A_119 {strides = array<i32>} : memref<9616xi32, #tpu.memory_space<vmem>>, vector<16xi32>,
    %get3A_122 = arith.constant 6656 : index
    %get3A_123 = tpu.vector_load %arg8[%get3A_122] {strides = array<i32>} : memref<9616xi32, #tpu.memory_space<vmem>>, vector<16xi32>,
    %add3A_124 = arith.constant 100000 : i32
    %add3A_125 = vector.broadcast %add3A_124 : i32 to vector<16xi32>
    %add3A_126 = arith.addi %get3A_123, %add3A_125 : vector<16xi32>
    %swap3A_127 = arith.constant 6656 : index
    %swap3A_128 = tpu.vector_load %arg8[%swap3A_127] {strides = array<i32>} : memref<9616xi32, #tpu.memory_space<vmem>>, vector<16xi32>,
    tpu.vector_store %arg8[%swap3A_127], %add3A_126 {strides = array<i32>} : memref<9616xi32, #tpu.memory_space<vmem>>, vector<16xi32>,
    %get3A_129 = arith.constant 6672 : index
    %get3A_130 = tpu.vector_load %arg8[%get3A_129] {strides = array<i32>} : memref<9616xi32, #tpu.memory_space<vmem>>, vector<16xi32>,
    %add3A_131 = arith.constant 100000 : i32
    %add3A_132 = vector.broadcast %add3A_131 : i32 to vector<16xi32>
    %add3A_133 = arith.addi %get3A_130, %add3A_132 : vector<16xi32>
    %swap3A_134 = arith.constant 6672 : index
    %swap3A_135 = tpu.vector_load %arg8[%swap3A_134] {strides = array<i32>} : memref<9616xi32, #tpu.memory_space<vmem>>, vector<16xi32>,
    tpu.vector_store %arg8[%swap3A_134], %add3A_133 {strides = array<i32>} : memref<9616xi32, #tpu.memory_space<vmem>>, vector<16xi32>,
    %get3A_136 = arith.constant 6688 : index
    %get3A_137 = tpu.vector_load %arg8[%get3A_136] {strides = array<i32>} : memref<9616xi32, #tpu.memory_space<vmem>>, vector<16xi32>,
    %add3A_138 = arith.constant 100000 : i32
    %add3A_139 = vector.broadcast %add3A_138 : i32 to vector<16xi32>
    %add3A_140 = arith.addi %get3A_137, %add3A_139 : vector<16xi32>
    %swap3A_141 = arith.constant 6688 : index
    %swap3A_142 = tpu.vector_load %arg8[%swap3A_141] {strides = array<i32>} : memref<9616xi32, #tpu.memory_space<vmem>>, vector<16xi32>,
    tpu.vector_store %arg8[%swap3A_141], %add3A_140 {strides = array<i32>} : memref<9616xi32, #tpu.memory_space<vmem>>, vector<16xi32>,
    %get3A_143 = arith.constant 6704 : index
    %get3A_144 = tpu.vector_load %arg8[%get3A_143] {strides = array<i32>} : memref<9616xi32, #tpu.memory_space<vmem>>, vector<16xi32>,
    %add3A_145 = arith.constant 100000 : i32
    %add3A_146 = vector.broadcast %add3A_145 : i32 to vector<16xi32>
    %add3A_147 = arith.addi %get3A_144, %add3A_146 : vector<16xi32>
    %swap3A_148 = arith.constant 6704 : index
    %swap3A_149 = tpu.vector_load %arg8[%swap3A_148] {strides = array<i32>} : memref<9616xi32, #tpu.memory_space<vmem>>, vector<16xi32>,
    tpu.vector_store %arg8[%swap3A_148], %add3A_147 {strides = array<i32>} : memref<9616xi32, #tpu.memory_space<vmem>>, vector<16xi32>,
    %get3A_150 = arith.constant 6720 : index
    %get3A_151 = tpu.vector_load %arg8[%get3A_150] {strides = array<i32>} : memref<9616xi32, #tpu.memory_space<vmem>>, vector<16xi32>,
    %add3A_152 = arith.constant 100000 : i32
    %add3A_153 = vector.broadcast %add3A_152 : i32 to vector<16xi32>
    %add3A_154 = arith.addi %get3A_151, %add3A_153 : vector<16xi32>
    %swap3A_155 = arith.constant 6720 : index
    %swap3A_156 = tpu.vector_load %arg8[%swap3A_155] {strides = array<i32>} : memref<9616xi32, #tpu.memory_space<vmem>>, vector<16xi32>,
    tpu.vector_store %arg8[%swap3A_155], %add3A_154 {strides = array<i32>} : memref<9616xi32, #tpu.memory_space<vmem>>, vector<16xi32>,
    %get3A_157 = arith.constant 6736 : index
    %get3A_158 = tpu.vector_load %arg8[%get3A_157] {strides = array<i32>} : memref<9616xi32, #tpu.memory_space<vmem>>, vector<16xi32>,
    %add3A_159 = arith.constant 100000 : i32
    %add3A_160 = vector.broadcast %add3A_159 : i32 to vector<16xi32>
    %add3A_161 = arith.addi %get3A_158, %add3A_160 : vector<16xi32>
    %swap3A_162 = arith.constant 6736 : index
    %swap3A_163 = tpu.vector_load %arg8[%swap3A_162] {strides = array<i32>} : memref<9616xi32, #tpu.memory_space<vmem>>, vector<16xi32>,
    tpu.vector_store %arg8[%swap3A_162], %add3A_161 {strides = array<i32>} : memref<9616xi32, #tpu.memory_space<vmem>>, vector<16xi32>,
    %get3A_164 = arith.constant 6752 : index
    %get3A_165 = tpu.vector_load %arg8[%get3A_164] {strides = array<i32>} : memref<9616xi32, #tpu.memory_space<vmem>>, vector<16xi32>,
    %add3A_166 = arith.constant 100000 : i32
    %add3A_167 = vector.broadcast %add3A_166 : i32 to vector<16xi32>
    %add3A_168 = arith.addi %get3A_165, %add3A_167 : vector<16xi32>
    %swap3A_169 = arith.constant 6752 : index
    %swap3A_170 = tpu.vector_load %arg8[%swap3A_169] {strides = array<i32>} : memref<9616xi32, #tpu.memory_space<vmem>>, vector<16xi32>,
    tpu.vector_store %arg8[%swap3A_169], %add3A_168 {strides = array<i32>} : memref<9616xi32, #tpu.memory_space<vmem>>, vector<16xi32>,
    %get3A_171 = arith.constant 6768 : index
    %get3A_172 = tpu.vector_load %arg8[%get3A_171] {strides = array<i32>} : memref<9616xi32, #tpu.memory_space<vmem>>, vector<16xi32>,
    %add3A_173 = arith.constant 100000 : i32
    %add3A_174 = vector.broadcast %add3A_173 : i32 to vector<16xi32>
    %add3A_175 = arith.addi %get3A_172, %add3A_174 : vector<16xi32>
    %swap3A_176 = arith.constant 6768 : index
    %swap3A_177 = tpu.vector_load %arg8[%swap3A_176] {strides = array<i32>} : memref<9616xi32, #tpu.memory_space<vmem>>, vector<16xi32>,
    tpu.vector_store %arg8[%swap3A_176], %add3A_175 {strides = array<i32>} : memref<9616xi32, #tpu.memory_space<vmem>>, vector<16xi32>,
    %get3A_178 = arith.constant 6784 : index
    %get3A_179 = tpu.vector_load %arg8[%get3A_178] {strides = array<i32>} : memref<9616xi32, #tpu.memory_space<vmem>>, vector<16xi32>,
    %add3A_180 = arith.constant 100000 : i32
    %add3A_181 = vector.broadcast %add3A_180 : i32 to vector<16xi32>
    %add3A_182 = arith.addi %get3A_179, %add3A_181 : vector<16xi32>
    %swap3A_183 = arith.constant 6784 : index
    %swap3A_184 = tpu.vector_load %arg8[%swap3A_183] {strides = array<i32>} : memref<9616xi32, #tpu.memory_space<vmem>>, vector<16xi32>,
    tpu.vector_store %arg8[%swap3A_183], %add3A_182 {strides = array<i32>} : memref<9616xi32, #tpu.memory_space<vmem>>, vector<16xi32>,
    %get3A_185 = arith.constant 6800 : index
    %get3A_186 = tpu.vector_load %arg8[%get3A_185] {strides = array<i32>} : memref<9616xi32, #tpu.memory_space<vmem>>, vector<16xi32>,
    %add3A_187 = arith.constant 100000 : i32
    %add3A_188 = vector.broadcast %add3A_187 : i32 to vector<16xi32>
    %add3A_189 = arith.addi %get3A_186, %add3A_188 : vector<16xi32>
    %swap3A_190 = arith.constant 6800 : index
    %swap3A_191 = tpu.vector_load %arg8[%swap3A_190] {strides = array<i32>} : memref<9616xi32, #tpu.memory_space<vmem>>, vector<16xi32>,
    tpu.vector_store %arg8[%swap3A_190], %add3A_189 {strides = array<i32>} : memref<9616xi32, #tpu.memory_space<vmem>>, vector<16xi32>,
    %get3A_192 = arith.constant 6816 : index
    %get3A_193 = tpu.vector_load %arg8[%get3A_192] {strides = array<i32>} : memref<9616xi32, #tpu.memory_space<vmem>>, vector<16xi32>,
    %add3A_194 = arith.constant 100000 : i32
    %add3A_195 = vector.broadcast %add3A_194 : i32 to vector<16xi32>
    %add3A_196 = arith.addi %get3A_193, %add3A_195 : vector<16xi32>
    %swap3A_197 = arith.constant 6816 : index
    %swap3A_198 = tpu.vector_load %arg8[%swap3A_197] {strides = array<i32>} : memref<9616xi32, #tpu.memory_space<vmem>>, vector<16xi32>,
    tpu.vector_store %arg8[%swap3A_197], %add3A_196 {strides = array<i32>} : memref<9616xi32, #tpu.memory_space<vmem>>, vector<16xi32>,
    %get3A_199 = arith.constant 6832 : index
    %get3A_200 = tpu.vector_load %arg8[%get3A_199] {strides = array<i32>} : memref<9616xi32, #tpu.memory_space<vmem>>, vector<16xi32>,
    %add3A_201 = arith.constant 100000 : i32
    %add3A_202 = vector.broadcast %add3A_201 : i32 to vector<16xi32>
    %add3A_203 = arith.addi %get3A_200, %add3A_202 : vector<16xi32>
    %swap3A_204 = arith.constant 6832 : index
    %swap3A_205 = tpu.vector_load %arg8[%swap3A_204] {strides = array<i32>} : memref<9616xi32, #tpu.memory_space<vmem>>, vector<16xi32>,
    tpu.vector_store %arg8[%swap3A_204], %add3A_203 {strides = array<i32>} : memref<9616xi32, #tpu.memory_space<vmem>>, vector<16xi32>,
    %get3A_206 = arith.constant 6848 : index
    %get3A_207 = tpu.vector_load %arg8[%get3A_206] {strides = array<i32>} : memref<9616xi32, #tpu.memory_space<vmem>>, vector<16xi32>,
    %add3A_208 = arith.constant 100000 : i32
    %add3A_209 = vector.broadcast %add3A_208 : i32 to vector<16xi32>
    %add3A_210 = arith.addi %get3A_207, %add3A_209 : vector<16xi32>
    %swap3A_211 = arith.constant 6848 : index
    %swap3A_212 = tpu.vector_load %arg8[%swap3A_211] {strides = array<i32>} : memref<9616xi32, #tpu.memory_space<vmem>>, vector<16xi32>,
    tpu.vector_store %arg8[%swap3A_211], %add3A_210 {strides = array<i32>} : memref<9616xi32, #tpu.memory_space<vmem>>, vector<16xi32>,
    %get3A_213 = arith.constant 6864 : index
    %get3A_214 = tpu.vector_load %arg8[%get3A_213] {strides = array<i32>} : memref<9616xi32, #tpu.memory_space<vmem>>, vector<16xi32>,
    %add3A_215 = arith.constant 100000 : i32
    %add3A_216 = vector.broadcast %add3A_215 : i32 to vector<16xi32>
    %add3A_217 = arith.addi %get3A_214, %add3A_216 : vector<16xi32>
    %swap3A_218 = arith.constant 6864 : index
    %swap3A_219 = tpu.vector_load %arg8[%swap3A_218] {strides = array<i32>} : memref<9616xi32, #tpu.memory_space<vmem>>, vector<16xi32>,
    tpu.vector_store %arg8[%swap3A_218], %add3A_217 {strides = array<i32>} : memref<9616xi32, #tpu.memory_space<vmem>>, vector<16xi32>,
    %get3A_220 = arith.constant 6880 : index
    %get3A_221 = tpu.vector_load %arg8[%get3A_220] {strides = array<i32>} : memref<9616xi32, #tpu.memory_space<vmem>>, vector<16xi32>,
    %add3A_222 = arith.constant 100000 : i32
    %add3A_223 = vector.broadcast %add3A_222 : i32 to vector<16xi32>
    %add3A_224 = arith.addi %get3A_221, %add3A_223 : vector<16xi32>
    %swap3A_225 = arith.constant 6880 : index
    %swap3A_226 = tpu.vector_load %arg8[%swap3A_225] {strides = array<i32>} : memref<9616xi32, #tpu.memory_space<vmem>>, vector<16xi32>,
    tpu.vector_store %arg8[%swap3A_225], %add3A_224 {strides = array<i32>} : memref<9616xi32, #tpu.memory_space<vmem>>, vector<16xi32>,
    %get3A_227 = arith.constant 6896 : index
    %get3A_228 = tpu.vector_load %arg8[%get3A_227] {strides = array<i32>} : memref<9616xi32, #tpu.memory_space<vmem>>, vector<16xi32>,
    %add3A_229 = arith.constant 100000 : i32
    %add3A_230 = vector.broadcast %add3A_229 : i32 to vector<16xi32>
    %add3A_231 = arith.addi %get3A_228, %add3A_230 : vector<16xi32>
    %swap3A_232 = arith.constant 6896 : index
    %swap3A_233 = tpu.vector_load %arg8[%swap3A_232] {strides = array<i32>} : memref<9616xi32, #tpu.memory_space<vmem>>, vector<16xi32>,
    tpu.vector_store %arg8[%swap3A_232], %add3A_231 {strides = array<i32>} : memref<9616xi32, #tpu.memory_space<vmem>>, vector<16xi32>,
    %get3A_234 = arith.constant 6912 : index
    %get3A_235 = tpu.vector_load %arg8[%get3A_234] {strides = array<i32>} : memref<9616xi32, #tpu.memory_space<vmem>>, vector<16xi32>,
    %add3A_236 = arith.constant 100000 : i32
    %add3A_237 = vector.broadcast %add3A_236 : i32 to vector<16xi32>
    %add3A_238 = arith.addi %get3A_235, %add3A_237 : vector<16xi32>
    %swap3A_239 = arith.constant 6912 : index
    %swap3A_240 = tpu.vector_load %arg8[%swap3A_239] {strides = array<i32>} : memref<9616xi32, #tpu.memory_space<vmem>>, vector<16xi32>,
    tpu.vector_store %arg8[%swap3A_239], %add3A_238 {strides = array<i32>} : memref<9616xi32, #tpu.memory_space<vmem>>, vector<16xi32>,
    %get3A_241 = arith.constant 6928 : index
    %get3A_242 = tpu.vector_load %arg8[%get3A_241] {strides = array<i32>} : memref<9616xi32, #tpu.memory_space<vmem>>, vector<16xi32>,
    %add3A_243 = arith.constant 100000 : i32
    %add3A_244 = vector.broadcast %add3A_243 : i32 to vector<16xi32>
    %add3A_245 = arith.addi %get3A_242, %add3A_244 : vector<16xi32>
    %swap3A_246 = arith.constant 6928 : index
    %swap3A_247 = tpu.vector_load %arg8[%swap3A_246] {strides = array<i32>} : memref<9616xi32, #tpu.memory_space<vmem>>, vector<16xi32>,
    tpu.vector_store %arg8[%swap3A_246], %add3A_245 {strides = array<i32>} : memref<9616xi32, #tpu.memory_space<vmem>>, vector<16xi32>,
    %get3A_248 = arith.constant 6944 : index
    %get3A_249 = tpu.vector_load %arg8[%get3A_248] {strides = array<i32>} : memref<9616xi32, #tpu.memory_space<vmem>>, vector<16xi32>,
    %add3A_250 = arith.constant 100000 : i32
    %add3A_251 = vector.broadcast %add3A_250 : i32 to vector<16xi32>
    %add3A_252 = arith.addi %get3A_249, %add3A_251 : vector<16xi32>
    %swap3A_253 = arith.constant 6944 : index
    %swap3A_254 = tpu.vector_load %arg8[%swap3A_253] {strides = array<i32>} : memref<9616xi32, #tpu.memory_space<vmem>>, vector<16xi32>,
    tpu.vector_store %arg8[%swap3A_253], %add3A_252 {strides = array<i32>} : memref<9616xi32, #tpu.memory_space<vmem>>, vector<16xi32>,
    %get3A_255 = arith.constant 6960 : index
    %get3A_256 = tpu.vector_load %arg8[%get3A_255] {strides = array<i32>} : memref<9616xi32, #tpu.memory_space<vmem>>, vector<16xi32>,
    %add3A_257 = arith.constant 100000 : i32
    %add3A_258 = vector.broadcast %add3A_257 : i32 to vector<16xi32>
    %add3A_259 = arith.addi %get3A_256, %add3A_258 : vector<16xi32>
    %swap3A_260 = arith.constant 6960 : index
    %swap3A_261 = tpu.vector_load %arg8[%swap3A_260] {strides = array<i32>} : memref<9616xi32, #tpu.memory_space<vmem>>, vector<16xi32>,
    tpu.vector_store %arg8[%swap3A_260], %add3A_259 {strides = array<i32>} : memref<9616xi32, #tpu.memory_space<vmem>>, vector<16xi32>,
    %get3A_262 = arith.constant 6976 : index
    %get3A_263 = tpu.vector_load %arg8[%get3A_262] {strides = array<i32>} : memref<9616xi32, #tpu.memory_space<vmem>>, vector<16xi32>,
    %add3A_264 = arith.constant 100000 : i32
    %add3A_265 = vector.broadcast %add3A_264 : i32 to vector<16xi32>
    %add3A_266 = arith.addi %get3A_263, %add3A_265 : vector<16xi32>
    %swap3A_267 = arith.constant 6976 : index
    %swap3A_268 = tpu.vector_load %arg8[%swap3A_267] {strides = array<i32>} : memref<9616xi32, #tpu.memory_space<vmem>>, vector<16xi32>,
    tpu.vector_store %arg8[%swap3A_267], %add3A_266 {strides = array<i32>} : memref<9616xi32, #tpu.memory_space<vmem>>, vector<16xi32>,
    %get3A_269 = arith.constant 6992 : index
    %get3A_270 = tpu.vector_load %arg8[%get3A_269] {strides = array<i32>} : memref<9616xi32, #tpu.memory_space<vmem>>, vector<16xi32>,
    %add3A_271 = arith.constant 100000 : i32
    %add3A_272 = vector.broadcast %add3A_271 : i32 to vector<16xi32>
    %add3A_273 = arith.addi %get3A_270, %add3A_272 : vector<16xi32>
    %swap3A_274 = arith.constant 6992 : index
    %swap3A_275 = tpu.vector_load %arg8[%swap3A_274] {strides = array<i32>} : memref<9616xi32, #tpu.memory_space<vmem>>, vector<16xi32>,
    tpu.vector_store %arg8[%swap3A_274], %add3A_273 {strides = array<i32>} : memref<9616xi32, #tpu.memory_space<vmem>>, vector<16xi32>,
    %get3A_276 = arith.constant 7008 : index
    %get3A_277 = tpu.vector_load %arg8[%get3A_276] {strides = array<i32>} : memref<9616xi32, #tpu.memory_space<vmem>>, vector<16xi32>,
    %add3A_278 = arith.constant 100000 : i32
    %add3A_279 = vector.broadcast %add3A_278 : i32 to vector<16xi32>
    %add3A_280 = arith.addi %get3A_277, %add3A_279 : vector<16xi32>
    %swap3A_281 = arith.constant 7008 : index
    %swap3A_282 = tpu.vector_load %arg8[%swap3A_281] {strides = array<i32>} : memref<9616xi32, #tpu.memory_space<vmem>>, vector<16xi32>,
    tpu.vector_store %arg8[%swap3A_281], %add3A_280 {strides = array<i32>} : memref<9616xi32, #tpu.memory_space<vmem>>, vector<16xi32>,
    %get3A_283 = arith.constant 7024 : index
    %get3A_284 = tpu.vector_load %arg8[%get3A_283] {strides = array<i32>} : memref<9616xi32, #tpu.memory_space<vmem>>, vector<16xi32>,
    %add3A_285 = arith.constant 100000 : i32
    %add3A_286 = vector.broadcast %add3A_285 : i32 to vector<16xi32>
    %add3A_287 = arith.addi %get3A_284, %add3A_286 : vector<16xi32>
    %swap3A_288 = arith.constant 7024 : index
    %swap3A_289 = tpu.vector_load %arg8[%swap3A_288] {strides = array<i32>} : memref<9616xi32, #tpu.memory_space<vmem>>, vector<16xi32>,
    tpu.vector_store %arg8[%swap3A_288], %add3A_287 {strides = array<i32>} : memref<9616xi32, #tpu.memory_space<vmem>>, vector<16xi32>,
    %get3A_290 = arith.constant 7040 : index
    %get3A_291 = tpu.vector_load %arg8[%get3A_290] {strides = array<i32>} : memref<9616xi32, #tpu.memory_space<vmem>>, vector<16xi32>,
    %add3A_292 = arith.constant 100000 : i32
    %add3A_293 = vector.broadcast %add3A_292 : i32 to vector<16xi32>
    %add3A_294 = arith.addi %get3A_291, %add3A_293 : vector<16xi32>
    %swap3A_295 = arith.constant 7040 : index
    %swap3A_296 = tpu.vector_load %arg8[%swap3A_295] {strides = array<i32>} : memref<9616xi32, #tpu.memory_space<vmem>>, vector<16xi32>,
    tpu.vector_store %arg8[%swap3A_295], %add3A_294 {strides = array<i32>} : memref<9616xi32, #tpu.memory_space<vmem>>, vector<16xi32>,
    %get3A_297 = arith.constant 7056 : index
    %get3A_298 = tpu.vector_load %arg8[%get3A_297] {strides = array<i32>} : memref<9616xi32, #tpu.memory_space<vmem>>, vector<16xi32>,
    %add3A_299 = arith.constant 100000 : i32
    %add3A_300 = vector.broadcast %add3A_299 : i32 to vector<16xi32>
    %add3A_301 = arith.addi %get3A_298, %add3A_300 : vector<16xi32>
    %swap3A_302 = arith.constant 7056 : index
    %swap3A_303 = tpu.vector_load %arg8[%swap3A_302] {strides = array<i32>} : memref<9616xi32, #tpu.memory_space<vmem>>, vector<16xi32>,
    tpu.vector_store %arg8[%swap3A_302], %add3A_301 {strides = array<i32>} : memref<9616xi32, #tpu.memory_space<vmem>>, vector<16xi32>,
    %get3A_304 = arith.constant 7072 : index
    %get3A_305 = tpu.vector_load %arg8[%get3A_304] {strides = array<i32>} : memref<9616xi32, #tpu.memory_space<vmem>>, vector<16xi32>,
    %add3A_306 = arith.constant 100000 : i32
    %add3A_307 = vector.broadcast %add3A_306 : i32 to vector<16xi32>
    %add3A_308 = arith.addi %get3A_305, %add3A_307 : vector<16xi32>
    %swap3A_309 = arith.constant 7072 : index
    %swap3A_310 = tpu.vector_load %arg8[%swap3A_309] {strides = array<i32>} : memref<9616xi32, #tpu.memory_space<vmem>>, vector<16xi32>,
    tpu.vector_store %arg8[%swap3A_309], %add3A_308 {strides = array<i32>} : memref<9616xi32, #tpu.memory_space<vmem>>, vector<16xi32>,
    %get3A_311 = arith.constant 7088 : index
    %get3A_312 = tpu.vector_load %arg8[%get3A_311] {strides = array<i32>} : memref<9616xi32, #tpu.memory_space<vmem>>, vector<16xi32>,
    %add3A_313 = arith.constant 100000 : i32
    %add3A_314 = vector.broadcast %add3A_313 : i32 to vector<16xi32>
    %add3A_315 = arith.addi %get3A_312, %add3A_314 : vector<16xi32>
    %swap3A_316 = arith.constant 7088 : index
    %swap3A_317 = tpu.vector_load %arg8[%swap3A_316] {strides = array<i32>} : memref<9616xi32, #tpu.memory_space<vmem>>, vector<16xi32>,
    tpu.vector_store %arg8[%swap3A_316], %add3A_315 {strides = array<i32>} : memref<9616xi32, #tpu.memory_space<vmem>>, vector<16xi32>,
    %get3A_318 = arith.constant 7104 : index
    %get3A_319 = tpu.vector_load %arg8[%get3A_318] {strides = array<i32>} : memref<9616xi32, #tpu.memory_space<vmem>>, vector<16xi32>,
    %add3A_320 = arith.constant 100000 : i32
    %add3A_321 = vector.broadcast %add3A_320 : i32 to vector<16xi32>
    %add3A_322 = arith.addi %get3A_319, %add3A_321 : vector<16xi32>
    %swap3A_323 = arith.constant 7104 : index
    %swap3A_324 = tpu.vector_load %arg8[%swap3A_323] {strides = array<i32>} : memref<9616xi32, #tpu.memory_space<vmem>>, vector<16xi32>,
    tpu.vector_store %arg8[%swap3A_323], %add3A_322 {strides = array<i32>} : memref<9616xi32, #tpu.memory_space<vmem>>, vector<16xi32>,
    %get3A_325 = arith.constant 7120 : index
    %get3A_326 = tpu.vector_load %arg8[%get3A_325] {strides = array<i32>} : memref<9616xi32, #tpu.memory_space<vmem>>, vector<16xi32>,
    %add3A_327 = arith.constant 100000 : i32
    %add3A_328 = vector.broadcast %add3A_327 : i32 to vector<16xi32>
    %add3A_329 = arith.addi %get3A_326, %add3A_328 : vector<16xi32>
    %swap3A_330 = arith.constant 7120 : index
    %swap3A_331 = tpu.vector_load %arg8[%swap3A_330] {strides = array<i32>} : memref<9616xi32, #tpu.memory_space<vmem>>, vector<16xi32>,
    tpu.vector_store %arg8[%swap3A_330], %add3A_329 {strides = array<i32>} : memref<9616xi32, #tpu.memory_space<vmem>>, vector<16xi32>,
    %get3A_332 = arith.constant 7136 : index
    %get3A_333 = tpu.vector_load %arg8[%get3A_332] {strides = array<i32>} : memref<9616xi32, #tpu.memory_space<vmem>>, vector<16xi32>,
    %add3A_334 = arith.constant 100000 : i32
    %add3A_335 = vector.broadcast %add3A_334 : i32 to vector<16xi32>
    %add3A_336 = arith.addi %get3A_333, %add3A_335 : vector<16xi32>
    %swap3A_337 = arith.constant 7136 : index
    %swap3A_338 = tpu.vector_load %arg8[%swap3A_337] {strides = array<i32>} : memref<9616xi32, #tpu.memory_space<vmem>>, vector<16xi32>,
    tpu.vector_store %arg8[%swap3A_337], %add3A_336 {strides = array<i32>} : memref<9616xi32, #tpu.memory_space<vmem>>, vector<16xi32>,
    %get3A_339 = arith.constant 7152 : index
    %get3A_340 = tpu.vector_load %arg8[%get3A_339] {strides = array<i32>} : memref<9616xi32, #tpu.memory_space<vmem>>, vector<16xi32>,
    %add3A_341 = arith.constant 100000 : i32
    %add3A_342 = vector.broadcast %add3A_341 : i32 to vector<16xi32>
    %add3A_343 = arith.addi %get3A_340, %add3A_342 : vector<16xi32>
    %swap3A_344 = arith.constant 7152 : index
    %swap3A_345 = tpu.vector_load %arg8[%swap3A_344] {strides = array<i32>} : memref<9616xi32, #tpu.memory_space<vmem>>, vector<16xi32>,
    tpu.vector_store %arg8[%swap3A_344], %add3A_343 {strides = array<i32>} : memref<9616xi32, #tpu.memory_space<vmem>>, vector<16xi32>,
    %get3A_346 = arith.constant 7168 : index
    %get3A_347 = tpu.vector_load %arg8[%get3A_346] {strides = array<i32>} : memref<9616xi32, #tpu.memory_space<vmem>>, vector<16xi32>,
    %add3A_348 = arith.constant 100000 : i32
    %add3A_349 = vector.broadcast %add3A_348 : i32 to vector<16xi32>
    %add3A_350 = arith.addi %get3A_347, %add3A_349 : vector<16xi32>
    %swap3A_351 = arith.constant 7168 : index
    %swap3A_352 = tpu.vector_load %arg8[%swap3A_351] {strides = array<i32>} : memref<9616xi32, #tpu.memory_space<vmem>>, vector<16xi32>,
    tpu.vector_store %arg8[%swap3A_351], %add3A_350 {strides = array<i32>} : memref<9616xi32, #tpu.memory_space<vmem>>, vector<16xi32>,
    %get3A_353 = arith.constant 7184 : index
    %get3A_354 = tpu.vector_load %arg8[%get3A_353] {strides = array<i32>} : memref<9616xi32, #tpu.memory_space<vmem>>, vector<16xi32>,
    %add3A_355 = arith.constant 100000 : i32
    %add3A_356 = vector.broadcast %add3A_355 : i32 to vector<16xi32>
    %add3A_357 = arith.addi %get3A_354, %add3A_356 : vector<16xi32>
    %swap3A_358 = arith.constant 7184 : index
    %swap3A_359 = tpu.vector_load %arg8[%swap3A_358] {strides = array<i32>} : memref<9616xi32, #tpu.memory_space<vmem>>, vector<16xi32>,
    tpu.vector_store %arg8[%swap3A_358], %add3A_357 {strides = array<i32>} : memref<9616xi32, #tpu.memory_space<vmem>>, vector<16xi32>,
    %get3A_360 = arith.constant 7200 : index
    %get3A_361 = tpu.vector_load %arg8[%get3A_360] {strides = array<i32>} : memref<9616xi32, #tpu.memory_space<vmem>>, vector<16xi32>,
    %add3A_362 = arith.constant 100000 : i32
    %add3A_363 = vector.broadcast %add3A_362 : i32 to vector<16xi32>
    %add3A_364 = arith.addi %get3A_361, %add3A_363 : vector<16xi32>
    %swap3A_365 = arith.constant 7200 : index
    %swap3A_366 = tpu.vector_load %arg8[%swap3A_365] {strides = array<i32>} : memref<9616xi32, #tpu.memory_space<vmem>>, vector<16xi32>,
    tpu.vector_store %arg8[%swap3A_365], %add3A_364 {strides = array<i32>} : memref<9616xi32, #tpu.memory_space<vmem>>, vector<16xi32>,
    %get3A_367 = arith.constant 7216 : index
    %get3A_368 = tpu.vector_load %arg8[%get3A_367] {strides = array<i32>} : memref<9616xi32, #tpu.memory_space<vmem>>, vector<16xi32>,
    %add3A_369 = arith.constant 100000 : i32
    %add3A_370 = vector.broadcast %add3A_369 : i32 to vector<16xi32>
    %add3A_371 = arith.addi %get3A_368, %add3A_370 : vector<16xi32>
    %swap3A_372 = arith.constant 7216 : index
    %swap3A_373 = tpu.vector_load %arg8[%swap3A_372] {strides = array<i32>} : memref<9616xi32, #tpu.memory_space<vmem>>, vector<16xi32>,
    tpu.vector_store %arg8[%swap3A_372], %add3A_371 {strides = array<i32>} : memref<9616xi32, #tpu.memory_space<vmem>>, vector<16xi32>,
    %get3A_374 = arith.constant 7232 : index
    %get3A_375 = tpu.vector_load %arg8[%get3A_374] {strides = array<i32>} : memref<9616xi32, #tpu.memory_space<vmem>>, vector<16xi32>,
    %add3A_376 = arith.constant 100000 : i32
    %add3A_377 = vector.broadcast %add3A_376 : i32 to vector<16xi32>
    %add3A_378 = arith.addi %get3A_375, %add3A_377 : vector<16xi32>
    %swap3A_379 = arith.constant 7232 : index
    %swap3A_380 = tpu.vector_load %arg8[%swap3A_379] {strides = array<i32>} : memref<9616xi32, #tpu.memory_space<vmem>>, vector<16xi32>,
    tpu.vector_store %arg8[%swap3A_379], %add3A_378 {strides = array<i32>} : memref<9616xi32, #tpu.memory_space<vmem>>, vector<16xi32>,
    %get3A_381 = arith.constant 7248 : index
    %get3A_382 = tpu.vector_load %arg8[%get3A_381] {strides = array<i32>} : memref<9616xi32, #tpu.memory_space<vmem>>, vector<16xi32>,
    %add3A_383 = arith.constant 100000 : i32
    %add3A_384 = vector.broadcast %add3A_383 : i32 to vector<16xi32>
    %add3A_385 = arith.addi %get3A_382, %add3A_384 : vector<16xi32>
    %swap3A_386 = arith.constant 7248 : index
    %swap3A_387 = tpu.vector_load %arg8[%swap3A_386] {strides = array<i32>} : memref<9616xi32, #tpu.memory_space<vmem>>, vector<16xi32>,
    tpu.vector_store %arg8[%swap3A_386], %add3A_385 {strides = array<i32>} : memref<9616xi32, #tpu.memory_space<vmem>>, vector<16xi32>,
    %get3A_388 = arith.constant 7264 : index
    %get3A_389 = tpu.vector_load %arg8[%get3A_388] {strides = array<i32>} : memref<9616xi32, #tpu.memory_space<vmem>>, vector<16xi32>,
    %add3A_390 = arith.constant 100000 : i32
    %add3A_391 = vector.broadcast %add3A_390 : i32 to vector<16xi32>
    %add3A_392 = arith.addi %get3A_389, %add3A_391 : vector<16xi32>
    %swap3A_393 = arith.constant 7264 : index
    %swap3A_394 = tpu.vector_load %arg8[%swap3A_393] {strides = array<i32>} : memref<9616xi32, #tpu.memory_space<vmem>>, vector<16xi32>,
    tpu.vector_store %arg8[%swap3A_393], %add3A_392 {strides = array<i32>} : memref<9616xi32, #tpu.memory_space<vmem>>, vector<16xi32>,
    %get3A_395 = arith.constant 7280 : index
    %get3A_396 = tpu.vector_load %arg8[%get3A_395] {strides = array<i32>} : memref<9616xi32, #tpu.memory_space<vmem>>, vector<16xi32>,
    %add3A_397 = arith.constant 100000 : i32
    %add3A_398 = vector.broadcast %add3A_397 : i32 to vector<16xi32>
    %add3A_399 = arith.addi %get3A_396, %add3A_398 : vector<16xi32>
    %swap3A_400 = arith.constant 7280 : index
    %swap3A_401 = tpu.vector_load %arg8[%swap3A_400] {strides = array<i32>} : memref<9616xi32, #tpu.memory_space<vmem>>, vector<16xi32>,
    tpu.vector_store %arg8[%swap3A_400], %add3A_399 {strides = array<i32>} : memref<9616xi32, #tpu.memory_space<vmem>>, vector<16xi32>,
    %get3A_402 = arith.constant 7296 : index
    %get3A_403 = tpu.vector_load %arg8[%get3A_402] {strides = array<i32>} : memref<9616xi32, #tpu.memory_space<vmem>>, vector<16xi32>,
    %add3A_404 = arith.constant 100000 : i32
    %add3A_405 = vector.broadcast %add3A_404 : i32 to vector<16xi32>
    %add3A_406 = arith.addi %get3A_403, %add3A_405 : vector<16xi32>
    %swap3A_407 = arith.constant 7296 : index
    %swap3A_408 = tpu.vector_load %arg8[%swap3A_407] {strides = array<i32>} : memref<9616xi32, #tpu.memory_space<vmem>>, vector<16xi32>,
    tpu.vector_store %arg8[%swap3A_407], %add3A_406 {strides = array<i32>} : memref<9616xi32, #tpu.memory_space<vmem>>, vector<16xi32>,
    %get3A_409 = arith.constant 7312 : index
    %get3A_410 = tpu.vector_load %arg8[%get3A_409] {strides = array<i32>} : memref<9616xi32, #tpu.memory_space<vmem>>, vector<16xi32>,
    %add3A_411 = arith.constant 100000 : i32
    %add3A_412 = vector.broadcast %add3A_411 : i32 to vector<16xi32>
    %add3A_413 = arith.addi %get3A_410, %add3A_412 : vector<16xi32>
    %swap3A_414 = arith.constant 7312 : index
    %swap3A_415 = tpu.vector_load %arg8[%swap3A_414] {strides = array<i32>} : memref<9616xi32, #tpu.memory_space<vmem>>, vector<16xi32>,
    tpu.vector_store %arg8[%swap3A_414], %add3A_413 {strides = array<i32>} : memref<9616xi32, #tpu.memory_space<vmem>>, vector<16xi32>,
    %get3A_416 = arith.constant 7328 : index
    %get3A_417 = tpu.vector_load %arg8[%get3A_416] {strides = array<i32>} : memref<9616xi32, #tpu.memory_space<vmem>>, vector<16xi32>,
    %add3A_418 = arith.constant 100000 : i32
    %add3A_419 = vector.broadcast %add3A_418 : i32 to vector<16xi32>
    %add3A_420 = arith.addi %get3A_417, %add3A_419 : vector<16xi32>
    %swap3A_421 = arith.constant 7328 : index
    %swap3A_422 = tpu.vector_load %arg8[%swap3A_421] {strides = array<i32>} : memref<9616xi32, #tpu.memory_space<vmem>>, vector<16xi32>,
    tpu.vector_store %arg8[%swap3A_421], %add3A_420 {strides = array<i32>} : memref<9616xi32, #tpu.memory_space<vmem>>, vector<16xi32>,
    %get3A_423 = arith.constant 7344 : index
    %get3A_424 = tpu.vector_load %arg8[%get3A_423] {strides = array<i32>} : memref<9616xi32, #tpu.memory_space<vmem>>, vector<16xi32>,
    %add3A_425 = arith.constant 100000 : i32
    %add3A_426 = vector.broadcast %add3A_425 : i32 to vector<16xi32>
    %add3A_427 = arith.addi %get3A_424, %add3A_426 : vector<16xi32>
    %swap3A_428 = arith.constant 7344 : index
    %swap3A_429 = tpu.vector_load %arg8[%swap3A_428] {strides = array<i32>} : memref<9616xi32, #tpu.memory_space<vmem>>, vector<16xi32>,
    tpu.vector_store %arg8[%swap3A_428], %add3A_427 {strides = array<i32>} : memref<9616xi32, #tpu.memory_space<vmem>>, vector<16xi32>,
    %get3A_430 = arith.constant 7360 : index
    %get3A_431 = tpu.vector_load %arg8[%get3A_430] {strides = array<i32>} : memref<9616xi32, #tpu.memory_space<vmem>>, vector<16xi32>,
    %add3A_432 = arith.constant 100000 : i32
    %add3A_433 = vector.broadcast %add3A_432 : i32 to vector<16xi32>
    %add3A_434 = arith.addi %get3A_431, %add3A_433 : vector<16xi32>
    %swap3A_435 = arith.constant 7360 : index
    %swap3A_436 = tpu.vector_load %arg8[%swap3A_435] {strides = array<i32>} : memref<9616xi32, #tpu.memory_space<vmem>>, vector<16xi32>,
    tpu.vector_store %arg8[%swap3A_435], %add3A_434 {strides = array<i32>} : memref<9616xi32, #tpu.memory_space<vmem>>, vector<16xi32>,
    %get3A_437 = arith.constant 7376 : index
    %get3A_438 = tpu.vector_load %arg8[%get3A_437] {strides = array<i32>} : memref<9616xi32, #tpu.memory_space<vmem>>, vector<16xi32>,
    %add3A_439 = arith.constant 100000 : i32
    %add3A_440 = vector.broadcast %add3A_439 : i32 to vector<16xi32>
    %add3A_441 = arith.addi %get3A_438, %add3A_440 : vector<16xi32>
    %swap3A_442 = arith.constant 7376 : index
    %swap3A_443 = tpu.vector_load %arg8[%swap3A_442] {strides = array<i32>} : memref<9616xi32, #tpu.memory_space<vmem>>, vector<16xi32>,
    tpu.vector_store %arg8[%swap3A_442], %add3A_441 {strides = array<i32>} : memref<9616xi32, #tpu.memory_space<vmem>>, vector<16xi32>,
    %get3A_444 = arith.constant 7392 : index
    %get3A_445 = tpu.vector_load %arg8[%get3A_444] {strides = array<i32>} : memref<9616xi32, #tpu.memory_space<vmem>>, vector<16xi32>,
    %add3A_446 = arith.constant 100000 : i32
    %add3A_447 = vector.broadcast %add3A_446 : i32 to vector<16xi32>
    %add3A_448 = arith.addi %get3A_445, %add3A_447 : vector<16xi32>
    %swap3A_449 = arith.constant 7392 : index
    %swap3A_450 = tpu.vector_load %arg8[%swap3A_449] {strides = array<i32>} : memref<9616xi32, #tpu.memory_space<vmem>>, vector<16xi32>,
    tpu.vector_store %arg8[%swap3A_449], %add3A_448 {strides = array<i32>} : memref<9616xi32, #tpu.memory_space<vmem>>, vector<16xi32>,
    %get3A_451 = arith.constant 7408 : index
    %get3A_452 = tpu.vector_load %arg8[%get3A_451] {strides = array<i32>} : memref<9616xi32, #tpu.memory_space<vmem>>, vector<16xi32>,
    %add3A_453 = arith.constant 100000 : i32
    %add3A_454 = vector.broadcast %add3A_453 : i32 to vector<16xi32>
    %add3A_455 = arith.addi %get3A_452, %add3A_454 : vector<16xi32>
    %swap3A_456 = arith.constant 7408 : index
    %swap3A_457 = tpu.vector_load %arg8[%swap3A_456] {strides = array<i32>} : memref<9616xi32, #tpu.memory_space<vmem>>, vector<16xi32>,
    tpu.vector_store %arg8[%swap3A_456], %add3A_455 {strides = array<i32>} : memref<9616xi32, #tpu.memory_space<vmem>>, vector<16xi32>,
    %get3A_458 = arith.constant 7424 : index
    %get3A_459 = tpu.vector_load %arg8[%get3A_458] {strides = array<i32>} : memref<9616xi32, #tpu.memory_space<vmem>>, vector<16xi32>,
    %add3A_460 = arith.constant 100000 : i32
    %add3A_461 = vector.broadcast %add3A_460 : i32 to vector<16xi32>
    %add3A_462 = arith.addi %get3A_459, %add3A_461 : vector<16xi32>
    %swap3A_463 = arith.constant 7424 : index
    %swap3A_464 = tpu.vector_load %arg8[%swap3A_463] {strides = array<i32>} : memref<9616xi32, #tpu.memory_space<vmem>>, vector<16xi32>,
    tpu.vector_store %arg8[%swap3A_463], %add3A_462 {strides = array<i32>} : memref<9616xi32, #tpu.memory_space<vmem>>, vector<16xi32>,
    %get3A_465 = arith.constant 7440 : index
    %get3A_466 = tpu.vector_load %arg8[%get3A_465] {strides = array<i32>} : memref<9616xi32, #tpu.memory_space<vmem>>, vector<16xi32>,
    %add3A_467 = arith.constant 100000 : i32
    %add3A_468 = vector.broadcast %add3A_467 : i32 to vector<16xi32>
    %add3A_469 = arith.addi %get3A_466, %add3A_468 : vector<16xi32>
    %swap3A_470 = arith.constant 7440 : index
    %swap3A_471 = tpu.vector_load %arg8[%swap3A_470] {strides = array<i32>} : memref<9616xi32, #tpu.memory_space<vmem>>, vector<16xi32>,
    tpu.vector_store %arg8[%swap3A_470], %add3A_469 {strides = array<i32>} : memref<9616xi32, #tpu.memory_space<vmem>>, vector<16xi32>,
    %get3A_472 = arith.constant 7456 : index
    %get3A_473 = tpu.vector_load %arg8[%get3A_472] {strides = array<i32>} : memref<9616xi32, #tpu.memory_space<vmem>>, vector<16xi32>,
    %add3A_474 = arith.constant 100000 : i32
    %add3A_475 = vector.broadcast %add3A_474 : i32 to vector<16xi32>
    %add3A_476 = arith.addi %get3A_473, %add3A_475 : vector<16xi32>
    %swap3A_477 = arith.constant 7456 : index
    %swap3A_478 = tpu.vector_load %arg8[%swap3A_477] {strides = array<i32>} : memref<9616xi32, #tpu.memory_space<vmem>>, vector<16xi32>,
    tpu.vector_store %arg8[%swap3A_477], %add3A_476 {strides = array<i32>} : memref<9616xi32, #tpu.memory_space<vmem>>, vector<16xi32>,
    %get3A_479 = arith.constant 7472 : index
    %get3A_480 = tpu.vector_load %arg8[%get3A_479] {strides = array<i32>} : memref<9616xi32, #tpu.memory_space<vmem>>, vector<16xi32>,
    %add3A_481 = arith.constant 100000 : i32
    %add3A_482 = vector.broadcast %add3A_481 : i32 to vector<16xi32>
    %add3A_483 = arith.addi %get3A_480, %add3A_482 : vector<16xi32>
    %swap3A_484 = arith.constant 7472 : index
    %swap3A_485 = tpu.vector_load %arg8[%swap3A_484] {strides = array<i32>} : memref<9616xi32, #tpu.memory_space<vmem>>, vector<16xi32>,
    tpu.vector_store %arg8[%swap3A_484], %add3A_483 {strides = array<i32>} : memref<9616xi32, #tpu.memory_space<vmem>>, vector<16xi32>,
    %get3A_486 = arith.constant 7488 : index
    %get3A_487 = tpu.vector_load %arg8[%get3A_486] {strides = array<i32>} : memref<9616xi32, #tpu.memory_space<vmem>>, vector<16xi32>,
    %add3A_488 = arith.constant 100000 : i32
    %add3A_489 = vector.broadcast %add3A_488 : i32 to vector<16xi32>
    %add3A_490 = arith.addi %get3A_487, %add3A_489 : vector<16xi32>
    %swap3A_491 = arith.constant 7488 : index
    %swap3A_492 = tpu.vector_load %arg8[%swap3A_491] {strides = array<i32>} : memref<9616xi32, #tpu.memory_space<vmem>>, vector<16xi32>,
    tpu.vector_store %arg8[%swap3A_491], %add3A_490 {strides = array<i32>} : memref<9616xi32, #tpu.memory_space<vmem>>, vector<16xi32>,
    %get3A_493 = arith.constant 7504 : index
    %get3A_494 = tpu.vector_load %arg8[%get3A_493] {strides = array<i32>} : memref<9616xi32, #tpu.memory_space<vmem>>, vector<16xi32>,
    %add3A_495 = arith.constant 100000 : i32
    %add3A_496 = vector.broadcast %add3A_495 : i32 to vector<16xi32>
    %add3A_497 = arith.addi %get3A_494, %add3A_496 : vector<16xi32>
    %swap3A_498 = arith.constant 7504 : index
    %swap3A_499 = tpu.vector_load %arg8[%swap3A_498] {strides = array<i32>} : memref<9616xi32, #tpu.memory_space<vmem>>, vector<16xi32>,
    tpu.vector_store %arg8[%swap3A_498], %add3A_497 {strides = array<i32>} : memref<9616xi32, #tpu.memory_space<vmem>>, vector<16xi32>,
    %get3A_500 = arith.constant 7520 : index
    %get3A_501 = tpu.vector_load %arg8[%get3A_500] {strides = array<i32>} : memref<9616xi32, #tpu.memory_space<vmem>>, vector<16xi32>,
    %add3A_502 = arith.constant 100000 : i32
    %add3A_503 = vector.broadcast %add3A_502 : i32 to vector<16xi32>
    %add3A_504 = arith.addi %get3A_501, %add3A_503 : vector<16xi32>
    %swap3A_505 = arith.constant 7520 : index
    %swap3A_506 = tpu.vector_load %arg8[%swap3A_505] {strides = array<i32>} : memref<9616xi32, #tpu.memory_space<vmem>>, vector<16xi32>,
    tpu.vector_store %arg8[%swap3A_505], %add3A_504 {strides = array<i32>} : memref<9616xi32, #tpu.memory_space<vmem>>, vector<16xi32>,
    %get3A_507 = arith.constant 7536 : index
    %get3A_508 = tpu.vector_load %arg8[%get3A_507] {strides = array<i32>} : memref<9616xi32, #tpu.memory_space<vmem>>, vector<16xi32>,
    %add3A_509 = arith.constant 100000 : i32
    %add3A_510 = vector.broadcast %add3A_509 : i32 to vector<16xi32>
    %add3A_511 = arith.addi %get3A_508, %add3A_510 : vector<16xi32>
    %swap3A_512 = arith.constant 7536 : index
    %swap3A_513 = tpu.vector_load %arg8[%swap3A_512] {strides = array<i32>} : memref<9616xi32, #tpu.memory_space<vmem>>, vector<16xi32>,
    tpu.vector_store %arg8[%swap3A_512], %add3A_511 {strides = array<i32>} : memref<9616xi32, #tpu.memory_space<vmem>>, vector<16xi32>,
    %get3A_514 = arith.constant 7552 : index
    %get3A_515 = tpu.vector_load %arg8[%get3A_514] {strides = array<i32>} : memref<9616xi32, #tpu.memory_space<vmem>>, vector<16xi32>,
    %add3A_516 = arith.constant 100000 : i32
    %add3A_517 = vector.broadcast %add3A_516 : i32 to vector<16xi32>
    %add3A_518 = arith.addi %get3A_515, %add3A_517 : vector<16xi32>
    %swap3A_519 = arith.constant 7552 : index
    %swap3A_520 = tpu.vector_load %arg8[%swap3A_519] {strides = array<i32>} : memref<9616xi32, #tpu.memory_space<vmem>>, vector<16xi32>,
    tpu.vector_store %arg8[%swap3A_519], %add3A_518 {strides = array<i32>} : memref<9616xi32, #tpu.memory_space<vmem>>, vector<16xi32>,
    %get3A_521 = arith.constant 7568 : index
    %get3A_522 = tpu.vector_load %arg8[%get3A_521] {strides = array<i32>} : memref<9616xi32, #tpu.memory_space<vmem>>, vector<16xi32>,
    %add3A_523 = arith.constant 100000 : i32
    %add3A_524 = vector.broadcast %add3A_523 : i32 to vector<16xi32>
    %add3A_525 = arith.addi %get3A_522, %add3A_524 : vector<16xi32>
    %swap3A_526 = arith.constant 7568 : index
    %swap3A_527 = tpu.vector_load %arg8[%swap3A_526] {strides = array<i32>} : memref<9616xi32, #tpu.memory_space<vmem>>, vector<16xi32>,
    tpu.vector_store %arg8[%swap3A_526], %add3A_525 {strides = array<i32>} : memref<9616xi32, #tpu.memory_space<vmem>>, vector<16xi32>,
    %get3A_528 = arith.constant 7584 : index
    %get3A_529 = tpu.vector_load %arg8[%get3A_528] {strides = array<i32>} : memref<9616xi32, #tpu.memory_space<vmem>>, vector<16xi32>,
    %add3A_530 = arith.constant 100000 : i32
    %add3A_531 = vector.broadcast %add3A_530 : i32 to vector<16xi32>
    %add3A_532 = arith.addi %get3A_529, %add3A_531 : vector<16xi32>
    %swap3A_533 = arith.constant 7584 : index
    %swap3A_534 = tpu.vector_load %arg8[%swap3A_533] {strides = array<i32>} : memref<9616xi32, #tpu.memory_space<vmem>>, vector<16xi32>,
    tpu.vector_store %arg8[%swap3A_533], %add3A_532 {strides = array<i32>} : memref<9616xi32, #tpu.memory_space<vmem>>, vector<16xi32>,
    %get3A_535 = arith.constant 7600 : index
    %get3A_536 = tpu.vector_load %arg8[%get3A_535] {strides = array<i32>} : memref<9616xi32, #tpu.memory_space<vmem>>, vector<16xi32>,
    %add3A_537 = arith.constant 100000 : i32
    %add3A_538 = vector.broadcast %add3A_537 : i32 to vector<16xi32>
    %add3A_539 = arith.addi %get3A_536, %add3A_538 : vector<16xi32>
    %swap3A_540 = arith.constant 7600 : index
    %swap3A_541 = tpu.vector_load %arg8[%swap3A_540] {strides = array<i32>} : memref<9616xi32, #tpu.memory_space<vmem>>, vector<16xi32>,
    tpu.vector_store %arg8[%swap3A_540], %add3A_539 {strides = array<i32>} : memref<9616xi32, #tpu.memory_space<vmem>>, vector<16xi32>,
    %get3A_542 = arith.constant 7616 : index
    %get3A_543 = tpu.vector_load %arg8[%get3A_542] {strides = array<i32>} : memref<9616xi32, #tpu.memory_space<vmem>>, vector<16xi32>,
    %add3A_544 = arith.constant 100000 : i32
    %add3A_545 = vector.broadcast %add3A_544 : i32 to vector<16xi32>
    %add3A_546 = arith.addi %get3A_543, %add3A_545 : vector<16xi32>
    %swap3A_547 = arith.constant 7616 : index
    %swap3A_548 = tpu.vector_load %arg8[%swap3A_547] {strides = array<i32>} : memref<9616xi32, #tpu.memory_space<vmem>>, vector<16xi32>,
    tpu.vector_store %arg8[%swap3A_547], %add3A_546 {strides = array<i32>} : memref<9616xi32, #tpu.memory_space<vmem>>, vector<16xi32>,
    %get3A_549 = arith.constant 7632 : index
    %get3A_550 = tpu.vector_load %arg8[%get3A_549] {strides = array<i32>} : memref<9616xi32, #tpu.memory_space<vmem>>, vector<16xi32>,
    %add3A_551 = arith.constant 100000 : i32
    %add3A_552 = vector.broadcast %add3A_551 : i32 to vector<16xi32>
    %add3A_553 = arith.addi %get3A_550, %add3A_552 : vector<16xi32>
    %swap3A_554 = arith.constant 7632 : index
    %swap3A_555 = tpu.vector_load %arg8[%swap3A_554] {strides = array<i32>} : memref<9616xi32, #tpu.memory_space<vmem>>, vector<16xi32>,
    tpu.vector_store %arg8[%swap3A_554], %add3A_553 {strides = array<i32>} : memref<9616xi32, #tpu.memory_space<vmem>>, vector<16xi32>,
    %get3A_556 = arith.constant 7648 : index
    %get3A_557 = tpu.vector_load %arg8[%get3A_556] {strides = array<i32>} : memref<9616xi32, #tpu.memory_space<vmem>>, vector<16xi32>,
    %add3A_558 = arith.constant 100000 : i32
    %add3A_559 = vector.broadcast %add3A_558 : i32 to vector<16xi32>
    %add3A_560 = arith.addi %get3A_557, %add3A_559 : vector<16xi32>
    %swap3A_561 = arith.constant 7648 : index
    %swap3A_562 = tpu.vector_load %arg8[%swap3A_561] {strides = array<i32>} : memref<9616xi32, #tpu.memory_space<vmem>>, vector<16xi32>,
    tpu.vector_store %arg8[%swap3A_561], %add3A_560 {strides = array<i32>} : memref<9616xi32, #tpu.memory_space<vmem>>, vector<16xi32>,
    %get3A_563 = arith.constant 7664 : index
    %get3A_564 = tpu.vector_load %arg8[%get3A_563] {strides = array<i32>} : memref<9616xi32, #tpu.memory_space<vmem>>, vector<16xi32>,
    %add3A_565 = arith.constant 100000 : i32
    %add3A_566 = vector.broadcast %add3A_565 : i32 to vector<16xi32>
    %add3A_567 = arith.addi %get3A_564, %add3A_566 : vector<16xi32>
    %swap3A_568 = arith.constant 7664 : index
    %swap3A_569 = tpu.vector_load %arg8[%swap3A_568] {strides = array<i32>} : memref<9616xi32, #tpu.memory_space<vmem>>, vector<16xi32>,
    tpu.vector_store %arg8[%swap3A_568], %add3A_567 {strides = array<i32>} : memref<9616xi32, #tpu.memory_space<vmem>>, vector<16xi32>,
    %get3A_570 = arith.constant 7680 : index
    %get3A_571 = tpu.vector_load %arg8[%get3A_570] {strides = array<i32>} : memref<9616xi32, #tpu.memory_space<vmem>>, vector<16xi32>,
    %add3A_572 = arith.constant 100000 : i32
    %add3A_573 = vector.broadcast %add3A_572 : i32 to vector<16xi32>
    %add3A_574 = arith.addi %get3A_571, %add3A_573 : vector<16xi32>
    %swap3A_575 = arith.constant 7680 : index
    %swap3A_576 = tpu.vector_load %arg8[%swap3A_575] {strides = array<i32>} : memref<9616xi32, #tpu.memory_space<vmem>>, vector<16xi32>,
    tpu.vector_store %arg8[%swap3A_575], %add3A_574 {strides = array<i32>} : memref<9616xi32, #tpu.memory_space<vmem>>, vector<16xi32>,
    %get3A_577 = arith.constant 7696 : index
    %get3A_578 = tpu.vector_load %arg8[%get3A_577] {strides = array<i32>} : memref<9616xi32, #tpu.memory_space<vmem>>, vector<16xi32>,
    %add3A_579 = arith.constant 100000 : i32
    %add3A_580 = vector.broadcast %add3A_579 : i32 to vector<16xi32>
    %add3A_581 = arith.addi %get3A_578, %add3A_580 : vector<16xi32>
    %swap3A_582 = arith.constant 7696 : index
    %swap3A_583 = tpu.vector_load %arg8[%swap3A_582] {strides = array<i32>} : memref<9616xi32, #tpu.memory_space<vmem>>, vector<16xi32>,
    tpu.vector_store %arg8[%swap3A_582], %add3A_581 {strides = array<i32>} : memref<9616xi32, #tpu.memory_space<vmem>>, vector<16xi32>,
    %get3A_584 = arith.constant 7712 : index
    %get3A_585 = tpu.vector_load %arg8[%get3A_584] {strides = array<i32>} : memref<9616xi32, #tpu.memory_space<vmem>>, vector<16xi32>,
    %add3A_586 = arith.constant 100000 : i32
    %add3A_587 = vector.broadcast %add3A_586 : i32 to vector<16xi32>
    %add3A_588 = arith.addi %get3A_585, %add3A_587 : vector<16xi32>
    %swap3A_589 = arith.constant 7712 : index
    %swap3A_590 = tpu.vector_load %arg8[%swap3A_589] {strides = array<i32>} : memref<9616xi32, #tpu.memory_space<vmem>>, vector<16xi32>,
    tpu.vector_store %arg8[%swap3A_589], %add3A_588 {strides = array<i32>} : memref<9616xi32, #tpu.memory_space<vmem>>, vector<16xi32>,
    %get3A_591 = arith.constant 7728 : index
    %get3A_592 = tpu.vector_load %arg8[%get3A_591] {strides = array<i32>} : memref<9616xi32, #tpu.memory_space<vmem>>, vector<16xi32>,
    %add3A_593 = arith.constant 100000 : i32
    %add3A_594 = vector.broadcast %add3A_593 : i32 to vector<16xi32>
    %add3A_595 = arith.addi %get3A_592, %add3A_594 : vector<16xi32>
    %swap3A_596 = arith.constant 7728 : index
    %swap3A_597 = tpu.vector_load %arg8[%swap3A_596] {strides = array<i32>} : memref<9616xi32, #tpu.memory_space<vmem>>, vector<16xi32>,
    tpu.vector_store %arg8[%swap3A_596], %add3A_595 {strides = array<i32>} : memref<9616xi32, #tpu.memory_space<vmem>>, vector<16xi32>,
    %get3A_598 = arith.constant 7744 : index
    %get3A_599 = tpu.vector_load %arg8[%get3A_598] {strides = array<i32>} : memref<9616xi32, #tpu.memory_space<vmem>>, vector<16xi32>,
    %add3A_600 = arith.constant 100000 : i32
    %add3A_601 = vector.broadcast %add3A_600 : i32 to vector<16xi32>
    %add3A_602 = arith.addi %get3A_599, %add3A_601 : vector<16xi32>
    %swap3A_603 = arith.constant 7744 : index
    %swap3A_604 = tpu.vector_load %arg8[%swap3A_603] {strides = array<i32>} : memref<9616xi32, #tpu.memory_space<vmem>>, vector<16xi32>,
    tpu.vector_store %arg8[%swap3A_603], %add3A_602 {strides = array<i32>} : memref<9616xi32, #tpu.memory_space<vmem>>, vector<16xi32>,
    %get3A_605 = arith.constant 7760 : index
    %get3A_606 = tpu.vector_load %arg8[%get3A_605] {strides = array<i32>} : memref<9616xi32, #tpu.memory_space<vmem>>, vector<16xi32>,
    %add3A_607 = arith.constant 100000 : i32
    %add3A_608 = vector.broadcast %add3A_607 : i32 to vector<16xi32>
    %add3A_609 = arith.addi %get3A_606, %add3A_608 : vector<16xi32>
    %swap3A_610 = arith.constant 7760 : index
    %swap3A_611 = tpu.vector_load %arg8[%swap3A_610] {strides = array<i32>} : memref<9616xi32, #tpu.memory_space<vmem>>, vector<16xi32>,
    tpu.vector_store %arg8[%swap3A_610], %add3A_609 {strides = array<i32>} : memref<9616xi32, #tpu.memory_space<vmem>>, vector<16xi32>,
    %get3A_612 = arith.constant 7776 : index
    %get3A_613 = tpu.vector_load %arg8[%get3A_612] {strides = array<i32>} : memref<9616xi32, #tpu.memory_space<vmem>>, vector<16xi32>,
    %add3A_614 = arith.constant 100000 : i32
    %add3A_615 = vector.broadcast %add3A_614 : i32 to vector<16xi32>
    %add3A_616 = arith.addi %get3A_613, %add3A_615 : vector<16xi32>
    %swap3A_617 = arith.constant 7776 : index
    %swap3A_618 = tpu.vector_load %arg8[%swap3A_617] {strides = array<i32>} : memref<9616xi32, #tpu.memory_space<vmem>>, vector<16xi32>,
    tpu.vector_store %arg8[%swap3A_617], %add3A_616 {strides = array<i32>} : memref<9616xi32, #tpu.memory_space<vmem>>, vector<16xi32>,
    %get3A_619 = arith.constant 7792 : index
    %get3A_620 = tpu.vector_load %arg8[%get3A_619] {strides = array<i32>} : memref<9616xi32, #tpu.memory_space<vmem>>, vector<16xi32>,
    %add3A_621 = arith.constant 100000 : i32
    %add3A_622 = vector.broadcast %add3A_621 : i32 to vector<16xi32>
    %add3A_623 = arith.addi %get3A_620, %add3A_622 : vector<16xi32>
    %swap3A_624 = arith.constant 7792 : index
    %swap3A_625 = tpu.vector_load %arg8[%swap3A_624] {strides = array<i32>} : memref<9616xi32, #tpu.memory_space<vmem>>, vector<16xi32>,
    tpu.vector_store %arg8[%swap3A_624], %add3A_623 {strides = array<i32>} : memref<9616xi32, #tpu.memory_space<vmem>>, vector<16xi32>,
    %get3A_626 = arith.constant 7808 : index
    %get3A_627 = tpu.vector_load %arg8[%get3A_626] {strides = array<i32>} : memref<9616xi32, #tpu.memory_space<vmem>>, vector<16xi32>,
    %add3A_628 = arith.constant 100000 : i32
    %add3A_629 = vector.broadcast %add3A_628 : i32 to vector<16xi32>
    %add3A_630 = arith.addi %get3A_627, %add3A_629 : vector<16xi32>
    %swap3A_631 = arith.constant 7808 : index
    %swap3A_632 = tpu.vector_load %arg8[%swap3A_631] {strides = array<i32>} : memref<9616xi32, #tpu.memory_space<vmem>>, vector<16xi32>,
    tpu.vector_store %arg8[%swap3A_631], %add3A_630 {strides = array<i32>} : memref<9616xi32, #tpu.memory_space<vmem>>, vector<16xi32>,
    %get3A_633 = arith.constant 7824 : index
    %get3A_634 = tpu.vector_load %arg8[%get3A_633] {strides = array<i32>} : memref<9616xi32, #tpu.memory_space<vmem>>, vector<16xi32>,
    %add3A_635 = arith.constant 100000 : i32
    %add3A_636 = vector.broadcast %add3A_635 : i32 to vector<16xi32>
    %add3A_637 = arith.addi %get3A_634, %add3A_636 : vector<16xi32>
    %swap3A_638 = arith.constant 7824 : index
    %swap3A_639 = tpu.vector_load %arg8[%swap3A_638] {strides = array<i32>} : memref<9616xi32, #tpu.memory_space<vmem>>, vector<16xi32>,
    tpu.vector_store %arg8[%swap3A_638], %add3A_637 {strides = array<i32>} : memref<9616xi32, #tpu.memory_space<vmem>>, vector<16xi32>,
    %get3A_640 = arith.constant 7840 : index
    %get3A_641 = tpu.vector_load %arg8[%get3A_640] {strides = array<i32>} : memref<9616xi32, #tpu.memory_space<vmem>>, vector<16xi32>,
    %add3A_642 = arith.constant 100000 : i32
    %add3A_643 = vector.broadcast %add3A_642 : i32 to vector<16xi32>
    %add3A_644 = arith.addi %get3A_641, %add3A_643 : vector<16xi32>
    %swap3A_645 = arith.constant 7840 : index
    %swap3A_646 = tpu.vector_load %arg8[%swap3A_645] {strides = array<i32>} : memref<9616xi32, #tpu.memory_space<vmem>>, vector<16xi32>,
    tpu.vector_store %arg8[%swap3A_645], %add3A_644 {strides = array<i32>} : memref<9616xi32, #tpu.memory_space<vmem>>, vector<16xi32>,
    %get3A_647 = arith.constant 7856 : index
    %get3A_648 = tpu.vector_load %arg8[%get3A_647] {strides = array<i32>} : memref<9616xi32, #tpu.memory_space<vmem>>, vector<16xi32>,
    %add3A_649 = arith.constant 100000 : i32
    %add3A_650 = vector.broadcast %add3A_649 : i32 to vector<16xi32>
    %add3A_651 = arith.addi %get3A_648, %add3A_650 : vector<16xi32>
    %swap3A_652 = arith.constant 7856 : index
    %swap3A_653 = tpu.vector_load %arg8[%swap3A_652] {strides = array<i32>} : memref<9616xi32, #tpu.memory_space<vmem>>, vector<16xi32>,
    tpu.vector_store %arg8[%swap3A_652], %add3A_651 {strides = array<i32>} : memref<9616xi32, #tpu.memory_space<vmem>>, vector<16xi32>,
    %get3A_654 = arith.constant 7872 : index
    %get3A_655 = tpu.vector_load %arg8[%get3A_654] {strides = array<i32>} : memref<9616xi32, #tpu.memory_space<vmem>>, vector<16xi32>,
    %add3A_656 = arith.constant 100000 : i32
    %add3A_657 = vector.broadcast %add3A_656 : i32 to vector<16xi32>
    %add3A_658 = arith.addi %get3A_655, %add3A_657 : vector<16xi32>
    %swap3A_659 = arith.constant 7872 : index
    %swap3A_660 = tpu.vector_load %arg8[%swap3A_659] {strides = array<i32>} : memref<9616xi32, #tpu.memory_space<vmem>>, vector<16xi32>,
    tpu.vector_store %arg8[%swap3A_659], %add3A_658 {strides = array<i32>} : memref<9616xi32, #tpu.memory_space<vmem>>, vector<16xi32>,
    %get3A_661 = arith.constant 7888 : index
    %get3A_662 = tpu.vector_load %arg8[%get3A_661] {strides = array<i32>} : memref<9616xi32, #tpu.memory_space<vmem>>, vector<16xi32>,
    %add3A_663 = arith.constant 100000 : i32
    %add3A_664 = vector.broadcast %add3A_663 : i32 to vector<16xi32>
    %add3A_665 = arith.addi %get3A_662, %add3A_664 : vector<16xi32>
    %swap3A_666 = arith.constant 7888 : index
    %swap3A_667 = tpu.vector_load %arg8[%swap3A_666] {strides = array<i32>} : memref<9616xi32, #tpu.memory_space<vmem>>, vector<16xi32>,
    tpu.vector_store %arg8[%swap3A_666], %add3A_665 {strides = array<i32>} : memref<9616xi32, #tpu.memory_space<vmem>>, vector<16xi32>,
    %get3A_668 = arith.constant 7904 : index
    %get3A_669 = tpu.vector_load %arg8[%get3A_668] {strides = array<i32>} : memref<9616xi32, #tpu.memory_space<vmem>>, vector<16xi32>,
    %add3A_670 = arith.constant 100000 : i32
    %add3A_671 = vector.broadcast %add3A_670 : i32 to vector<16xi32>
    %add3A_672 = arith.addi %get3A_669, %add3A_671 : vector<16xi32>
    %swap3A_673 = arith.constant 7904 : index
    %swap3A_674 = tpu.vector_load %arg8[%swap3A_673] {strides = array<i32>} : memref<9616xi32, #tpu.memory_space<vmem>>, vector<16xi32>,
    tpu.vector_store %arg8[%swap3A_673], %add3A_672 {strides = array<i32>} : memref<9616xi32, #tpu.memory_space<vmem>>, vector<16xi32>,
    %get3A_675 = arith.constant 7920 : index
    %get3A_676 = tpu.vector_load %arg8[%get3A_675] {strides = array<i32>} : memref<9616xi32, #tpu.memory_space<vmem>>, vector<16xi32>,
    %add3A_677 = arith.constant 100000 : i32
    %add3A_678 = vector.broadcast %add3A_677 : i32 to vector<16xi32>
    %add3A_679 = arith.addi %get3A_676, %add3A_678 : vector<16xi32>
    %swap3A_680 = arith.constant 7920 : index
    %swap3A_681 = tpu.vector_load %arg8[%swap3A_680] {strides = array<i32>} : memref<9616xi32, #tpu.memory_space<vmem>>, vector<16xi32>,
    tpu.vector_store %arg8[%swap3A_680], %add3A_679 {strides = array<i32>} : memref<9616xi32, #tpu.memory_space<vmem>>, vector<16xi32>,
    %get3A_682 = arith.constant 7936 : index
    %get3A_683 = tpu.vector_load %arg8[%get3A_682] {strides = array<i32>} : memref<9616xi32, #tpu.memory_space<vmem>>, vector<16xi32>,
    %add3A_684 = arith.constant 100000 : i32
    %add3A_685 = vector.broadcast %add3A_684 : i32 to vector<16xi32>
    %add3A_686 = arith.addi %get3A_683, %add3A_685 : vector<16xi32>
    %swap3A_687 = arith.constant 7936 : index
    %swap3A_688 = tpu.vector_load %arg8[%swap3A_687] {strides = array<i32>} : memref<9616xi32, #tpu.memory_space<vmem>>, vector<16xi32>,
    tpu.vector_store %arg8[%swap3A_687], %add3A_686 {strides = array<i32>} : memref<9616xi32, #tpu.memory_space<vmem>>, vector<16xi32>,
    %get3A_689 = arith.constant 7952 : index
    %get3A_690 = tpu.vector_load %arg8[%get3A_689] {strides = array<i32>} : memref<9616xi32, #tpu.memory_space<vmem>>, vector<16xi32>,
    %add3A_691 = arith.constant 100000 : i32
    %add3A_692 = vector.broadcast %add3A_691 : i32 to vector<16xi32>
    %add3A_693 = arith.addi %get3A_690, %add3A_692 : vector<16xi32>
    %swap3A_694 = arith.constant 7952 : index
    %swap3A_695 = tpu.vector_load %arg8[%swap3A_694] {strides = array<i32>} : memref<9616xi32, #tpu.memory_space<vmem>>, vector<16xi32>,
    tpu.vector_store %arg8[%swap3A_694], %add3A_693 {strides = array<i32>} : memref<9616xi32, #tpu.memory_space<vmem>>, vector<16xi32>,
    %get3A_696 = arith.constant 7968 : index
    %get3A_697 = tpu.vector_load %arg8[%get3A_696] {strides = array<i32>} : memref<9616xi32, #tpu.memory_space<vmem>>, vector<16xi32>,
    %add3A_698 = arith.constant 100000 : i32
    %add3A_699 = vector.broadcast %add3A_698 : i32 to vector<16xi32>
    %add3A_700 = arith.addi %get3A_697, %add3A_699 : vector<16xi32>
    %swap3A_701 = arith.constant 7968 : index
    %swap3A_702 = tpu.vector_load %arg8[%swap3A_701] {strides = array<i32>} : memref<9616xi32, #tpu.memory_space<vmem>>, vector<16xi32>,
    tpu.vector_store %arg8[%swap3A_701], %add3A_700 {strides = array<i32>} : memref<9616xi32, #tpu.memory_space<vmem>>, vector<16xi32>,
    %get3A_703 = arith.constant 7984 : index
    %get3A_704 = tpu.vector_load %arg8[%get3A_703] {strides = array<i32>} : memref<9616xi32, #tpu.memory_space<vmem>>, vector<16xi32>,
    %add3A_705 = arith.constant 100000 : i32
    %add3A_706 = vector.broadcast %add3A_705 : i32 to vector<16xi32>
    %add3A_707 = arith.addi %get3A_704, %add3A_706 : vector<16xi32>
    %swap3A_708 = arith.constant 7984 : index
    %swap3A_709 = tpu.vector_load %arg8[%swap3A_708] {strides = array<i32>} : memref<9616xi32, #tpu.memory_space<vmem>>, vector<16xi32>,
    tpu.vector_store %arg8[%swap3A_708], %add3A_707 {strides = array<i32>} : memref<9616xi32, #tpu.memory_space<vmem>>, vector<16xi32>,
    %get3A_710 = arith.constant 8000 : index
    %get3A_711 = tpu.vector_load %arg8[%get3A_710] {strides = array<i32>} : memref<9616xi32, #tpu.memory_space<vmem>>, vector<16xi32>,
    %add3A_712 = arith.constant 101000 : i32
    %add3A_713 = vector.broadcast %add3A_712 : i32 to vector<16xi32>
    %add3A_714 = arith.addi %get3A_711, %add3A_713 : vector<16xi32>
    %swap3A_715 = arith.constant 8000 : index
    %swap3A_716 = tpu.vector_load %arg8[%swap3A_715] {strides = array<i32>} : memref<9616xi32, #tpu.memory_space<vmem>>, vector<16xi32>,
    tpu.vector_store %arg8[%swap3A_715], %add3A_714 {strides = array<i32>} : memref<9616xi32, #tpu.memory_space<vmem>>, vector<16xi32>,
    %get3A_717 = arith.constant 8016 : index
    %get3A_718 = tpu.vector_load %arg8[%get3A_717] {strides = array<i32>} : memref<9616xi32, #tpu.memory_space<vmem>>, vector<16xi32>,
    %add3A_719 = arith.constant 101000 : i32
    %add3A_720 = vector.broadcast %add3A_719 : i32 to vector<16xi32>
    %add3A_721 = arith.addi %get3A_718, %add3A_720 : vector<16xi32>
    %swap3A_722 = arith.constant 8016 : index
    %swap3A_723 = tpu.vector_load %arg8[%swap3A_722] {strides = array<i32>} : memref<9616xi32, #tpu.memory_space<vmem>>, vector<16xi32>,
    tpu.vector_store %arg8[%swap3A_722], %add3A_721 {strides = array<i32>} : memref<9616xi32, #tpu.memory_space<vmem>>, vector<16xi32>,
    %get3A_724 = arith.constant 8032 : index
    %get3A_725 = tpu.vector_load %arg8[%get3A_724] {strides = array<i32>} : memref<9616xi32, #tpu.memory_space<vmem>>, vector<16xi32>,
    %add3A_726 = arith.constant 101000 : i32
    %add3A_727 = vector.broadcast %add3A_726 : i32 to vector<16xi32>
    %add3A_728 = arith.addi %get3A_725, %add3A_727 : vector<16xi32>
    %swap3A_729 = arith.constant 8032 : index
    %swap3A_730 = tpu.vector_load %arg8[%swap3A_729] {strides = array<i32>} : memref<9616xi32, #tpu.memory_space<vmem>>, vector<16xi32>,
    tpu.vector_store %arg8[%swap3A_729], %add3A_728 {strides = array<i32>} : memref<9616xi32, #tpu.memory_space<vmem>>, vector<16xi32>,
    %get3A_731 = arith.constant 8048 : index
    %get3A_732 = tpu.vector_load %arg8[%get3A_731] {strides = array<i32>} : memref<9616xi32, #tpu.memory_space<vmem>>, vector<16xi32>,
    %add3A_733 = arith.constant 101000 : i32
    %add3A_734 = vector.broadcast %add3A_733 : i32 to vector<16xi32>
    %add3A_735 = arith.addi %get3A_732, %add3A_734 : vector<16xi32>
    %swap3A_736 = arith.constant 8048 : index
    %swap3A_737 = tpu.vector_load %arg8[%swap3A_736] {strides = array<i32>} : memref<9616xi32, #tpu.memory_space<vmem>>, vector<16xi32>,
    tpu.vector_store %arg8[%swap3A_736], %add3A_735 {strides = array<i32>} : memref<9616xi32, #tpu.memory_space<vmem>>, vector<16xi32>,
    %get3A_738 = arith.constant 8064 : index
    %get3A_739 = tpu.vector_load %arg8[%get3A_738] {strides = array<i32>} : memref<9616xi32, #tpu.memory_space<vmem>>, vector<16xi32>,
    %add3A_740 = arith.constant 101000 : i32
    %add3A_741 = vector.broadcast %add3A_740 : i32 to vector<16xi32>
    %add3A_742 = arith.addi %get3A_739, %add3A_741 : vector<16xi32>
    %swap3A_743 = arith.constant 8064 : index
    %swap3A_744 = tpu.vector_load %arg8[%swap3A_743] {strides = array<i32>} : memref<9616xi32, #tpu.memory_space<vmem>>, vector<16xi32>,
    tpu.vector_store %arg8[%swap3A_743], %add3A_742 {strides = array<i32>} : memref<9616xi32, #tpu.memory_space<vmem>>, vector<16xi32>,
    %get3A_745 = arith.constant 8080 : index
    %get3A_746 = tpu.vector_load %arg8[%get3A_745] {strides = array<i32>} : memref<9616xi32, #tpu.memory_space<vmem>>, vector<16xi32>,
    %add3A_747 = arith.constant 101000 : i32
    %add3A_748 = vector.broadcast %add3A_747 : i32 to vector<16xi32>
    %add3A_749 = arith.addi %get3A_746, %add3A_748 : vector<16xi32>
    %swap3A_750 = arith.constant 8080 : index
    %swap3A_751 = tpu.vector_load %arg8[%swap3A_750] {strides = array<i32>} : memref<9616xi32, #tpu.memory_space<vmem>>, vector<16xi32>,
    tpu.vector_store %arg8[%swap3A_750], %add3A_749 {strides = array<i32>} : memref<9616xi32, #tpu.memory_space<vmem>>, vector<16xi32>,
    %get3A_752 = arith.constant 8096 : index
    %get3A_753 = tpu.vector_load %arg8[%get3A_752] {strides = array<i32>} : memref<9616xi32, #tpu.memory_space<vmem>>, vector<16xi32>,
    %add3A_754 = arith.constant 101000 : i32
    %add3A_755 = vector.broadcast %add3A_754 : i32 to vector<16xi32>
    %add3A_756 = arith.addi %get3A_753, %add3A_755 : vector<16xi32>
    %swap3A_757 = arith.constant 8096 : index
    %swap3A_758 = tpu.vector_load %arg8[%swap3A_757] {strides = array<i32>} : memref<9616xi32, #tpu.memory_space<vmem>>, vector<16xi32>,
    tpu.vector_store %arg8[%swap3A_757], %add3A_756 {strides = array<i32>} : memref<9616xi32, #tpu.memory_space<vmem>>, vector<16xi32>,
    %get3A_759 = arith.constant 8112 : index
    %get3A_760 = tpu.vector_load %arg8[%get3A_759] {strides = array<i32>} : memref<9616xi32, #tpu.memory_space<vmem>>, vector<16xi32>,
    %add3A_761 = arith.constant 101000 : i32
    %add3A_762 = vector.broadcast %add3A_761 : i32 to vector<16xi32>
    %add3A_763 = arith.addi %get3A_760, %add3A_762 : vector<16xi32>
    %swap3A_764 = arith.constant 8112 : index
    %swap3A_765 = tpu.vector_load %arg8[%swap3A_764] {strides = array<i32>} : memref<9616xi32, #tpu.memory_space<vmem>>, vector<16xi32>,
    tpu.vector_store %arg8[%swap3A_764], %add3A_763 {strides = array<i32>} : memref<9616xi32, #tpu.memory_space<vmem>>, vector<16xi32>,
    %get3A_766 = arith.constant 8128 : index
    %get3A_767 = tpu.vector_load %arg8[%get3A_766] {strides = array<i32>} : memref<9616xi32, #tpu.memory_space<vmem>>, vector<16xi32>,
    %add3A_768 = arith.constant 101000 : i32
    %add3A_769 = vector.broadcast %add3A_768 : i32 to vector<16xi32>
    %add3A_770 = arith.addi %get3A_767, %add3A_769 : vector<16xi32>
    %swap3A_771 = arith.constant 8128 : index
    %swap3A_772 = tpu.vector_load %arg8[%swap3A_771] {strides = array<i32>} : memref<9616xi32, #tpu.memory_space<vmem>>, vector<16xi32>,
    tpu.vector_store %arg8[%swap3A_771], %add3A_770 {strides = array<i32>} : memref<9616xi32, #tpu.memory_space<vmem>>, vector<16xi32>,
    %get3A_773 = arith.constant 8144 : index
    %get3A_774 = tpu.vector_load %arg8[%get3A_773] {strides = array<i32>} : memref<9616xi32, #tpu.memory_space<vmem>>, vector<16xi32>,
    %add3A_775 = arith.constant 101000 : i32
    %add3A_776 = vector.broadcast %add3A_775 : i32 to vector<16xi32>
    %add3A_777 = arith.addi %get3A_774, %add3A_776 : vector<16xi32>
    %swap3A_778 = arith.constant 8144 : index
    %swap3A_779 = tpu.vector_load %arg8[%swap3A_778] {strides = array<i32>} : memref<9616xi32, #tpu.memory_space<vmem>>, vector<16xi32>,
    tpu.vector_store %arg8[%swap3A_778], %add3A_777 {strides = array<i32>} : memref<9616xi32, #tpu.memory_space<vmem>>, vector<16xi32>,
    %get3A_780 = arith.constant 8160 : index
    %get3A_781 = tpu.vector_load %arg8[%get3A_780] {strides = array<i32>} : memref<9616xi32, #tpu.memory_space<vmem>>, vector<16xi32>,
    %add3A_782 = arith.constant 101000 : i32
    %add3A_783 = vector.broadcast %add3A_782 : i32 to vector<16xi32>
    %add3A_784 = arith.addi %get3A_781, %add3A_783 : vector<16xi32>
    %swap3A_785 = arith.constant 8160 : index
    %swap3A_786 = tpu.vector_load %arg8[%swap3A_785] {strides = array<i32>} : memref<9616xi32, #tpu.memory_space<vmem>>, vector<16xi32>,
    tpu.vector_store %arg8[%swap3A_785], %add3A_784 {strides = array<i32>} : memref<9616xi32, #tpu.memory_space<vmem>>, vector<16xi32>,
    %get3A_787 = arith.constant 8176 : index
    %get3A_788 = tpu.vector_load %arg8[%get3A_787] {strides = array<i32>} : memref<9616xi32, #tpu.memory_space<vmem>>, vector<16xi32>,
    %add3A_789 = arith.constant 101000 : i32
    %add3A_790 = vector.broadcast %add3A_789 : i32 to vector<16xi32>
    %add3A_791 = arith.addi %get3A_788, %add3A_790 : vector<16xi32>
    %swap3A_792 = arith.constant 8176 : index
    %swap3A_793 = tpu.vector_load %arg8[%swap3A_792] {strides = array<i32>} : memref<9616xi32, #tpu.memory_space<vmem>>, vector<16xi32>,
    tpu.vector_store %arg8[%swap3A_792], %add3A_791 {strides = array<i32>} : memref<9616xi32, #tpu.memory_space<vmem>>, vector<16xi32>,
    %get3A_794 = arith.constant 8192 : index
    %get3A_795 = tpu.vector_load %arg8[%get3A_794] {strides = array<i32>} : memref<9616xi32, #tpu.memory_space<vmem>>, vector<16xi32>,
    %add3A_796 = arith.constant 101000 : i32
    %add3A_797 = vector.broadcast %add3A_796 : i32 to vector<16xi32>
    %add3A_798 = arith.addi %get3A_795, %add3A_797 : vector<16xi32>
    %swap3A_799 = arith.constant 8192 : index
    %swap3A_800 = tpu.vector_load %arg8[%swap3A_799] {strides = array<i32>} : memref<9616xi32, #tpu.memory_space<vmem>>, vector<16xi32>,
    tpu.vector_store %arg8[%swap3A_799], %add3A_798 {strides = array<i32>} : memref<9616xi32, #tpu.memory_space<vmem>>, vector<16xi32>,
    %get3A_801 = arith.constant 8208 : index
    %get3A_802 = tpu.vector_load %arg8[%get3A_801] {strides = array<i32>} : memref<9616xi32, #tpu.memory_space<vmem>>, vector<16xi32>,
    %add3A_803 = arith.constant 101000 : i32
    %add3A_804 = vector.broadcast %add3A_803 : i32 to vector<16xi32>
    %add3A_805 = arith.addi %get3A_802, %add3A_804 : vector<16xi32>
    %swap3A_806 = arith.constant 8208 : index
    %swap3A_807 = tpu.vector_load %arg8[%swap3A_806] {strides = array<i32>} : memref<9616xi32, #tpu.memory_space<vmem>>, vector<16xi32>,
    tpu.vector_store %arg8[%swap3A_806], %add3A_805 {strides = array<i32>} : memref<9616xi32, #tpu.memory_space<vmem>>, vector<16xi32>,
    %get3A_808 = arith.constant 8224 : index
    %get3A_809 = tpu.vector_load %arg8[%get3A_808] {strides = array<i32>} : memref<9616xi32, #tpu.memory_space<vmem>>, vector<16xi32>,
    %add3A_810 = arith.constant 101000 : i32
    %add3A_811 = vector.broadcast %add3A_810 : i32 to vector<16xi32>
    %add3A_812 = arith.addi %get3A_809, %add3A_811 : vector<16xi32>
    %swap3A_813 = arith.constant 8224 : index
    %swap3A_814 = tpu.vector_load %arg8[%swap3A_813] {strides = array<i32>} : memref<9616xi32, #tpu.memory_space<vmem>>, vector<16xi32>,
    tpu.vector_store %arg8[%swap3A_813], %add3A_812 {strides = array<i32>} : memref<9616xi32, #tpu.memory_space<vmem>>, vector<16xi32>,
    %get3A_815 = arith.constant 8240 : index
    %get3A_816 = tpu.vector_load %arg8[%get3A_815] {strides = array<i32>} : memref<9616xi32, #tpu.memory_space<vmem>>, vector<16xi32>,
    %add3A_817 = arith.constant 101000 : i32
    %add3A_818 = vector.broadcast %add3A_817 : i32 to vector<16xi32>
    %add3A_819 = arith.addi %get3A_816, %add3A_818 : vector<16xi32>
    %swap3A_820 = arith.constant 8240 : index
    %swap3A_821 = tpu.vector_load %arg8[%swap3A_820] {strides = array<i32>} : memref<9616xi32, #tpu.memory_space<vmem>>, vector<16xi32>,
    tpu.vector_store %arg8[%swap3A_820], %add3A_819 {strides = array<i32>} : memref<9616xi32, #tpu.memory_space<vmem>>, vector<16xi32>,
    %get3A_822 = arith.constant 8256 : index
    %get3A_823 = tpu.vector_load %arg8[%get3A_822] {strides = array<i32>} : memref<9616xi32, #tpu.memory_space<vmem>>, vector<16xi32>,
    %add3A_824 = arith.constant 101000 : i32
    %add3A_825 = vector.broadcast %add3A_824 : i32 to vector<16xi32>
    %add3A_826 = arith.addi %get3A_823, %add3A_825 : vector<16xi32>
    %swap3A_827 = arith.constant 8256 : index
    %swap3A_828 = tpu.vector_load %arg8[%swap3A_827] {strides = array<i32>} : memref<9616xi32, #tpu.memory_space<vmem>>, vector<16xi32>,
    tpu.vector_store %arg8[%swap3A_827], %add3A_826 {strides = array<i32>} : memref<9616xi32, #tpu.memory_space<vmem>>, vector<16xi32>,
    %get3A_829 = arith.constant 8272 : index
    %get3A_830 = tpu.vector_load %arg8[%get3A_829] {strides = array<i32>} : memref<9616xi32, #tpu.memory_space<vmem>>, vector<16xi32>,
    %add3A_831 = arith.constant 101000 : i32
    %add3A_832 = vector.broadcast %add3A_831 : i32 to vector<16xi32>
    %add3A_833 = arith.addi %get3A_830, %add3A_832 : vector<16xi32>
    %swap3A_834 = arith.constant 8272 : index
    %swap3A_835 = tpu.vector_load %arg8[%swap3A_834] {strides = array<i32>} : memref<9616xi32, #tpu.memory_space<vmem>>, vector<16xi32>,
    tpu.vector_store %arg8[%swap3A_834], %add3A_833 {strides = array<i32>} : memref<9616xi32, #tpu.memory_space<vmem>>, vector<16xi32>,
    %get3A_836 = arith.constant 8288 : index
    %get3A_837 = tpu.vector_load %arg8[%get3A_836] {strides = array<i32>} : memref<9616xi32, #tpu.memory_space<vmem>>, vector<16xi32>,
    %add3A_838 = arith.constant 101000 : i32
    %add3A_839 = vector.broadcast %add3A_838 : i32 to vector<16xi32>
    %add3A_840 = arith.addi %get3A_837, %add3A_839 : vector<16xi32>
    %swap3A_841 = arith.constant 8288 : index
    %swap3A_842 = tpu.vector_load %arg8[%swap3A_841] {strides = array<i32>} : memref<9616xi32, #tpu.memory_space<vmem>>, vector<16xi32>,
    tpu.vector_store %arg8[%swap3A_841], %add3A_840 {strides = array<i32>} : memref<9616xi32, #tpu.memory_space<vmem>>, vector<16xi32>,
    %get3A_843 = arith.constant 8304 : index
    %get3A_844 = tpu.vector_load %arg8[%get3A_843] {strides = array<i32>} : memref<9616xi32, #tpu.memory_space<vmem>>, vector<16xi32>,
    %add3A_845 = arith.constant 101000 : i32
    %add3A_846 = vector.broadcast %add3A_845 : i32 to vector<16xi32>
    %add3A_847 = arith.addi %get3A_844, %add3A_846 : vector<16xi32>
    %swap3A_848 = arith.constant 8304 : index
    %swap3A_849 = tpu.vector_load %arg8[%swap3A_848] {strides = array<i32>} : memref<9616xi32, #tpu.memory_space<vmem>>, vector<16xi32>,
    tpu.vector_store %arg8[%swap3A_848], %add3A_847 {strides = array<i32>} : memref<9616xi32, #tpu.memory_space<vmem>>, vector<16xi32>,
    %get3A_850 = arith.constant 8320 : index
    %get3A_851 = tpu.vector_load %arg8[%get3A_850] {strides = array<i32>} : memref<9616xi32, #tpu.memory_space<vmem>>, vector<16xi32>,
    %add3A_852 = arith.constant 101000 : i32
    %add3A_853 = vector.broadcast %add3A_852 : i32 to vector<16xi32>
    %add3A_854 = arith.addi %get3A_851, %add3A_853 : vector<16xi32>
    %swap3A_855 = arith.constant 8320 : index
    %swap3A_856 = tpu.vector_load %arg8[%swap3A_855] {strides = array<i32>} : memref<9616xi32, #tpu.memory_space<vmem>>, vector<16xi32>,
    tpu.vector_store %arg8[%swap3A_855], %add3A_854 {strides = array<i32>} : memref<9616xi32, #tpu.memory_space<vmem>>, vector<16xi32>,
    %get3A_857 = arith.constant 8336 : index
    %get3A_858 = tpu.vector_load %arg8[%get3A_857] {strides = array<i32>} : memref<9616xi32, #tpu.memory_space<vmem>>, vector<16xi32>,
    %add3A_859 = arith.constant 101000 : i32
    %add3A_860 = vector.broadcast %add3A_859 : i32 to vector<16xi32>
    %add3A_861 = arith.addi %get3A_858, %add3A_860 : vector<16xi32>
    %swap3A_862 = arith.constant 8336 : index
    %swap3A_863 = tpu.vector_load %arg8[%swap3A_862] {strides = array<i32>} : memref<9616xi32, #tpu.memory_space<vmem>>, vector<16xi32>,
    tpu.vector_store %arg8[%swap3A_862], %add3A_861 {strides = array<i32>} : memref<9616xi32, #tpu.memory_space<vmem>>, vector<16xi32>,
    %get3A_864 = arith.constant 8352 : index
    %get3A_865 = tpu.vector_load %arg8[%get3A_864] {strides = array<i32>} : memref<9616xi32, #tpu.memory_space<vmem>>, vector<16xi32>,
    %add3A_866 = arith.constant 101000 : i32
    %add3A_867 = vector.broadcast %add3A_866 : i32 to vector<16xi32>
    %add3A_868 = arith.addi %get3A_865, %add3A_867 : vector<16xi32>
    %swap3A_869 = arith.constant 8352 : index
    %swap3A_870 = tpu.vector_load %arg8[%swap3A_869] {strides = array<i32>} : memref<9616xi32, #tpu.memory_space<vmem>>, vector<16xi32>,
    tpu.vector_store %arg8[%swap3A_869], %add3A_868 {strides = array<i32>} : memref<9616xi32, #tpu.memory_space<vmem>>, vector<16xi32>,
    %get3A_871 = arith.constant 8368 : index
    %get3A_872 = tpu.vector_load %arg8[%get3A_871] {strides = array<i32>} : memref<9616xi32, #tpu.memory_space<vmem>>, vector<16xi32>,
    %add3A_873 = arith.constant 101000 : i32
    %add3A_874 = vector.broadcast %add3A_873 : i32 to vector<16xi32>
    %add3A_875 = arith.addi %get3A_872, %add3A_874 : vector<16xi32>
    %swap3A_876 = arith.constant 8368 : index
    %swap3A_877 = tpu.vector_load %arg8[%swap3A_876] {strides = array<i32>} : memref<9616xi32, #tpu.memory_space<vmem>>, vector<16xi32>,
    tpu.vector_store %arg8[%swap3A_876], %add3A_875 {strides = array<i32>} : memref<9616xi32, #tpu.memory_space<vmem>>, vector<16xi32>,
    %get3A_878 = arith.constant 8384 : index
    %get3A_879 = tpu.vector_load %arg8[%get3A_878] {strides = array<i32>} : memref<9616xi32, #tpu.memory_space<vmem>>, vector<16xi32>,
    %add3A_880 = arith.constant 101000 : i32
    %add3A_881 = vector.broadcast %add3A_880 : i32 to vector<16xi32>
    %add3A_882 = arith.addi %get3A_879, %add3A_881 : vector<16xi32>
    %swap3A_883 = arith.constant 8384 : index
    %swap3A_884 = tpu.vector_load %arg8[%swap3A_883] {strides = array<i32>} : memref<9616xi32, #tpu.memory_space<vmem>>, vector<16xi32>,
    tpu.vector_store %arg8[%swap3A_883], %add3A_882 {strides = array<i32>} : memref<9616xi32, #tpu.memory_space<vmem>>, vector<16xi32>,
    %get3A_885 = arith.constant 8400 : index
    %get3A_886 = tpu.vector_load %arg8[%get3A_885] {strides = array<i32>} : memref<9616xi32, #tpu.memory_space<vmem>>, vector<16xi32>,
    %add3A_887 = arith.constant 101000 : i32
    %add3A_888 = vector.broadcast %add3A_887 : i32 to vector<16xi32>
    %add3A_889 = arith.addi %get3A_886, %add3A_888 : vector<16xi32>
    %swap3A_890 = arith.constant 8400 : index
    %swap3A_891 = tpu.vector_load %arg8[%swap3A_890] {strides = array<i32>} : memref<9616xi32, #tpu.memory_space<vmem>>, vector<16xi32>,
    tpu.vector_store %arg8[%swap3A_890], %add3A_889 {strides = array<i32>} : memref<9616xi32, #tpu.memory_space<vmem>>, vector<16xi32>,
    %get3A_892 = arith.constant 8416 : index
    %get3A_893 = tpu.vector_load %arg8[%get3A_892] {strides = array<i32>} : memref<9616xi32, #tpu.memory_space<vmem>>, vector<16xi32>,
    %add3A_894 = arith.constant 101000 : i32
    %add3A_895 = vector.broadcast %add3A_894 : i32 to vector<16xi32>
    %add3A_896 = arith.addi %get3A_893, %add3A_895 : vector<16xi32>
    %swap3A_897 = arith.constant 8416 : index
    %swap3A_898 = tpu.vector_load %arg8[%swap3A_897] {strides = array<i32>} : memref<9616xi32, #tpu.memory_space<vmem>>, vector<16xi32>,
    tpu.vector_store %arg8[%swap3A_897], %add3A_896 {strides = array<i32>} : memref<9616xi32, #tpu.memory_space<vmem>>, vector<16xi32>,
    %get3A_899 = arith.constant 8432 : index
    %get3A_900 = tpu.vector_load %arg8[%get3A_899] {strides = array<i32>} : memref<9616xi32, #tpu.memory_space<vmem>>, vector<16xi32>,
    %add3A_901 = arith.constant 101000 : i32
    %add3A_902 = vector.broadcast %add3A_901 : i32 to vector<16xi32>
    %add3A_903 = arith.addi %get3A_900, %add3A_902 : vector<16xi32>
    %swap3A_904 = arith.constant 8432 : index
    %swap3A_905 = tpu.vector_load %arg8[%swap3A_904] {strides = array<i32>} : memref<9616xi32, #tpu.memory_space<vmem>>, vector<16xi32>,
    tpu.vector_store %arg8[%swap3A_904], %add3A_903 {strides = array<i32>} : memref<9616xi32, #tpu.memory_space<vmem>>, vector<16xi32>,
    %get3A_906 = arith.constant 8448 : index
    %get3A_907 = tpu.vector_load %arg8[%get3A_906] {strides = array<i32>} : memref<9616xi32, #tpu.memory_space<vmem>>, vector<16xi32>,
    %add3A_908 = arith.constant 101000 : i32
    %add3A_909 = vector.broadcast %add3A_908 : i32 to vector<16xi32>
    %add3A_910 = arith.addi %get3A_907, %add3A_909 : vector<16xi32>
    %swap3A_911 = arith.constant 8448 : index
    %swap3A_912 = tpu.vector_load %arg8[%swap3A_911] {strides = array<i32>} : memref<9616xi32, #tpu.memory_space<vmem>>, vector<16xi32>,
    tpu.vector_store %arg8[%swap3A_911], %add3A_910 {strides = array<i32>} : memref<9616xi32, #tpu.memory_space<vmem>>, vector<16xi32>,
    %get3A_913 = arith.constant 8464 : index
    %get3A_914 = tpu.vector_load %arg8[%get3A_913] {strides = array<i32>} : memref<9616xi32, #tpu.memory_space<vmem>>, vector<16xi32>,
    %add3A_915 = arith.constant 101000 : i32
    %add3A_916 = vector.broadcast %add3A_915 : i32 to vector<16xi32>
    %add3A_917 = arith.addi %get3A_914, %add3A_916 : vector<16xi32>
    %swap3A_918 = arith.constant 8464 : index
    %swap3A_919 = tpu.vector_load %arg8[%swap3A_918] {strides = array<i32>} : memref<9616xi32, #tpu.memory_space<vmem>>, vector<16xi32>,
    tpu.vector_store %arg8[%swap3A_918], %add3A_917 {strides = array<i32>} : memref<9616xi32, #tpu.memory_space<vmem>>, vector<16xi32>,
    %get3A_920 = arith.constant 8480 : index
    %get3A_921 = tpu.vector_load %arg8[%get3A_920] {strides = array<i32>} : memref<9616xi32, #tpu.memory_space<vmem>>, vector<16xi32>,
    %add3A_922 = arith.constant 101000 : i32
    %add3A_923 = vector.broadcast %add3A_922 : i32 to vector<16xi32>
    %add3A_924 = arith.addi %get3A_921, %add3A_923 : vector<16xi32>
    %swap3A_925 = arith.constant 8480 : index
    %swap3A_926 = tpu.vector_load %arg8[%swap3A_925] {strides = array<i32>} : memref<9616xi32, #tpu.memory_space<vmem>>, vector<16xi32>,
    tpu.vector_store %arg8[%swap3A_925], %add3A_924 {strides = array<i32>} : memref<9616xi32, #tpu.memory_space<vmem>>, vector<16xi32>,
    %get3A_927 = arith.constant 8496 : index
    %get3A_928 = tpu.vector_load %arg8[%get3A_927] {strides = array<i32>} : memref<9616xi32, #tpu.memory_space<vmem>>, vector<16xi32>,
    %add3A_929 = arith.constant 101000 : i32
    %add3A_930 = vector.broadcast %add3A_929 : i32 to vector<16xi32>
    %add3A_931 = arith.addi %get3A_928, %add3A_930 : vector<16xi32>
    %swap3A_932 = arith.constant 8496 : index
    %swap3A_933 = tpu.vector_load %arg8[%swap3A_932] {strides = array<i32>} : memref<9616xi32, #tpu.memory_space<vmem>>, vector<16xi32>,
    tpu.vector_store %arg8[%swap3A_932], %add3A_931 {strides = array<i32>} : memref<9616xi32, #tpu.memory_space<vmem>>, vector<16xi32>,
    %get3A_934 = arith.constant 8512 : index
    %get3A_935 = tpu.vector_load %arg8[%get3A_934] {strides = array<i32>} : memref<9616xi32, #tpu.memory_space<vmem>>, vector<16xi32>,
    %add3A_936 = arith.constant 101000 : i32
    %add3A_937 = vector.broadcast %add3A_936 : i32 to vector<16xi32>
    %add3A_938 = arith.addi %get3A_935, %add3A_937 : vector<16xi32>
    %swap3A_939 = arith.constant 8512 : index
    %swap3A_940 = tpu.vector_load %arg8[%swap3A_939] {strides = array<i32>} : memref<9616xi32, #tpu.memory_space<vmem>>, vector<16xi32>,
    tpu.vector_store %arg8[%swap3A_939], %add3A_938 {strides = array<i32>} : memref<9616xi32, #tpu.memory_space<vmem>>, vector<16xi32>,
    %get3A_941 = arith.constant 8528 : index
    %get3A_942 = tpu.vector_load %arg8[%get3A_941] {strides = array<i32>} : memref<9616xi32, #tpu.memory_space<vmem>>, vector<16xi32>,
    %add3A_943 = arith.constant 101000 : i32
    %add3A_944 = vector.broadcast %add3A_943 : i32 to vector<16xi32>
    %add3A_945 = arith.addi %get3A_942, %add3A_944 : vector<16xi32>
    %swap3A_946 = arith.constant 8528 : index
    %swap3A_947 = tpu.vector_load %arg8[%swap3A_946] {strides = array<i32>} : memref<9616xi32, #tpu.memory_space<vmem>>, vector<16xi32>,
    tpu.vector_store %arg8[%swap3A_946], %add3A_945 {strides = array<i32>} : memref<9616xi32, #tpu.memory_space<vmem>>, vector<16xi32>,
    %get3A_948 = arith.constant 8544 : index
    %get3A_949 = tpu.vector_load %arg8[%get3A_948] {strides = array<i32>} : memref<9616xi32, #tpu.memory_space<vmem>>, vector<16xi32>,
    %add3A_950 = arith.constant 101000 : i32
    %add3A_951 = vector.broadcast %add3A_950 : i32 to vector<16xi32>
    %add3A_952 = arith.addi %get3A_949, %add3A_951 : vector<16xi32>
    %swap3A_953 = arith.constant 8544 : index
    %swap3A_954 = tpu.vector_load %arg8[%swap3A_953] {strides = array<i32>} : memref<9616xi32, #tpu.memory_space<vmem>>, vector<16xi32>,
    tpu.vector_store %arg8[%swap3A_953], %add3A_952 {strides = array<i32>} : memref<9616xi32, #tpu.memory_space<vmem>>, vector<16xi32>,
    %get3A_955 = arith.constant 8560 : index
    %get3A_956 = tpu.vector_load %arg8[%get3A_955] {strides = array<i32>} : memref<9616xi32, #tpu.memory_space<vmem>>, vector<16xi32>,
    %add3A_957 = arith.constant 101000 : i32
    %add3A_958 = vector.broadcast %add3A_957 : i32 to vector<16xi32>
    %add3A_959 = arith.addi %get3A_956, %add3A_958 : vector<16xi32>
    %swap3A_960 = arith.constant 8560 : index
    %swap3A_961 = tpu.vector_load %arg8[%swap3A_960] {strides = array<i32>} : memref<9616xi32, #tpu.memory_space<vmem>>, vector<16xi32>,
    tpu.vector_store %arg8[%swap3A_960], %add3A_959 {strides = array<i32>} : memref<9616xi32, #tpu.memory_space<vmem>>, vector<16xi32>,
    %get3A_962 = arith.constant 8576 : index
    %get3A_963 = tpu.vector_load %arg8[%get3A_962] {strides = array<i32>} : memref<9616xi32, #tpu.memory_space<vmem>>, vector<16xi32>,
    %add3A_964 = arith.constant 101000 : i32
    %add3A_965 = vector.broadcast %add3A_964 : i32 to vector<16xi32>
    %add3A_966 = arith.addi %get3A_963, %add3A_965 : vector<16xi32>
    %swap3A_967 = arith.constant 8576 : index
    %swap3A_968 = tpu.vector_load %arg8[%swap3A_967] {strides = array<i32>} : memref<9616xi32, #tpu.memory_space<vmem>>, vector<16xi32>,
    tpu.vector_store %arg8[%swap3A_967], %add3A_966 {strides = array<i32>} : memref<9616xi32, #tpu.memory_space<vmem>>, vector<16xi32>,
    %get3A_969 = arith.constant 8592 : index
    %get3A_970 = tpu.vector_load %arg8[%get3A_969] {strides = array<i32>} : memref<9616xi32, #tpu.memory_space<vmem>>, vector<16xi32>,
    %add3A_971 = arith.constant 101000 : i32
    %add3A_972 = vector.broadcast %add3A_971 : i32 to vector<16xi32>
    %add3A_973 = arith.addi %get3A_970, %add3A_972 : vector<16xi32>
    %swap3A_974 = arith.constant 8592 : index
    %swap3A_975 = tpu.vector_load %arg8[%swap3A_974] {strides = array<i32>} : memref<9616xi32, #tpu.memory_space<vmem>>, vector<16xi32>,
    tpu.vector_store %arg8[%swap3A_974], %add3A_973 {strides = array<i32>} : memref<9616xi32, #tpu.memory_space<vmem>>, vector<16xi32>,
    %get3A_976 = arith.constant 8608 : index
    %get3A_977 = tpu.vector_load %arg8[%get3A_976] {strides = array<i32>} : memref<9616xi32, #tpu.memory_space<vmem>>, vector<16xi32>,
    %add3A_978 = arith.constant 101000 : i32
    %add3A_979 = vector.broadcast %add3A_978 : i32 to vector<16xi32>
    %add3A_980 = arith.addi %get3A_977, %add3A_979 : vector<16xi32>
    %swap3A_981 = arith.constant 8608 : index
    %swap3A_982 = tpu.vector_load %arg8[%swap3A_981] {strides = array<i32>} : memref<9616xi32, #tpu.memory_space<vmem>>, vector<16xi32>,
    tpu.vector_store %arg8[%swap3A_981], %add3A_980 {strides = array<i32>} : memref<9616xi32, #tpu.memory_space<vmem>>, vector<16xi32>,
    %get3A_983 = arith.constant 8624 : index
    %get3A_984 = tpu.vector_load %arg8[%get3A_983] {strides = array<i32>} : memref<9616xi32, #tpu.memory_space<vmem>>, vector<16xi32>,
    %add3A_985 = arith.constant 101000 : i32
    %add3A_986 = vector.broadcast %add3A_985 : i32 to vector<16xi32>
    %add3A_987 = arith.addi %get3A_984, %add3A_986 : vector<16xi32>
    %swap3A_988 = arith.constant 8624 : index
    %swap3A_989 = tpu.vector_load %arg8[%swap3A_988] {strides = array<i32>} : memref<9616xi32, #tpu.memory_space<vmem>>, vector<16xi32>,
    tpu.vector_store %arg8[%swap3A_988], %add3A_987 {strides = array<i32>} : memref<9616xi32, #tpu.memory_space<vmem>>, vector<16xi32>,
    %get3A_990 = arith.constant 8640 : index
    %get3A_991 = tpu.vector_load %arg8[%get3A_990] {strides = array<i32>} : memref<9616xi32, #tpu.memory_space<vmem>>, vector<16xi32>,
    %add3A_992 = arith.constant 101000 : i32
    %add3A_993 = vector.broadcast %add3A_992 : i32 to vector<16xi32>
    %add3A_994 = arith.addi %get3A_991, %add3A_993 : vector<16xi32>
    %swap3A_995 = arith.constant 8640 : index
    %swap3A_996 = tpu.vector_load %arg8[%swap3A_995] {strides = array<i32>} : memref<9616xi32, #tpu.memory_space<vmem>>, vector<16xi32>,
    tpu.vector_store %arg8[%swap3A_995], %add3A_994 {strides = array<i32>} : memref<9616xi32, #tpu.memory_space<vmem>>, vector<16xi32>,
    %get3A_997 = arith.constant 8656 : index
    %get3A_998 = tpu.vector_load %arg8[%get3A_997] {strides = array<i32>} : memref<9616xi32, #tpu.memory_space<vmem>>, vector<16xi32>,
    %add3A_999 = arith.constant 101000 : i32
    %add3A_1000 = vector.broadcast %add3A_999 : i32 to vector<16xi32>
    %add3A_1001 = arith.addi %get3A_998, %add3A_1000 : vector<16xi32>
    %swap3A_1002 = arith.constant 8656 : index
    %swap3A_1003 = tpu.vector_load %arg8[%swap3A_1002] {strides = array<i32>} : memref<9616xi32, #tpu.memory_space<vmem>>, vector<16xi32>,
    tpu.vector_store %arg8[%swap3A_1002], %add3A_1001 {strides = array<i32>} : memref<9616xi32, #tpu.memory_space<vmem>>, vector<16xi32>,
    %get3A_1004 = arith.constant 8672 : index
    %get3A_1005 = tpu.vector_load %arg8[%get3A_1004] {strides = array<i32>} : memref<9616xi32, #tpu.memory_space<vmem>>, vector<16xi32>,
    %add3A_1006 = arith.constant 101000 : i32
    %add3A_1007 = vector.broadcast %add3A_1006 : i32 to vector<16xi32>
    %add3A_1008 = arith.addi %get3A_1005, %add3A_1007 : vector<16xi32>
    %swap3A_1009 = arith.constant 8672 : index
    %swap3A_1010 = tpu.vector_load %arg8[%swap3A_1009] {strides = array<i32>} : memref<9616xi32, #tpu.memory_space<vmem>>, vector<16xi32>,
    tpu.vector_store %arg8[%swap3A_1009], %add3A_1008 {strides = array<i32>} : memref<9616xi32, #tpu.memory_space<vmem>>, vector<16xi32>,
    %get3A_1011 = arith.constant 8688 : index
    %get3A_1012 = tpu.vector_load %arg8[%get3A_1011] {strides = array<i32>} : memref<9616xi32, #tpu.memory_space<vmem>>, vector<16xi32>,
    %add3A_1013 = arith.constant 101000 : i32
    %add3A_1014 = vector.broadcast %add3A_1013 : i32 to vector<16xi32>
    %add3A_1015 = arith.addi %get3A_1012, %add3A_1014 : vector<16xi32>
    %swap3A_1016 = arith.constant 8688 : index
    %swap3A_1017 = tpu.vector_load %arg8[%swap3A_1016] {strides = array<i32>} : memref<9616xi32, #tpu.memory_space<vmem>>, vector<16xi32>,
    tpu.vector_store %arg8[%swap3A_1016], %add3A_1015 {strides = array<i32>} : memref<9616xi32, #tpu.memory_space<vmem>>, vector<16xi32>,
    %get3A_1018 = arith.constant 8704 : index
    %get3A_1019 = tpu.vector_load %arg8[%get3A_1018] {strides = array<i32>} : memref<9616xi32, #tpu.memory_space<vmem>>, vector<16xi32>,
    %add3A_1020 = arith.constant 101000 : i32
    %add3A_1021 = vector.broadcast %add3A_1020 : i32 to vector<16xi32>
    %add3A_1022 = arith.addi %get3A_1019, %add3A_1021 : vector<16xi32>
    %swap3A_1023 = arith.constant 8704 : index
    %swap3A_1024 = tpu.vector_load %arg8[%swap3A_1023] {strides = array<i32>} : memref<9616xi32, #tpu.memory_space<vmem>>, vector<16xi32>,
    tpu.vector_store %arg8[%swap3A_1023], %add3A_1022 {strides = array<i32>} : memref<9616xi32, #tpu.memory_space<vmem>>, vector<16xi32>,
    %get3A_1025 = arith.constant 8720 : index
    %get3A_1026 = tpu.vector_load %arg8[%get3A_1025] {strides = array<i32>} : memref<9616xi32, #tpu.memory_space<vmem>>, vector<16xi32>,
    %add3A_1027 = arith.constant 101000 : i32
    %add3A_1028 = vector.broadcast %add3A_1027 : i32 to vector<16xi32>
    %add3A_1029 = arith.addi %get3A_1026, %add3A_1028 : vector<16xi32>
    %swap3A_1030 = arith.constant 8720 : index
    %swap3A_1031 = tpu.vector_load %arg8[%swap3A_1030] {strides = array<i32>} : memref<9616xi32, #tpu.memory_space<vmem>>, vector<16xi32>,
    tpu.vector_store %arg8[%swap3A_1030], %add3A_1029 {strides = array<i32>} : memref<9616xi32, #tpu.memory_space<vmem>>, vector<16xi32>,
    %get3A_1032 = arith.constant 8736 : index
    %get3A_1033 = tpu.vector_load %arg8[%get3A_1032] {strides = array<i32>} : memref<9616xi32, #tpu.memory_space<vmem>>, vector<16xi32>,
    %add3A_1034 = arith.constant 101000 : i32
    %add3A_1035 = vector.broadcast %add3A_1034 : i32 to vector<16xi32>
    %add3A_1036 = arith.addi %get3A_1033, %add3A_1035 : vector<16xi32>
    %swap3A_1037 = arith.constant 8736 : index
    %swap3A_1038 = tpu.vector_load %arg8[%swap3A_1037] {strides = array<i32>} : memref<9616xi32, #tpu.memory_space<vmem>>, vector<16xi32>,
    tpu.vector_store %arg8[%swap3A_1037], %add3A_1036 {strides = array<i32>} : memref<9616xi32, #tpu.memory_space<vmem>>, vector<16xi32>,
    %get3A_1039 = arith.constant 8752 : index
    %get3A_1040 = tpu.vector_load %arg8[%get3A_1039] {strides = array<i32>} : memref<9616xi32, #tpu.memory_space<vmem>>, vector<16xi32>,
    %add3A_1041 = arith.constant 101000 : i32
    %add3A_1042 = vector.broadcast %add3A_1041 : i32 to vector<16xi32>
    %add3A_1043 = arith.addi %get3A_1040, %add3A_1042 : vector<16xi32>
    %swap3A_1044 = arith.constant 8752 : index
    %swap3A_1045 = tpu.vector_load %arg8[%swap3A_1044] {strides = array<i32>} : memref<9616xi32, #tpu.memory_space<vmem>>, vector<16xi32>,
    tpu.vector_store %arg8[%swap3A_1044], %add3A_1043 {strides = array<i32>} : memref<9616xi32, #tpu.memory_space<vmem>>, vector<16xi32>,
    %get3A_1046 = arith.constant 8768 : index
    %get3A_1047 = tpu.vector_load %arg8[%get3A_1046] {strides = array<i32>} : memref<9616xi32, #tpu.memory_space<vmem>>, vector<16xi32>,
    %add3A_1048 = arith.constant 101000 : i32
    %add3A_1049 = vector.broadcast %add3A_1048 : i32 to vector<16xi32>
    %add3A_1050 = arith.addi %get3A_1047, %add3A_1049 : vector<16xi32>
    %swap3A_1051 = arith.constant 8768 : index
    %swap3A_1052 = tpu.vector_load %arg8[%swap3A_1051] {strides = array<i32>} : memref<9616xi32, #tpu.memory_space<vmem>>, vector<16xi32>,
    tpu.vector_store %arg8[%swap3A_1051], %add3A_1050 {strides = array<i32>} : memref<9616xi32, #tpu.memory_space<vmem>>, vector<16xi32>,
    %get3A_1053 = arith.constant 8784 : index
    %get3A_1054 = tpu.vector_load %arg8[%get3A_1053] {strides = array<i32>} : memref<9616xi32, #tpu.memory_space<vmem>>, vector<16xi32>,
    %add3A_1055 = arith.constant 101000 : i32
    %add3A_1056 = vector.broadcast %add3A_1055 : i32 to vector<16xi32>
    %add3A_1057 = arith.addi %get3A_1054, %add3A_1056 : vector<16xi32>
    %swap3A_1058 = arith.constant 8784 : index
    %swap3A_1059 = tpu.vector_load %arg8[%swap3A_1058] {strides = array<i32>} : memref<9616xi32, #tpu.memory_space<vmem>>, vector<16xi32>,
    tpu.vector_store %arg8[%swap3A_1058], %add3A_1057 {strides = array<i32>} : memref<9616xi32, #tpu.memory_space<vmem>>, vector<16xi32>,
    %get3A_1060 = arith.constant 8800 : index
    %get3A_1061 = tpu.vector_load %arg8[%get3A_1060] {strides = array<i32>} : memref<9616xi32, #tpu.memory_space<vmem>>, vector<16xi32>,
    %add3A_1062 = arith.constant 101000 : i32
    %add3A_1063 = vector.broadcast %add3A_1062 : i32 to vector<16xi32>
    %add3A_1064 = arith.addi %get3A_1061, %add3A_1063 : vector<16xi32>
    %swap3A_1065 = arith.constant 8800 : index
    %swap3A_1066 = tpu.vector_load %arg8[%swap3A_1065] {strides = array<i32>} : memref<9616xi32, #tpu.memory_space<vmem>>, vector<16xi32>,
    tpu.vector_store %arg8[%swap3A_1065], %add3A_1064 {strides = array<i32>} : memref<9616xi32, #tpu.memory_space<vmem>>, vector<16xi32>,
    %get3A_1067 = arith.constant 8816 : index
    %get3A_1068 = tpu.vector_load %arg8[%get3A_1067] {strides = array<i32>} : memref<9616xi32, #tpu.memory_space<vmem>>, vector<16xi32>,
    %add3A_1069 = arith.constant 101000 : i32
    %add3A_1070 = vector.broadcast %add3A_1069 : i32 to vector<16xi32>
    %add3A_1071 = arith.addi %get3A_1068, %add3A_1070 : vector<16xi32>
    %swap3A_1072 = arith.constant 8816 : index
    %swap3A_1073 = tpu.vector_load %arg8[%swap3A_1072] {strides = array<i32>} : memref<9616xi32, #tpu.memory_space<vmem>>, vector<16xi32>,
    tpu.vector_store %arg8[%swap3A_1072], %add3A_1071 {strides = array<i32>} : memref<9616xi32, #tpu.memory_space<vmem>>, vector<16xi32>,
    %get3A_1074 = arith.constant 8832 : index
    %get3A_1075 = tpu.vector_load %arg8[%get3A_1074] {strides = array<i32>} : memref<9616xi32, #tpu.memory_space<vmem>>, vector<16xi32>,
    %add3A_1076 = arith.constant 101000 : i32
    %add3A_1077 = vector.broadcast %add3A_1076 : i32 to vector<16xi32>
    %add3A_1078 = arith.addi %get3A_1075, %add3A_1077 : vector<16xi32>
    %swap3A_1079 = arith.constant 8832 : index
    %swap3A_1080 = tpu.vector_load %arg8[%swap3A_1079] {strides = array<i32>} : memref<9616xi32, #tpu.memory_space<vmem>>, vector<16xi32>,
    tpu.vector_store %arg8[%swap3A_1079], %add3A_1078 {strides = array<i32>} : memref<9616xi32, #tpu.memory_space<vmem>>, vector<16xi32>,
    %get3A_1081 = arith.constant 8848 : index
    %get3A_1082 = tpu.vector_load %arg8[%get3A_1081] {strides = array<i32>} : memref<9616xi32, #tpu.memory_space<vmem>>, vector<16xi32>,
    %add3A_1083 = arith.constant 101000 : i32
    %add3A_1084 = vector.broadcast %add3A_1083 : i32 to vector<16xi32>
    %add3A_1085 = arith.addi %get3A_1082, %add3A_1084 : vector<16xi32>
    %swap3A_1086 = arith.constant 8848 : index
    %swap3A_1087 = tpu.vector_load %arg8[%swap3A_1086] {strides = array<i32>} : memref<9616xi32, #tpu.memory_space<vmem>>, vector<16xi32>,
    tpu.vector_store %arg8[%swap3A_1086], %add3A_1085 {strides = array<i32>} : memref<9616xi32, #tpu.memory_space<vmem>>, vector<16xi32>,
    %get3A_1088 = arith.constant 8864 : index
    %get3A_1089 = tpu.vector_load %arg8[%get3A_1088] {strides = array<i32>} : memref<9616xi32, #tpu.memory_space<vmem>>, vector<16xi32>,
    %add3A_1090 = arith.constant 101000 : i32
    %add3A_1091 = vector.broadcast %add3A_1090 : i32 to vector<16xi32>
    %add3A_1092 = arith.addi %get3A_1089, %add3A_1091 : vector<16xi32>
    %swap3A_1093 = arith.constant 8864 : index
    %swap3A_1094 = tpu.vector_load %arg8[%swap3A_1093] {strides = array<i32>} : memref<9616xi32, #tpu.memory_space<vmem>>, vector<16xi32>,
    tpu.vector_store %arg8[%swap3A_1093], %add3A_1092 {strides = array<i32>} : memref<9616xi32, #tpu.memory_space<vmem>>, vector<16xi32>,
    %get3A_1095 = arith.constant 8880 : index
    %get3A_1096 = tpu.vector_load %arg8[%get3A_1095] {strides = array<i32>} : memref<9616xi32, #tpu.memory_space<vmem>>, vector<16xi32>,
    %add3A_1097 = arith.constant 101000 : i32
    %add3A_1098 = vector.broadcast %add3A_1097 : i32 to vector<16xi32>
    %add3A_1099 = arith.addi %get3A_1096, %add3A_1098 : vector<16xi32>
    %swap3A_1100 = arith.constant 8880 : index
    %swap3A_1101 = tpu.vector_load %arg8[%swap3A_1100] {strides = array<i32>} : memref<9616xi32, #tpu.memory_space<vmem>>, vector<16xi32>,
    tpu.vector_store %arg8[%swap3A_1100], %add3A_1099 {strides = array<i32>} : memref<9616xi32, #tpu.memory_space<vmem>>, vector<16xi32>,
    %get3A_1102 = arith.constant 8896 : index
    %get3A_1103 = tpu.vector_load %arg8[%get3A_1102] {strides = array<i32>} : memref<9616xi32, #tpu.memory_space<vmem>>, vector<16xi32>,
    %add3A_1104 = arith.constant 101000 : i32
    %add3A_1105 = vector.broadcast %add3A_1104 : i32 to vector<16xi32>
    %add3A_1106 = arith.addi %get3A_1103, %add3A_1105 : vector<16xi32>
    %swap3A_1107 = arith.constant 8896 : index
    %swap3A_1108 = tpu.vector_load %arg8[%swap3A_1107] {strides = array<i32>} : memref<9616xi32, #tpu.memory_space<vmem>>, vector<16xi32>,
    tpu.vector_store %arg8[%swap3A_1107], %add3A_1106 {strides = array<i32>} : memref<9616xi32, #tpu.memory_space<vmem>>, vector<16xi32>,
    %get3A_1109 = arith.constant 8912 : index
    %get3A_1110 = tpu.vector_load %arg8[%get3A_1109] {strides = array<i32>} : memref<9616xi32, #tpu.memory_space<vmem>>, vector<16xi32>,
    %add3A_1111 = arith.constant 101000 : i32
    %add3A_1112 = vector.broadcast %add3A_1111 : i32 to vector<16xi32>
    %add3A_1113 = arith.addi %get3A_1110, %add3A_1112 : vector<16xi32>
    %swap3A_1114 = arith.constant 8912 : index
    %swap3A_1115 = tpu.vector_load %arg8[%swap3A_1114] {strides = array<i32>} : memref<9616xi32, #tpu.memory_space<vmem>>, vector<16xi32>,
    tpu.vector_store %arg8[%swap3A_1114], %add3A_1113 {strides = array<i32>} : memref<9616xi32, #tpu.memory_space<vmem>>, vector<16xi32>,
    %get3A_1116 = arith.constant 8928 : index
    %get3A_1117 = tpu.vector_load %arg8[%get3A_1116] {strides = array<i32>} : memref<9616xi32, #tpu.memory_space<vmem>>, vector<16xi32>,
    %add3A_1118 = arith.constant 101000 : i32
    %add3A_1119 = vector.broadcast %add3A_1118 : i32 to vector<16xi32>
    %add3A_1120 = arith.addi %get3A_1117, %add3A_1119 : vector<16xi32>
    %swap3A_1121 = arith.constant 8928 : index
    %swap3A_1122 = tpu.vector_load %arg8[%swap3A_1121] {strides = array<i32>} : memref<9616xi32, #tpu.memory_space<vmem>>, vector<16xi32>,
    tpu.vector_store %arg8[%swap3A_1121], %add3A_1120 {strides = array<i32>} : memref<9616xi32, #tpu.memory_space<vmem>>, vector<16xi32>,
    %get3A_1123 = arith.constant 8944 : index
    %get3A_1124 = tpu.vector_load %arg8[%get3A_1123] {strides = array<i32>} : memref<9616xi32, #tpu.memory_space<vmem>>, vector<16xi32>,
    %add3A_1125 = arith.constant 101000 : i32
    %add3A_1126 = vector.broadcast %add3A_1125 : i32 to vector<16xi32>
    %add3A_1127 = arith.addi %get3A_1124, %add3A_1126 : vector<16xi32>
    %swap3A_1128 = arith.constant 8944 : index
    %swap3A_1129 = tpu.vector_load %arg8[%swap3A_1128] {strides = array<i32>} : memref<9616xi32, #tpu.memory_space<vmem>>, vector<16xi32>,
    tpu.vector_store %arg8[%swap3A_1128], %add3A_1127 {strides = array<i32>} : memref<9616xi32, #tpu.memory_space<vmem>>, vector<16xi32>,
    %get3A_1130 = arith.constant 8960 : index
    %get3A_1131 = tpu.vector_load %arg8[%get3A_1130] {strides = array<i32>} : memref<9616xi32, #tpu.memory_space<vmem>>, vector<16xi32>,
    %add3A_1132 = arith.constant 101000 : i32
    %add3A_1133 = vector.broadcast %add3A_1132 : i32 to vector<16xi32>
    %add3A_1134 = arith.addi %get3A_1131, %add3A_1133 : vector<16xi32>
    %swap3A_1135 = arith.constant 8960 : index
    %swap3A_1136 = tpu.vector_load %arg8[%swap3A_1135] {strides = array<i32>} : memref<9616xi32, #tpu.memory_space<vmem>>, vector<16xi32>,
    tpu.vector_store %arg8[%swap3A_1135], %add3A_1134 {strides = array<i32>} : memref<9616xi32, #tpu.memory_space<vmem>>, vector<16xi32>,
    %get3A_1137 = arith.constant 8976 : index
    %get3A_1138 = tpu.vector_load %arg8[%get3A_1137] {strides = array<i32>} : memref<9616xi32, #tpu.memory_space<vmem>>, vector<16xi32>,
    %add3A_1139 = arith.constant 101000 : i32
    %add3A_1140 = vector.broadcast %add3A_1139 : i32 to vector<16xi32>
    %add3A_1141 = arith.addi %get3A_1138, %add3A_1140 : vector<16xi32>
    %swap3A_1142 = arith.constant 8976 : index
    %swap3A_1143 = tpu.vector_load %arg8[%swap3A_1142] {strides = array<i32>} : memref<9616xi32, #tpu.memory_space<vmem>>, vector<16xi32>,
    tpu.vector_store %arg8[%swap3A_1142], %add3A_1141 {strides = array<i32>} : memref<9616xi32, #tpu.memory_space<vmem>>, vector<16xi32>,
    %get3A_1144 = arith.constant 8992 : index
    %get3A_1145 = tpu.vector_load %arg8[%get3A_1144] {strides = array<i32>} : memref<9616xi32, #tpu.memory_space<vmem>>, vector<16xi32>,
    %add3A_1146 = arith.constant 101000 : i32
    %add3A_1147 = vector.broadcast %add3A_1146 : i32 to vector<16xi32>
    %add3A_1148 = arith.addi %get3A_1145, %add3A_1147 : vector<16xi32>
    %swap3A_1149 = arith.constant 8992 : index
    %swap3A_1150 = tpu.vector_load %arg8[%swap3A_1149] {strides = array<i32>} : memref<9616xi32, #tpu.memory_space<vmem>>, vector<16xi32>,
    tpu.vector_store %arg8[%swap3A_1149], %add3A_1148 {strides = array<i32>} : memref<9616xi32, #tpu.memory_space<vmem>>, vector<16xi32>,
    %get3A_1151 = arith.constant 9008 : index
    %get3A_1152 = tpu.vector_load %arg8[%get3A_1151] {strides = array<i32>} : memref<9616xi32, #tpu.memory_space<vmem>>, vector<16xi32>,
    %add3A_1153 = arith.constant 101000 : i32
    %add3A_1154 = vector.broadcast %add3A_1153 : i32 to vector<16xi32>
    %add3A_1155 = arith.addi %get3A_1152, %add3A_1154 : vector<16xi32>
    %swap3A_1156 = arith.constant 9008 : index
    %swap3A_1157 = tpu.vector_load %arg8[%swap3A_1156] {strides = array<i32>} : memref<9616xi32, #tpu.memory_space<vmem>>, vector<16xi32>,
    tpu.vector_store %arg8[%swap3A_1156], %add3A_1155 {strides = array<i32>} : memref<9616xi32, #tpu.memory_space<vmem>>, vector<16xi32>,
    %get3A_1158 = arith.constant 9024 : index
    %get3A_1159 = tpu.vector_load %arg8[%get3A_1158] {strides = array<i32>} : memref<9616xi32, #tpu.memory_space<vmem>>, vector<16xi32>,
    %add3A_1160 = arith.constant 101000 : i32
    %add3A_1161 = vector.broadcast %add3A_1160 : i32 to vector<16xi32>
    %add3A_1162 = arith.addi %get3A_1159, %add3A_1161 : vector<16xi32>
    %swap3A_1163 = arith.constant 9024 : index
    %swap3A_1164 = tpu.vector_load %arg8[%swap3A_1163] {strides = array<i32>} : memref<9616xi32, #tpu.memory_space<vmem>>, vector<16xi32>,
    tpu.vector_store %arg8[%swap3A_1163], %add3A_1162 {strides = array<i32>} : memref<9616xi32, #tpu.memory_space<vmem>>, vector<16xi32>,
    %get3A_1165 = arith.constant 9040 : index
    %get3A_1166 = tpu.vector_load %arg8[%get3A_1165] {strides = array<i32>} : memref<9616xi32, #tpu.memory_space<vmem>>, vector<16xi32>,
    %add3A_1167 = arith.constant 101000 : i32
    %add3A_1168 = vector.broadcast %add3A_1167 : i32 to vector<16xi32>
    %add3A_1169 = arith.addi %get3A_1166, %add3A_1168 : vector<16xi32>
    %swap3A_1170 = arith.constant 9040 : index
    %swap3A_1171 = tpu.vector_load %arg8[%swap3A_1170] {strides = array<i32>} : memref<9616xi32, #tpu.memory_space<vmem>>, vector<16xi32>,
    tpu.vector_store %arg8[%swap3A_1170], %add3A_1169 {strides = array<i32>} : memref<9616xi32, #tpu.memory_space<vmem>>, vector<16xi32>,
    %get3A_1172 = arith.constant 9056 : index
    %get3A_1173 = tpu.vector_load %arg8[%get3A_1172] {strides = array<i32>} : memref<9616xi32, #tpu.memory_space<vmem>>, vector<16xi32>,
    %add3A_1174 = arith.constant 101000 : i32
    %add3A_1175 = vector.broadcast %add3A_1174 : i32 to vector<16xi32>
    %add3A_1176 = arith.addi %get3A_1173, %add3A_1175 : vector<16xi32>
    %swap3A_1177 = arith.constant 9056 : index
    %swap3A_1178 = tpu.vector_load %arg8[%swap3A_1177] {strides = array<i32>} : memref<9616xi32, #tpu.memory_space<vmem>>, vector<16xi32>,
    tpu.vector_store %arg8[%swap3A_1177], %add3A_1176 {strides = array<i32>} : memref<9616xi32, #tpu.memory_space<vmem>>, vector<16xi32>,
    %get3A_1179 = arith.constant 9072 : index
    %get3A_1180 = tpu.vector_load %arg8[%get3A_1179] {strides = array<i32>} : memref<9616xi32, #tpu.memory_space<vmem>>, vector<16xi32>,
    %add3A_1181 = arith.constant 101000 : i32
    %add3A_1182 = vector.broadcast %add3A_1181 : i32 to vector<16xi32>
    %add3A_1183 = arith.addi %get3A_1180, %add3A_1182 : vector<16xi32>
    %swap3A_1184 = arith.constant 9072 : index
    %swap3A_1185 = tpu.vector_load %arg8[%swap3A_1184] {strides = array<i32>} : memref<9616xi32, #tpu.memory_space<vmem>>, vector<16xi32>,
    tpu.vector_store %arg8[%swap3A_1184], %add3A_1183 {strides = array<i32>} : memref<9616xi32, #tpu.memory_space<vmem>>, vector<16xi32>,
    %get3A_1186 = arith.constant 9088 : index
    %get3A_1187 = tpu.vector_load %arg8[%get3A_1186] {strides = array<i32>} : memref<9616xi32, #tpu.memory_space<vmem>>, vector<16xi32>,
    %add3A_1188 = arith.constant 101000 : i32
    %add3A_1189 = vector.broadcast %add3A_1188 : i32 to vector<16xi32>
    %add3A_1190 = arith.addi %get3A_1187, %add3A_1189 : vector<16xi32>
    %swap3A_1191 = arith.constant 9088 : index
    %swap3A_1192 = tpu.vector_load %arg8[%swap3A_1191] {strides = array<i32>} : memref<9616xi32, #tpu.memory_space<vmem>>, vector<16xi32>,
    tpu.vector_store %arg8[%swap3A_1191], %add3A_1190 {strides = array<i32>} : memref<9616xi32, #tpu.memory_space<vmem>>, vector<16xi32>,
    %get3A_1193 = arith.constant 9104 : index
    %get3A_1194 = tpu.vector_load %arg8[%get3A_1193] {strides = array<i32>} : memref<9616xi32, #tpu.memory_space<vmem>>, vector<16xi32>,
    %add3A_1195 = arith.constant 101000 : i32
    %add3A_1196 = vector.broadcast %add3A_1195 : i32 to vector<16xi32>
    %add3A_1197 = arith.addi %get3A_1194, %add3A_1196 : vector<16xi32>
    %swap3A_1198 = arith.constant 9104 : index
    %swap3A_1199 = tpu.vector_load %arg8[%swap3A_1198] {strides = array<i32>} : memref<9616xi32, #tpu.memory_space<vmem>>, vector<16xi32>,
    tpu.vector_store %arg8[%swap3A_1198], %add3A_1197 {strides = array<i32>} : memref<9616xi32, #tpu.memory_space<vmem>>, vector<16xi32>,
    %get3A_1200 = arith.constant 9120 : index
    %get3A_1201 = tpu.vector_load %arg8[%get3A_1200] {strides = array<i32>} : memref<9616xi32, #tpu.memory_space<vmem>>, vector<16xi32>,
    %add3A_1202 = arith.constant 101000 : i32
    %add3A_1203 = vector.broadcast %add3A_1202 : i32 to vector<16xi32>
    %add3A_1204 = arith.addi %get3A_1201, %add3A_1203 : vector<16xi32>
    %swap3A_1205 = arith.constant 9120 : index
    %swap3A_1206 = tpu.vector_load %arg8[%swap3A_1205] {strides = array<i32>} : memref<9616xi32, #tpu.memory_space<vmem>>, vector<16xi32>,
    tpu.vector_store %arg8[%swap3A_1205], %add3A_1204 {strides = array<i32>} : memref<9616xi32, #tpu.memory_space<vmem>>, vector<16xi32>,
    %get3A_1207 = arith.constant 9136 : index
    %get3A_1208 = tpu.vector_load %arg8[%get3A_1207] {strides = array<i32>} : memref<9616xi32, #tpu.memory_space<vmem>>, vector<16xi32>,
    %add3A_1209 = arith.constant 101000 : i32
    %add3A_1210 = vector.broadcast %add3A_1209 : i32 to vector<16xi32>
    %add3A_1211 = arith.addi %get3A_1208, %add3A_1210 : vector<16xi32>
    %swap3A_1212 = arith.constant 9136 : index
    %swap3A_1213 = tpu.vector_load %arg8[%swap3A_1212] {strides = array<i32>} : memref<9616xi32, #tpu.memory_space<vmem>>, vector<16xi32>,
    tpu.vector_store %arg8[%swap3A_1212], %add3A_1211 {strides = array<i32>} : memref<9616xi32, #tpu.memory_space<vmem>>, vector<16xi32>,
    %get3A_1214 = arith.constant 9152 : index
    %get3A_1215 = tpu.vector_load %arg8[%get3A_1214] {strides = array<i32>} : memref<9616xi32, #tpu.memory_space<vmem>>, vector<16xi32>,
    %add3A_1216 = arith.constant 101000 : i32
    %add3A_1217 = vector.broadcast %add3A_1216 : i32 to vector<16xi32>
    %add3A_1218 = arith.addi %get3A_1215, %add3A_1217 : vector<16xi32>
    %swap3A_1219 = arith.constant 9152 : index
    %swap3A_1220 = tpu.vector_load %arg8[%swap3A_1219] {strides = array<i32>} : memref<9616xi32, #tpu.memory_space<vmem>>, vector<16xi32>,
    tpu.vector_store %arg8[%swap3A_1219], %add3A_1218 {strides = array<i32>} : memref<9616xi32, #tpu.memory_space<vmem>>, vector<16xi32>,
    %get3A_1221 = arith.constant 9168 : index
    %get3A_1222 = tpu.vector_load %arg8[%get3A_1221] {strides = array<i32>} : memref<9616xi32, #tpu.memory_space<vmem>>, vector<16xi32>,
    %add3A_1223 = arith.constant 101000 : i32
    %add3A_1224 = vector.broadcast %add3A_1223 : i32 to vector<16xi32>
    %add3A_1225 = arith.addi %get3A_1222, %add3A_1224 : vector<16xi32>
    %swap3A_1226 = arith.constant 9168 : index
    %swap3A_1227 = tpu.vector_load %arg8[%swap3A_1226] {strides = array<i32>} : memref<9616xi32, #tpu.memory_space<vmem>>, vector<16xi32>,
    tpu.vector_store %arg8[%swap3A_1226], %add3A_1225 {strides = array<i32>} : memref<9616xi32, #tpu.memory_space<vmem>>, vector<16xi32>,
    %get3A_1228 = arith.constant 9184 : index
    %get3A_1229 = tpu.vector_load %arg8[%get3A_1228] {strides = array<i32>} : memref<9616xi32, #tpu.memory_space<vmem>>, vector<16xi32>,
    %add3A_1230 = arith.constant 101000 : i32
    %add3A_1231 = vector.broadcast %add3A_1230 : i32 to vector<16xi32>
    %add3A_1232 = arith.addi %get3A_1229, %add3A_1231 : vector<16xi32>
    %swap3A_1233 = arith.constant 9184 : index
    %swap3A_1234 = tpu.vector_load %arg8[%swap3A_1233] {strides = array<i32>} : memref<9616xi32, #tpu.memory_space<vmem>>, vector<16xi32>,
    tpu.vector_store %arg8[%swap3A_1233], %add3A_1232 {strides = array<i32>} : memref<9616xi32, #tpu.memory_space<vmem>>, vector<16xi32>,
    %get3A_1235 = arith.constant 9200 : index
    %get3A_1236 = tpu.vector_load %arg8[%get3A_1235] {strides = array<i32>} : memref<9616xi32, #tpu.memory_space<vmem>>, vector<16xi32>,
    %add3A_1237 = arith.constant 101000 : i32
    %add3A_1238 = vector.broadcast %add3A_1237 : i32 to vector<16xi32>
    %add3A_1239 = arith.addi %get3A_1236, %add3A_1238 : vector<16xi32>
    %swap3A_1240 = arith.constant 9200 : index
    %swap3A_1241 = tpu.vector_load %arg8[%swap3A_1240] {strides = array<i32>} : memref<9616xi32, #tpu.memory_space<vmem>>, vector<16xi32>,
    tpu.vector_store %arg8[%swap3A_1240], %add3A_1239 {strides = array<i32>} : memref<9616xi32, #tpu.memory_space<vmem>>, vector<16xi32>,
    %get3A_1242 = arith.constant 9216 : index
    %get3A_1243 = tpu.vector_load %arg8[%get3A_1242] {strides = array<i32>} : memref<9616xi32, #tpu.memory_space<vmem>>, vector<16xi32>,
    %add3A_1244 = arith.constant 101000 : i32
    %add3A_1245 = vector.broadcast %add3A_1244 : i32 to vector<16xi32>
    %add3A_1246 = arith.addi %get3A_1243, %add3A_1245 : vector<16xi32>
    %swap3A_1247 = arith.constant 9216 : index
    %swap3A_1248 = tpu.vector_load %arg8[%swap3A_1247] {strides = array<i32>} : memref<9616xi32, #tpu.memory_space<vmem>>, vector<16xi32>,
    tpu.vector_store %arg8[%swap3A_1247], %add3A_1246 {strides = array<i32>} : memref<9616xi32, #tpu.memory_space<vmem>>, vector<16xi32>,
    %get3A_1249 = arith.constant 9232 : index
    %get3A_1250 = tpu.vector_load %arg8[%get3A_1249] {strides = array<i32>} : memref<9616xi32, #tpu.memory_space<vmem>>, vector<16xi32>,
    %add3A_1251 = arith.constant 101000 : i32
    %add3A_1252 = vector.broadcast %add3A_1251 : i32 to vector<16xi32>
    %add3A_1253 = arith.addi %get3A_1250, %add3A_1252 : vector<16xi32>
    %swap3A_1254 = arith.constant 9232 : index
    %swap3A_1255 = tpu.vector_load %arg8[%swap3A_1254] {strides = array<i32>} : memref<9616xi32, #tpu.memory_space<vmem>>, vector<16xi32>,
    tpu.vector_store %arg8[%swap3A_1254], %add3A_1253 {strides = array<i32>} : memref<9616xi32, #tpu.memory_space<vmem>>, vector<16xi32>,
    %get3A_1256 = arith.constant 9248 : index
    %get3A_1257 = tpu.vector_load %arg8[%get3A_1256] {strides = array<i32>} : memref<9616xi32, #tpu.memory_space<vmem>>, vector<16xi32>,
    %add3A_1258 = arith.constant 101000 : i32
    %add3A_1259 = vector.broadcast %add3A_1258 : i32 to vector<16xi32>
    %add3A_1260 = arith.addi %get3A_1257, %add3A_1259 : vector<16xi32>
    %swap3A_1261 = arith.constant 9248 : index
    %swap3A_1262 = tpu.vector_load %arg8[%swap3A_1261] {strides = array<i32>} : memref<9616xi32, #tpu.memory_space<vmem>>, vector<16xi32>,
    tpu.vector_store %arg8[%swap3A_1261], %add3A_1260 {strides = array<i32>} : memref<9616xi32, #tpu.memory_space<vmem>>, vector<16xi32>,
    %get3A_1263 = arith.constant 9264 : index
    %get3A_1264 = tpu.vector_load %arg8[%get3A_1263] {strides = array<i32>} : memref<9616xi32, #tpu.memory_space<vmem>>, vector<16xi32>,
    %add3A_1265 = arith.constant 101000 : i32
    %add3A_1266 = vector.broadcast %add3A_1265 : i32 to vector<16xi32>
    %add3A_1267 = arith.addi %get3A_1264, %add3A_1266 : vector<16xi32>
    %swap3A_1268 = arith.constant 9264 : index
    %swap3A_1269 = tpu.vector_load %arg8[%swap3A_1268] {strides = array<i32>} : memref<9616xi32, #tpu.memory_space<vmem>>, vector<16xi32>,
    tpu.vector_store %arg8[%swap3A_1268], %add3A_1267 {strides = array<i32>} : memref<9616xi32, #tpu.memory_space<vmem>>, vector<16xi32>,
    %get3A_1270 = arith.constant 9280 : index
    %get3A_1271 = tpu.vector_load %arg8[%get3A_1270] {strides = array<i32>} : memref<9616xi32, #tpu.memory_space<vmem>>, vector<16xi32>,
    %add3A_1272 = arith.constant 101000 : i32
    %add3A_1273 = vector.broadcast %add3A_1272 : i32 to vector<16xi32>
    %add3A_1274 = arith.addi %get3A_1271, %add3A_1273 : vector<16xi32>
    %swap3A_1275 = arith.constant 9280 : index
    %swap3A_1276 = tpu.vector_load %arg8[%swap3A_1275] {strides = array<i32>} : memref<9616xi32, #tpu.memory_space<vmem>>, vector<16xi32>,
    tpu.vector_store %arg8[%swap3A_1275], %add3A_1274 {strides = array<i32>} : memref<9616xi32, #tpu.memory_space<vmem>>, vector<16xi32>,
    %get3A_1277 = arith.constant 9296 : index
    %get3A_1278 = tpu.vector_load %arg8[%get3A_1277] {strides = array<i32>} : memref<9616xi32, #tpu.memory_space<vmem>>, vector<16xi32>,
    %add3A_1279 = arith.constant 101000 : i32
    %add3A_1280 = vector.broadcast %add3A_1279 : i32 to vector<16xi32>
    %add3A_1281 = arith.addi %get3A_1278, %add3A_1280 : vector<16xi32>
    %swap3A_1282 = arith.constant 9296 : index
    %swap3A_1283 = tpu.vector_load %arg8[%swap3A_1282] {strides = array<i32>} : memref<9616xi32, #tpu.memory_space<vmem>>, vector<16xi32>,
    tpu.vector_store %arg8[%swap3A_1282], %add3A_1281 {strides = array<i32>} : memref<9616xi32, #tpu.memory_space<vmem>>, vector<16xi32>,
    %get3A_1284 = arith.constant 9312 : index
    %get3A_1285 = tpu.vector_load %arg8[%get3A_1284] {strides = array<i32>} : memref<9616xi32, #tpu.memory_space<vmem>>, vector<16xi32>,
    %add3A_1286 = arith.constant 101000 : i32
    %add3A_1287 = vector.broadcast %add3A_1286 : i32 to vector<16xi32>
    %add3A_1288 = arith.addi %get3A_1285, %add3A_1287 : vector<16xi32>
    %swap3A_1289 = arith.constant 9312 : index
    %swap3A_1290 = tpu.vector_load %arg8[%swap3A_1289] {strides = array<i32>} : memref<9616xi32, #tpu.memory_space<vmem>>, vector<16xi32>,
    tpu.vector_store %arg8[%swap3A_1289], %add3A_1288 {strides = array<i32>} : memref<9616xi32, #tpu.memory_space<vmem>>, vector<16xi32>,
    %get3A_1291 = arith.constant 9328 : index
    %get3A_1292 = tpu.vector_load %arg8[%get3A_1291] {strides = array<i32>} : memref<9616xi32, #tpu.memory_space<vmem>>, vector<16xi32>,
    %add3A_1293 = arith.constant 101000 : i32
    %add3A_1294 = vector.broadcast %add3A_1293 : i32 to vector<16xi32>
    %add3A_1295 = arith.addi %get3A_1292, %add3A_1294 : vector<16xi32>
    %swap3A_1296 = arith.constant 9328 : index
    %swap3A_1297 = tpu.vector_load %arg8[%swap3A_1296] {strides = array<i32>} : memref<9616xi32, #tpu.memory_space<vmem>>, vector<16xi32>,
    tpu.vector_store %arg8[%swap3A_1296], %add3A_1295 {strides = array<i32>} : memref<9616xi32, #tpu.memory_space<vmem>>, vector<16xi32>,
    %get3A_1298 = arith.constant 9344 : index
    %get3A_1299 = tpu.vector_load %arg8[%get3A_1298] {strides = array<i32>} : memref<9616xi32, #tpu.memory_space<vmem>>, vector<16xi32>,
    %add3A_1300 = arith.constant 101000 : i32
    %add3A_1301 = vector.broadcast %add3A_1300 : i32 to vector<16xi32>
    %add3A_1302 = arith.addi %get3A_1299, %add3A_1301 : vector<16xi32>
    %swap3A_1303 = arith.constant 9344 : index
    %swap3A_1304 = tpu.vector_load %arg8[%swap3A_1303] {strides = array<i32>} : memref<9616xi32, #tpu.memory_space<vmem>>, vector<16xi32>,
    tpu.vector_store %arg8[%swap3A_1303], %add3A_1302 {strides = array<i32>} : memref<9616xi32, #tpu.memory_space<vmem>>, vector<16xi32>,
    %get3A_1305 = arith.constant 9360 : index
    %get3A_1306 = tpu.vector_load %arg8[%get3A_1305] {strides = array<i32>} : memref<9616xi32, #tpu.memory_space<vmem>>, vector<16xi32>,
    %add3A_1307 = arith.constant 101000 : i32
    %add3A_1308 = vector.broadcast %add3A_1307 : i32 to vector<16xi32>
    %add3A_1309 = arith.addi %get3A_1306, %add3A_1308 : vector<16xi32>
    %swap3A_1310 = arith.constant 9360 : index
    %swap3A_1311 = tpu.vector_load %arg8[%swap3A_1310] {strides = array<i32>} : memref<9616xi32, #tpu.memory_space<vmem>>, vector<16xi32>,
    tpu.vector_store %arg8[%swap3A_1310], %add3A_1309 {strides = array<i32>} : memref<9616xi32, #tpu.memory_space<vmem>>, vector<16xi32>,
    %get3A_1312 = arith.constant 9376 : index
    %get3A_1313 = tpu.vector_load %arg8[%get3A_1312] {strides = array<i32>} : memref<9616xi32, #tpu.memory_space<vmem>>, vector<16xi32>,
    %add3A_1314 = arith.constant 101000 : i32
    %add3A_1315 = vector.broadcast %add3A_1314 : i32 to vector<16xi32>
    %add3A_1316 = arith.addi %get3A_1313, %add3A_1315 : vector<16xi32>
    %swap3A_1317 = arith.constant 9376 : index
    %swap3A_1318 = tpu.vector_load %arg8[%swap3A_1317] {strides = array<i32>} : memref<9616xi32, #tpu.memory_space<vmem>>, vector<16xi32>,
    tpu.vector_store %arg8[%swap3A_1317], %add3A_1316 {strides = array<i32>} : memref<9616xi32, #tpu.memory_space<vmem>>, vector<16xi32>,
    %get3A_1319 = arith.constant 9392 : index
    %get3A_1320 = tpu.vector_load %arg8[%get3A_1319] {strides = array<i32>} : memref<9616xi32, #tpu.memory_space<vmem>>, vector<16xi32>,
    %add3A_1321 = arith.constant 101000 : i32
    %add3A_1322 = vector.broadcast %add3A_1321 : i32 to vector<16xi32>
    %add3A_1323 = arith.addi %get3A_1320, %add3A_1322 : vector<16xi32>
    %swap3A_1324 = arith.constant 9392 : index
    %swap3A_1325 = tpu.vector_load %arg8[%swap3A_1324] {strides = array<i32>} : memref<9616xi32, #tpu.memory_space<vmem>>, vector<16xi32>,
    tpu.vector_store %arg8[%swap3A_1324], %add3A_1323 {strides = array<i32>} : memref<9616xi32, #tpu.memory_space<vmem>>, vector<16xi32>,
    %get3A_1326 = arith.constant 9408 : index
    %get3A_1327 = tpu.vector_load %arg8[%get3A_1326] {strides = array<i32>} : memref<9616xi32, #tpu.memory_space<vmem>>, vector<16xi32>,
    %add3A_1328 = arith.constant 101000 : i32
    %add3A_1329 = vector.broadcast %add3A_1328 : i32 to vector<16xi32>
    %add3A_1330 = arith.addi %get3A_1327, %add3A_1329 : vector<16xi32>
    %swap3A_1331 = arith.constant 9408 : index
    %swap3A_1332 = tpu.vector_load %arg8[%swap3A_1331] {strides = array<i32>} : memref<9616xi32, #tpu.memory_space<vmem>>, vector<16xi32>,
    tpu.vector_store %arg8[%swap3A_1331], %add3A_1330 {strides = array<i32>} : memref<9616xi32, #tpu.memory_space<vmem>>, vector<16xi32>,
    %get3A_1333 = arith.constant 9424 : index
    %get3A_1334 = tpu.vector_load %arg8[%get3A_1333] {strides = array<i32>} : memref<9616xi32, #tpu.memory_space<vmem>>, vector<16xi32>,
    %add3A_1335 = arith.constant 101000 : i32
    %add3A_1336 = vector.broadcast %add3A_1335 : i32 to vector<16xi32>
    %add3A_1337 = arith.addi %get3A_1334, %add3A_1336 : vector<16xi32>
    %swap3A_1338 = arith.constant 9424 : index
    %swap3A_1339 = tpu.vector_load %arg8[%swap3A_1338] {strides = array<i32>} : memref<9616xi32, #tpu.memory_space<vmem>>, vector<16xi32>,
    tpu.vector_store %arg8[%swap3A_1338], %add3A_1337 {strides = array<i32>} : memref<9616xi32, #tpu.memory_space<vmem>>, vector<16xi32>,
    %get3A_1340 = arith.constant 9440 : index
    %get3A_1341 = tpu.vector_load %arg8[%get3A_1340] {strides = array<i32>} : memref<9616xi32, #tpu.memory_space<vmem>>, vector<16xi32>,
    %add3A_1342 = arith.constant 101000 : i32
    %add3A_1343 = vector.broadcast %add3A_1342 : i32 to vector<16xi32>
    %add3A_1344 = arith.addi %get3A_1341, %add3A_1343 : vector<16xi32>
    %swap3A_1345 = arith.constant 9440 : index
    %swap3A_1346 = tpu.vector_load %arg8[%swap3A_1345] {strides = array<i32>} : memref<9616xi32, #tpu.memory_space<vmem>>, vector<16xi32>,
    tpu.vector_store %arg8[%swap3A_1345], %add3A_1344 {strides = array<i32>} : memref<9616xi32, #tpu.memory_space<vmem>>, vector<16xi32>,
    %get3A_1347 = arith.constant 9456 : index
    %get3A_1348 = tpu.vector_load %arg8[%get3A_1347] {strides = array<i32>} : memref<9616xi32, #tpu.memory_space<vmem>>, vector<16xi32>,
    %add3A_1349 = arith.constant 101000 : i32
    %add3A_1350 = vector.broadcast %add3A_1349 : i32 to vector<16xi32>
    %add3A_1351 = arith.addi %get3A_1348, %add3A_1350 : vector<16xi32>
    %swap3A_1352 = arith.constant 9456 : index
    %swap3A_1353 = tpu.vector_load %arg8[%swap3A_1352] {strides = array<i32>} : memref<9616xi32, #tpu.memory_space<vmem>>, vector<16xi32>,
    tpu.vector_store %arg8[%swap3A_1352], %add3A_1351 {strides = array<i32>} : memref<9616xi32, #tpu.memory_space<vmem>>, vector<16xi32>,
    %get3A_1354 = arith.constant 9472 : index
    %get3A_1355 = tpu.vector_load %arg8[%get3A_1354] {strides = array<i32>} : memref<9616xi32, #tpu.memory_space<vmem>>, vector<16xi32>,
    %add3A_1356 = arith.constant 101000 : i32
    %add3A_1357 = vector.broadcast %add3A_1356 : i32 to vector<16xi32>
    %add3A_1358 = arith.addi %get3A_1355, %add3A_1357 : vector<16xi32>
    %swap3A_1359 = arith.constant 9472 : index
    %swap3A_1360 = tpu.vector_load %arg8[%swap3A_1359] {strides = array<i32>} : memref<9616xi32, #tpu.memory_space<vmem>>, vector<16xi32>,
    tpu.vector_store %arg8[%swap3A_1359], %add3A_1358 {strides = array<i32>} : memref<9616xi32, #tpu.memory_space<vmem>>, vector<16xi32>,
    %get3A_1361 = arith.constant 9488 : index
    %get3A_1362 = tpu.vector_load %arg8[%get3A_1361] {strides = array<i32>} : memref<9616xi32, #tpu.memory_space<vmem>>, vector<16xi32>,
    %add3A_1363 = arith.constant 101000 : i32
    %add3A_1364 = vector.broadcast %add3A_1363 : i32 to vector<16xi32>
    %add3A_1365 = arith.addi %get3A_1362, %add3A_1364 : vector<16xi32>
    %swap3A_1366 = arith.constant 9488 : index
    %swap3A_1367 = tpu.vector_load %arg8[%swap3A_1366] {strides = array<i32>} : memref<9616xi32, #tpu.memory_space<vmem>>, vector<16xi32>,
    tpu.vector_store %arg8[%swap3A_1366], %add3A_1365 {strides = array<i32>} : memref<9616xi32, #tpu.memory_space<vmem>>, vector<16xi32>,
    %get3A_1368 = arith.constant 9504 : index
    %get3A_1369 = tpu.vector_load %arg8[%get3A_1368] {strides = array<i32>} : memref<9616xi32, #tpu.memory_space<vmem>>, vector<16xi32>,
    %add3A_1370 = arith.constant 101000 : i32
    %add3A_1371 = vector.broadcast %add3A_1370 : i32 to vector<16xi32>
    %add3A_1372 = arith.addi %get3A_1369, %add3A_1371 : vector<16xi32>
    %swap3A_1373 = arith.constant 9504 : index
    %swap3A_1374 = tpu.vector_load %arg8[%swap3A_1373] {strides = array<i32>} : memref<9616xi32, #tpu.memory_space<vmem>>, vector<16xi32>,
    tpu.vector_store %arg8[%swap3A_1373], %add3A_1372 {strides = array<i32>} : memref<9616xi32, #tpu.memory_space<vmem>>, vector<16xi32>,
    %get3A_1375 = arith.constant 9520 : index
    %get3A_1376 = tpu.vector_load %arg8[%get3A_1375] {strides = array<i32>} : memref<9616xi32, #tpu.memory_space<vmem>>, vector<16xi32>,
    %add3A_1377 = arith.constant 101000 : i32
    %add3A_1378 = vector.broadcast %add3A_1377 : i32 to vector<16xi32>
    %add3A_1379 = arith.addi %get3A_1376, %add3A_1378 : vector<16xi32>
    %swap3A_1380 = arith.constant 9520 : index
    %swap3A_1381 = tpu.vector_load %arg8[%swap3A_1380] {strides = array<i32>} : memref<9616xi32, #tpu.memory_space<vmem>>, vector<16xi32>,
    tpu.vector_store %arg8[%swap3A_1380], %add3A_1379 {strides = array<i32>} : memref<9616xi32, #tpu.memory_space<vmem>>, vector<16xi32>,
    %get3A_1382 = arith.constant 9536 : index
    %get3A_1383 = tpu.vector_load %arg8[%get3A_1382] {strides = array<i32>} : memref<9616xi32, #tpu.memory_space<vmem>>, vector<16xi32>,
    %add3A_1384 = arith.constant 101000 : i32
    %add3A_1385 = vector.broadcast %add3A_1384 : i32 to vector<16xi32>
    %add3A_1386 = arith.addi %get3A_1383, %add3A_1385 : vector<16xi32>
    %swap3A_1387 = arith.constant 9536 : index
    %swap3A_1388 = tpu.vector_load %arg8[%swap3A_1387] {strides = array<i32>} : memref<9616xi32, #tpu.memory_space<vmem>>, vector<16xi32>,
    tpu.vector_store %arg8[%swap3A_1387], %add3A_1386 {strides = array<i32>} : memref<9616xi32, #tpu.memory_space<vmem>>, vector<16xi32>,
    %get3A_1389 = arith.constant 9552 : index
    %get3A_1390 = tpu.vector_load %arg8[%get3A_1389] {strides = array<i32>} : memref<9616xi32, #tpu.memory_space<vmem>>, vector<16xi32>,
    %add3A_1391 = arith.constant 101000 : i32
    %add3A_1392 = vector.broadcast %add3A_1391 : i32 to vector<16xi32>
    %add3A_1393 = arith.addi %get3A_1390, %add3A_1392 : vector<16xi32>
    %swap3A_1394 = arith.constant 9552 : index
    %swap3A_1395 = tpu.vector_load %arg8[%swap3A_1394] {strides = array<i32>} : memref<9616xi32, #tpu.memory_space<vmem>>, vector<16xi32>,
    tpu.vector_store %arg8[%swap3A_1394], %add3A_1393 {strides = array<i32>} : memref<9616xi32, #tpu.memory_space<vmem>>, vector<16xi32>,
    %get3A_1396 = arith.constant 9568 : index
    %get3A_1397 = tpu.vector_load %arg8[%get3A_1396] {strides = array<i32>} : memref<9616xi32, #tpu.memory_space<vmem>>, vector<16xi32>,
    %add3A_1398 = arith.constant 101000 : i32
    %add3A_1399 = vector.broadcast %add3A_1398 : i32 to vector<16xi32>
    %add3A_1400 = arith.addi %get3A_1397, %add3A_1399 : vector<16xi32>
    %swap3A_1401 = arith.constant 9568 : index
    %swap3A_1402 = tpu.vector_load %arg8[%swap3A_1401] {strides = array<i32>} : memref<9616xi32, #tpu.memory_space<vmem>>, vector<16xi32>,
    tpu.vector_store %arg8[%swap3A_1401], %add3A_1400 {strides = array<i32>} : memref<9616xi32, #tpu.memory_space<vmem>>, vector<16xi32>,
    %get3A_1403 = arith.constant 9584 : index
    %get3A_1404 = tpu.vector_load %arg8[%get3A_1403] {strides = array<i32>} : memref<9616xi32, #tpu.memory_space<vmem>>, vector<16xi32>,
    %add3A_1405 = arith.constant 101000 : i32
    %add3A_1406 = vector.broadcast %add3A_1405 : i32 to vector<16xi32>
    %add3A_1407 = arith.addi %get3A_1404, %add3A_1406 : vector<16xi32>
    %swap3A_1408 = arith.constant 9584 : index
    %swap3A_1409 = tpu.vector_load %arg8[%swap3A_1408] {strides = array<i32>} : memref<9616xi32, #tpu.memory_space<vmem>>, vector<16xi32>,
    tpu.vector_store %arg8[%swap3A_1408], %add3A_1407 {strides = array<i32>} : memref<9616xi32, #tpu.memory_space<vmem>>, vector<16xi32>,
    %barrier3A = arith.constant 0 : index
    tpu.barrier barrier_id(%barrier3A)
    %dma_start3A = arith.constant 0 : i32
    %dma_start3A_1410 = tpu.memref_slice %arg13[%dma_start3A] : memref<102008xi32, #tpu.memory_space<vmem_shared>> -> memref<102008xi32, #tpu.memory_space<vmem_shared>>
    tpu.enqueue_indirect_dma source(%dma_start3A_1410 : memref<102008xi32, #tpu.memory_space<vmem_shared>>) target(%arg10 : memref<9616xi32, #tpu.memory_space<vmem>>) offsets(%arg8 : memref<9616xi32, #tpu.memory_space<vmem>>) semaphore(%arg14 : memref<!tpu.dma_semaphore, #tpu.memory_space<semaphore_mem>>)
    %get3A_1411 = arith.constant 0 : index
    %get3A_1412 = tpu.vector_load %arg8[%get3A_1411] {strides = array<i32>} : memref<9616xi32, #tpu.memory_space<vmem>>, vector<16xi32>,
    %add3A_1413 = arith.constant 0 : i32
    %add3A_1414 = vector.broadcast %add3A_1413 : i32 to vector<16xi32>
    %add3A_1415 = arith.addi %iota3A, %add3A_1414 : vector<16xi32>
    tpu.vector_store_idx %arg9[%get3A_1412], %add3A_1415 : memref<102008xi32, #tpu.memory_space<vmem>>[vector<16xi32>], vector<16xi32>,
    %get3A_1416 = arith.constant 16 : index
    %get3A_1417 = tpu.vector_load %arg8[%get3A_1416] {strides = array<i32>} : memref<9616xi32, #tpu.memory_space<vmem>>, vector<16xi32>,
    %add3A_1418 = arith.constant 16 : i32
    %add3A_1419 = vector.broadcast %add3A_1418 : i32 to vector<16xi32>
    %add3A_1420 = arith.addi %iota3A, %add3A_1419 : vector<16xi32>
    tpu.vector_store_idx %arg9[%get3A_1417], %add3A_1420 : memref<102008xi32, #tpu.memory_space<vmem>>[vector<16xi32>], vector<16xi32>,
    %get3A_1421 = arith.constant 32 : index
    %get3A_1422 = tpu.vector_load %arg8[%get3A_1421] {strides = array<i32>} : memref<9616xi32, #tpu.memory_space<vmem>>, vector<16xi32>,
    %add3A_1423 = arith.constant 32 : i32
    %add3A_1424 = vector.broadcast %add3A_1423 : i32 to vector<16xi32>
    %add3A_1425 = arith.addi %iota3A, %add3A_1424 : vector<16xi32>
    tpu.vector_store_idx %arg9[%get3A_1422], %add3A_1425 : memref<102008xi32, #tpu.memory_space<vmem>>[vector<16xi32>], vector<16xi32>,
    %get3A_1426 = arith.constant 48 : index
    %get3A_1427 = tpu.vector_load %arg8[%get3A_1426] {strides = array<i32>} : memref<9616xi32, #tpu.memory_space<vmem>>, vector<16xi32>,
    %add3A_1428 = arith.constant 48 : i32
    %add3A_1429 = vector.broadcast %add3A_1428 : i32 to vector<16xi32>
    %add3A_1430 = arith.addi %iota3A, %add3A_1429 : vector<16xi32>
    tpu.vector_store_idx %arg9[%get3A_1427], %add3A_1430 : memref<102008xi32, #tpu.memory_space<vmem>>[vector<16xi32>], vector<16xi32>,
    %get3A_1431 = arith.constant 64 : index
    %get3A_1432 = tpu.vector_load %arg8[%get3A_1431] {strides = array<i32>} : memref<9616xi32, #tpu.memory_space<vmem>>, vector<16xi32>,
    %add3A_1433 = arith.constant 64 : i32
    %add3A_1434 = vector.broadcast %add3A_1433 : i32 to vector<16xi32>
    %add3A_1435 = arith.addi %iota3A, %add3A_1434 : vector<16xi32>
    tpu.vector_store_idx %arg9[%get3A_1432], %add3A_1435 : memref<102008xi32, #tpu.memory_space<vmem>>[vector<16xi32>], vector<16xi32>,
    %get3A_1436 = arith.constant 80 : index
    %get3A_1437 = tpu.vector_load %arg8[%get3A_1436] {strides = array<i32>} : memref<9616xi32, #tpu.memory_space<vmem>>, vector<16xi32>,
    %add3A_1438 = arith.constant 80 : i32
    %add3A_1439 = vector.broadcast %add3A_1438 : i32 to vector<16xi32>
    %add3A_1440 = arith.addi %iota3A, %add3A_1439 : vector<16xi32>
    tpu.vector_store_idx %arg9[%get3A_1437], %add3A_1440 : memref<102008xi32, #tpu.memory_space<vmem>>[vector<16xi32>], vector<16xi32>,
    %get3A_1441 = arith.constant 96 : index
    %get3A_1442 = tpu.vector_load %arg8[%get3A_1441] {strides = array<i32>} : memref<9616xi32, #tpu.memory_space<vmem>>, vector<16xi32>,
    %add3A_1443 = arith.constant 96 : i32
    %add3A_1444 = vector.broadcast %add3A_1443 : i32 to vector<16xi32>
    %add3A_1445 = arith.addi %iota3A, %add3A_1444 : vector<16xi32>
    tpu.vector_store_idx %arg9[%get3A_1442], %add3A_1445 : memref<102008xi32, #tpu.memory_space<vmem>>[vector<16xi32>], vector<16xi32>,
    %get3A_1446 = arith.constant 112 : index
    %get3A_1447 = tpu.vector_load %arg8[%get3A_1446] {strides = array<i32>} : memref<9616xi32, #tpu.memory_space<vmem>>, vector<16xi32>,
    %add3A_1448 = arith.constant 112 : i32
    %add3A_1449 = vector.broadcast %add3A_1448 : i32 to vector<16xi32>
    %add3A_1450 = arith.addi %iota3A, %add3A_1449 : vector<16xi32>
    tpu.vector_store_idx %arg9[%get3A_1447], %add3A_1450 : memref<102008xi32, #tpu.memory_space<vmem>>[vector<16xi32>], vector<16xi32>,
    %get3A_1451 = arith.constant 128 : index
    %get3A_1452 = tpu.vector_load %arg8[%get3A_1451] {strides = array<i32>} : memref<9616xi32, #tpu.memory_space<vmem>>, vector<16xi32>,
    %add3A_1453 = arith.constant 128 : i32
    %add3A_1454 = vector.broadcast %add3A_1453 : i32 to vector<16xi32>
    %add3A_1455 = arith.addi %iota3A, %add3A_1454 : vector<16xi32>
    tpu.vector_store_idx %arg9[%get3A_1452], %add3A_1455 : memref<102008xi32, #tpu.memory_space<vmem>>[vector<16xi32>], vector<16xi32>,
    %get3A_1456 = arith.constant 144 : index
    %get3A_1457 = tpu.vector_load %arg8[%get3A_1456] {strides = array<i32>} : memref<9616xi32, #tpu.memory_space<vmem>>, vector<16xi32>,
    %add3A_1458 = arith.constant 144 : i32
    %add3A_1459 = vector.broadcast %add3A_1458 : i32 to vector<16xi32>
    %add3A_1460 = arith.addi %iota3A, %add3A_1459 : vector<16xi32>
    tpu.vector_store_idx %arg9[%get3A_1457], %add3A_1460 : memref<102008xi32, #tpu.memory_space<vmem>>[vector<16xi32>], vector<16xi32>,
    %get3A_1461 = arith.constant 160 : index
    %get3A_1462 = tpu.vector_load %arg8[%get3A_1461] {strides = array<i32>} : memref<9616xi32, #tpu.memory_space<vmem>>, vector<16xi32>,
    %add3A_1463 = arith.constant 160 : i32
    %add3A_1464 = vector.broadcast %add3A_1463 : i32 to vector<16xi32>
    %add3A_1465 = arith.addi %iota3A, %add3A_1464 : vector<16xi32>
    tpu.vector_store_idx %arg9[%get3A_1462], %add3A_1465 : memref<102008xi32, #tpu.memory_space<vmem>>[vector<16xi32>], vector<16xi32>,
    %get3A_1466 = arith.constant 176 : index
    %get3A_1467 = tpu.vector_load %arg8[%get3A_1466] {strides = array<i32>} : memref<9616xi32, #tpu.memory_space<vmem>>, vector<16xi32>,
    %add3A_1468 = arith.constant 176 : i32
    %add3A_1469 = vector.broadcast %add3A_1468 : i32 to vector<16xi32>
    %add3A_1470 = arith.addi %iota3A, %add3A_1469 : vector<16xi32>
    tpu.vector_store_idx %arg9[%get3A_1467], %add3A_1470 : memref<102008xi32, #tpu.memory_space<vmem>>[vector<16xi32>], vector<16xi32>,
    %get3A_1471 = arith.constant 192 : index
    %get3A_1472 = tpu.vector_load %arg8[%get3A_1471] {strides = array<i32>} : memref<9616xi32, #tpu.memory_space<vmem>>, vector<16xi32>,
    %add3A_1473 = arith.constant 192 : i32
    %add3A_1474 = vector.broadcast %add3A_1473 : i32 to vector<16xi32>
    %add3A_1475 = arith.addi %iota3A, %add3A_1474 : vector<16xi32>
    %lt3A = arith.constant 8 : i32
    %lt3A_1476 = vector.broadcast %lt3A : i32 to vector<16xi32>
    %lt3A_1477 = arith.cmpi slt, %iota3A, %lt3A_1476 : vector<16xi32>
    tpu.vector_store_idx %arg9[%get3A_1472], %add3A_1475 masked %lt3A_1477 : memref<102008xi32, #tpu.memory_space<vmem>>[vector<16xi32>], vector<16xi32>, vector<16xi1>
    %get3A_1478 = arith.constant 6400 : index
    %get3A_1479 = tpu.vector_load %arg8[%get3A_1478] {strides = array<i32>} : memref<9616xi32, #tpu.memory_space<vmem>>, vector<16xi32>,
    %add3A_1480 = arith.constant 200 : i32
    %add3A_1481 = vector.broadcast %add3A_1480 : i32 to vector<16xi32>
    %add3A_1482 = arith.addi %iota3A, %add3A_1481 : vector<16xi32>
    tpu.vector_store_idx %arg9[%get3A_1479], %add3A_1482 : memref<102008xi32, #tpu.memory_space<vmem>>[vector<16xi32>], vector<16xi32>,
    %get3A_1483 = arith.constant 6416 : index
    %get3A_1484 = tpu.vector_load %arg8[%get3A_1483] {strides = array<i32>} : memref<9616xi32, #tpu.memory_space<vmem>>, vector<16xi32>,
    %add3A_1485 = arith.constant 216 : i32
    %add3A_1486 = vector.broadcast %add3A_1485 : i32 to vector<16xi32>
    %add3A_1487 = arith.addi %iota3A, %add3A_1486 : vector<16xi32>
    tpu.vector_store_idx %arg9[%get3A_1484], %add3A_1487 : memref<102008xi32, #tpu.memory_space<vmem>>[vector<16xi32>], vector<16xi32>,
    %get3A_1488 = arith.constant 6432 : index
    %get3A_1489 = tpu.vector_load %arg8[%get3A_1488] {strides = array<i32>} : memref<9616xi32, #tpu.memory_space<vmem>>, vector<16xi32>,
    %add3A_1490 = arith.constant 232 : i32
    %add3A_1491 = vector.broadcast %add3A_1490 : i32 to vector<16xi32>
    %add3A_1492 = arith.addi %iota3A, %add3A_1491 : vector<16xi32>
    tpu.vector_store_idx %arg9[%get3A_1489], %add3A_1492 : memref<102008xi32, #tpu.memory_space<vmem>>[vector<16xi32>], vector<16xi32>,
    %get3A_1493 = arith.constant 6448 : index
    %get3A_1494 = tpu.vector_load %arg8[%get3A_1493] {strides = array<i32>} : memref<9616xi32, #tpu.memory_space<vmem>>, vector<16xi32>,
    %add3A_1495 = arith.constant 248 : i32
    %add3A_1496 = vector.broadcast %add3A_1495 : i32 to vector<16xi32>
    %add3A_1497 = arith.addi %iota3A, %add3A_1496 : vector<16xi32>
    %lt3A_1498 = arith.constant 2 : i32
    %lt3A_1499 = vector.broadcast %lt3A_1498 : i32 to vector<16xi32>
    %lt3A_1500 = arith.cmpi slt, %iota3A, %lt3A_1499 : vector<16xi32>
    tpu.vector_store_idx %arg9[%get3A_1494], %add3A_1497 masked %lt3A_1500 : memref<102008xi32, #tpu.memory_space<vmem>>[vector<16xi32>], vector<16xi32>, vector<16xi1>
    %get3A_1501 = arith.constant 8000 : index
    %get3A_1502 = tpu.vector_load %arg8[%get3A_1501] {strides = array<i32>} : memref<9616xi32, #tpu.memory_space<vmem>>, vector<16xi32>,
    %add3A_1503 = arith.constant 250 : i32
    %add3A_1504 = vector.broadcast %add3A_1503 : i32 to vector<16xi32>
    %add3A_1505 = arith.addi %iota3A, %add3A_1504 : vector<16xi32>
    tpu.vector_store_idx %arg9[%get3A_1502], %add3A_1505 : memref<102008xi32, #tpu.memory_space<vmem>>[vector<16xi32>], vector<16xi32>,
    %get3A_1506 = arith.constant 8016 : index
    %get3A_1507 = tpu.vector_load %arg8[%get3A_1506] {strides = array<i32>} : memref<9616xi32, #tpu.memory_space<vmem>>, vector<16xi32>,
    %add3A_1508 = arith.constant 266 : i32
    %add3A_1509 = vector.broadcast %add3A_1508 : i32 to vector<16xi32>
    %add3A_1510 = arith.addi %iota3A, %add3A_1509 : vector<16xi32>
    tpu.vector_store_idx %arg9[%get3A_1507], %add3A_1510 : memref<102008xi32, #tpu.memory_space<vmem>>[vector<16xi32>], vector<16xi32>,
    %get3A_1511 = arith.constant 8032 : index
    %get3A_1512 = tpu.vector_load %arg8[%get3A_1511] {strides = array<i32>} : memref<9616xi32, #tpu.memory_space<vmem>>, vector<16xi32>,
    %add3A_1513 = arith.constant 282 : i32
    %add3A_1514 = vector.broadcast %add3A_1513 : i32 to vector<16xi32>
    %add3A_1515 = arith.addi %iota3A, %add3A_1514 : vector<16xi32>
    tpu.vector_store_idx %arg9[%get3A_1512], %add3A_1515 : memref<102008xi32, #tpu.memory_space<vmem>>[vector<16xi32>], vector<16xi32>,
    %get3A_1516 = arith.constant 8048 : index
    %get3A_1517 = tpu.vector_load %arg8[%get3A_1516] {strides = array<i32>} : memref<9616xi32, #tpu.memory_space<vmem>>, vector<16xi32>,
    %add3A_1518 = arith.constant 298 : i32
    %add3A_1519 = vector.broadcast %add3A_1518 : i32 to vector<16xi32>
    %add3A_1520 = arith.addi %iota3A, %add3A_1519 : vector<16xi32>
    %lt3A_1521 = arith.constant 2 : i32
    %lt3A_1522 = vector.broadcast %lt3A_1521 : i32 to vector<16xi32>
    %lt3A_1523 = arith.cmpi slt, %iota3A, %lt3A_1522 : vector<16xi32>
    tpu.vector_store_idx %arg9[%get3A_1517], %add3A_1520 masked %lt3A_1523 : memref<102008xi32, #tpu.memory_space<vmem>>[vector<16xi32>], vector<16xi32>, vector<16xi1>
    %dma_wait3A = arith.constant 0 : i32
    %dma_wait3A_1524 = tpu.memref_slice %arg13[%dma_wait3A] : memref<102008xi32, #tpu.memory_space<vmem_shared>> -> memref<102008xi32, #tpu.memory_space<vmem_shared>>
    tpu.wait_indirect_dma semaphore(%arg14 : memref<!tpu.dma_semaphore, #tpu.memory_space<semaphore_mem>>) src(%dma_wait3A_1524 : memref<102008xi32, #tpu.memory_space<vmem_shared>>) dst(%arg10 : memref<9616xi32, #tpu.memory_space<vmem>>)
    %scan3A = arith.constant 0 : i32
    %scan3A_1525 = arith.constant 0 : i32
    %scan3A_1526 = arith.constant 32 : i32
    %scan3A_1527 = arith.addi %scan3A_1525, %scan3A_1526 : i32
    %scan3A_1528 = arith.constant 1 : i32
    scf.for %scan3A_1534 = %scan3A_1525 to %scan3A_1527 step %scan3A_1528  : i32 {
      %broadcast_in_dim3A_1535 = arith.constant 0.000000e+00 : f32
      %broadcast_in_dim3A_1536 = vector.broadcast %broadcast_in_dim3A_1535 : f32 to vector<16xf32>
      %broadcast_in_dim3A_1537 = arith.constant 0.000000e+00 : f32
      %broadcast_in_dim3A_1538 = vector.broadcast %broadcast_in_dim3A_1537 : f32 to vector<16xf32>
      %mul3A_1539 = arith.constant 200 : i32
      %mul3A_1540 = arith.muli %mul3A_1539, %scan3A_1534 : i32
      %add3A_1541 = arith.constant 0 : i32
      %add3A_1542 = arith.addi %mul3A_1540, %add3A_1541 : i32
      %mul3A_1543 = arith.constant 200 : i32
      %mul3A_1544 = arith.muli %mul3A_1543, %scan3A_1534 : i32
      %add3A_1545 = arith.constant 16 : i32
      %add3A_1546 = arith.addi %mul3A_1544, %add3A_1545 : i32
      %mul3A_1547 = arith.constant 200 : i32
      %mul3A_1548 = arith.muli %mul3A_1547, %scan3A_1534 : i32
      %add3A_1549 = arith.constant 32 : i32
      %add3A_1550 = arith.addi %mul3A_1548, %add3A_1549 : i32
      %mul3A_1551 = arith.constant 200 : i32
      %mul3A_1552 = arith.muli %mul3A_1551, %scan3A_1534 : i32
      %add3A_1553 = arith.constant 48 : i32
      %add3A_1554 = arith.addi %mul3A_1552, %add3A_1553 : i32
      %mul3A_1555 = arith.constant 200 : i32
      %mul3A_1556 = arith.muli %mul3A_1555, %scan3A_1534 : i32
      %add3A_1557 = arith.constant 64 : i32
      %add3A_1558 = arith.addi %mul3A_1556, %add3A_1557 : i32
      %mul3A_1559 = arith.constant 200 : i32
      %mul3A_1560 = arith.muli %mul3A_1559, %scan3A_1534 : i32
      %add3A_1561 = arith.constant 80 : i32
      %add3A_1562 = arith.addi %mul3A_1560, %add3A_1561 : i32
      %mul3A_1563 = arith.constant 200 : i32
      %mul3A_1564 = arith.muli %mul3A_1563, %scan3A_1534 : i32
      %add3A_1565 = arith.constant 96 : i32
      %add3A_1566 = arith.addi %mul3A_1564, %add3A_1565 : i32
      %mul3A_1567 = arith.constant 200 : i32
      %mul3A_1568 = arith.muli %mul3A_1567, %scan3A_1534 : i32
      %add3A_1569 = arith.constant 112 : i32
      %add3A_1570 = arith.addi %mul3A_1568, %add3A_1569 : i32
      %mul3A_1571 = arith.constant 200 : i32
      %mul3A_1572 = arith.muli %mul3A_1571, %scan3A_1534 : i32
      %add3A_1573 = arith.constant 128 : i32
      %add3A_1574 = arith.addi %mul3A_1572, %add3A_1573 : i32
      %mul3A_1575 = arith.constant 200 : i32
      %mul3A_1576 = arith.muli %mul3A_1575, %scan3A_1534 : i32
      %add3A_1577 = arith.constant 144 : i32
      %add3A_1578 = arith.addi %mul3A_1576, %add3A_1577 : i32
      %mul3A_1579 = arith.constant 200 : i32
      %mul3A_1580 = arith.muli %mul3A_1579, %scan3A_1534 : i32
      %add3A_1581 = arith.constant 160 : i32
      %add3A_1582 = arith.addi %mul3A_1580, %add3A_1581 : i32
      %mul3A_1583 = arith.constant 200 : i32
      %mul3A_1584 = arith.muli %mul3A_1583, %scan3A_1534 : i32
      %add3A_1585 = arith.constant 176 : i32
      %add3A_1586 = arith.addi %mul3A_1584, %add3A_1585 : i32
      %mul3A_1587 = arith.constant 200 : i32
      %mul3A_1588 = arith.muli %mul3A_1587, %scan3A_1534 : i32
      %add3A_1589 = arith.constant 192 : i32
      %add3A_1590 = arith.addi %mul3A_1588, %add3A_1589 : i32
      %mul3A_1591 = arith.constant 50 : i32
      %mul3A_1592 = arith.muli %mul3A_1591, %scan3A_1534 : i32
      %add3A_1593 = arith.constant 6400 : i32
      %add3A_1594 = arith.addi %add3A_1593, %mul3A_1592 : i32
      %add3A_1595 = arith.constant 0 : i32
      %add3A_1596 = arith.addi %add3A_1594, %add3A_1595 : i32
      %mul3A_1597 = arith.constant 50 : i32
      %mul3A_1598 = arith.muli %mul3A_1597, %scan3A_1534 : i32
      %add3A_1599 = arith.constant 6400 : i32
      %add3A_1600 = arith.addi %add3A_1599, %mul3A_1598 : i32
      %add3A_1601 = arith.constant 16 : i32
      %add3A_1602 = arith.addi %add3A_1600, %add3A_1601 : i32
      %mul3A_1603 = arith.constant 50 : i32
      %mul3A_1604 = arith.muli %mul3A_1603, %scan3A_1534 : i32
      %add3A_1605 = arith.constant 6400 : i32
      %add3A_1606 = arith.addi %add3A_1605, %mul3A_1604 : i32
      %add3A_1607 = arith.constant 32 : i32
      %add3A_1608 = arith.addi %add3A_1606, %add3A_1607 : i32
      %mul3A_1609 = arith.constant 50 : i32
      %mul3A_1610 = arith.muli %mul3A_1609, %scan3A_1534 : i32
      %add3A_1611 = arith.constant 6400 : i32
      %add3A_1612 = arith.addi %add3A_1611, %mul3A_1610 : i32
      %add3A_1613 = arith.constant 48 : i32
      %add3A_1614 = arith.addi %add3A_1612, %add3A_1613 : i32
      %mul3A_1615 = arith.constant 50 : i32
      %mul3A_1616 = arith.muli %mul3A_1615, %scan3A_1534 : i32
      %add3A_1617 = arith.constant 8000 : i32
      %add3A_1618 = arith.addi %add3A_1617, %mul3A_1616 : i32
      %add3A_1619 = arith.constant 0 : i32
      %add3A_1620 = arith.addi %add3A_1618, %add3A_1619 : i32
      %mul3A_1621 = arith.constant 50 : i32
      %mul3A_1622 = arith.muli %mul3A_1621, %scan3A_1534 : i32
      %add3A_1623 = arith.constant 8000 : i32
      %add3A_1624 = arith.addi %add3A_1623, %mul3A_1622 : i32
      %add3A_1625 = arith.constant 16 : i32
      %add3A_1626 = arith.addi %add3A_1624, %add3A_1625 : i32
      %mul3A_1627 = arith.constant 50 : i32
      %mul3A_1628 = arith.muli %mul3A_1627, %scan3A_1534 : i32
      %add3A_1629 = arith.constant 8000 : i32
      %add3A_1630 = arith.addi %add3A_1629, %mul3A_1628 : i32
      %add3A_1631 = arith.constant 32 : i32
      %add3A_1632 = arith.addi %add3A_1630, %add3A_1631 : i32
      %mul3A_1633 = arith.constant 50 : i32
      %mul3A_1634 = arith.muli %mul3A_1633, %scan3A_1534 : i32
      %add3A_1635 = arith.constant 8000 : i32
      %add3A_1636 = arith.addi %add3A_1635, %mul3A_1634 : i32
      %add3A_1637 = arith.constant 48 : i32
      %add3A_1638 = arith.addi %add3A_1636, %add3A_1637 : i32
      %get3A_1639 = arith.index_cast %add3A_1542 : i32 to index
      %get3A_1640 = tpu.vector_load %arg8[%get3A_1639] {strides = array<i32>} : memref<9616xi32, #tpu.memory_space<vmem>>, vector<16xi32>,
      %gather3A = tpu.vector_load_idx %arg9[%get3A_1640] : memref<102008xi32, #tpu.memory_space<vmem>>[vector<16xi32>], vector<16xi32>,
      %add3A_1641 = arith.constant 0 : i32
      %add3A_1642 = vector.broadcast %add3A_1641 : i32 to vector<16xi32>
      %add3A_1643 = arith.addi %iota3A, %add3A_1642 : vector<16xi32>
      %eq3A_1644 = arith.cmpi eq, %gather3A, %add3A_1643 : vector<16xi32>
      %get3A_1645 = arith.index_cast %add3A_1542 : i32 to index
      %get3A_1646 = tpu.vector_load %arg10[%get3A_1645] {strides = array<i32>} : memref<9616xi32, #tpu.memory_space<vmem>>, vector<16xi32>,
      %shift_left3A = arith.constant 16 : i32
      %shift_left3A_1647 = vector.broadcast %shift_left3A : i32 to vector<16xi32>
      %shift_left3A_1648 = arith.shli %get3A_1646, %shift_left3A_1647 : vector<16xi32>
      %bitcast_convert_type3A = tpu.bitcast %shift_left3A_1648 : vector<16xi32> -> vector<16xf32>
      %and3A = arith.constant -65536 : i32
      %and3A_1649 = vector.broadcast %and3A : i32 to vector<16xi32>
      %and3A_1650 = arith.andi %get3A_1646, %and3A_1649 : vector<16xi32>
      %bitcast_convert_type3A_1651 = tpu.bitcast %and3A_1650 : vector<16xi32> -> vector<16xf32>
      %jit3A = arith.constant 0.000000e+00 : f32
      %broadcast_in_dim3A_1652 = vector.broadcast %jit3A : f32 to vector<16xf32>
      %select_n3A = arith.select %eq3A_1644, %bitcast_convert_type3A, %broadcast_in_dim3A_1652 : vector<16xi1>, vector<16xf32>
      %add3A_1653 = arith.addf %broadcast_in_dim3A_1536, %select_n3A : vector<16xf32>
      %jit3A_1654 = arith.constant 0.000000e+00 : f32
      %broadcast_in_dim3A_1655 = vector.broadcast %jit3A_1654 : f32 to vector<16xf32>
      %select_n3A_1656 = arith.select %eq3A_1644, %bitcast_convert_type3A_1651, %broadcast_in_dim3A_1655 : vector<16xi1>, vector<16xf32>
      %add3A_1657 = arith.addf %broadcast_in_dim3A_1538, %select_n3A_1656 : vector<16xf32>
      %get3A_1658 = arith.index_cast %add3A_1546 : i32 to index
      %get3A_1659 = tpu.vector_load %arg8[%get3A_1658] {strides = array<i32>} : memref<9616xi32, #tpu.memory_space<vmem>>, vector<16xi32>,
      %gather3A_1660 = tpu.vector_load_idx %arg9[%get3A_1659] : memref<102008xi32, #tpu.memory_space<vmem>>[vector<16xi32>], vector<16xi32>,
      %add3A_1661 = arith.constant 16 : i32
      %add3A_1662 = vector.broadcast %add3A_1661 : i32 to vector<16xi32>
      %add3A_1663 = arith.addi %iota3A, %add3A_1662 : vector<16xi32>
      %eq3A_1664 = arith.cmpi eq, %gather3A_1660, %add3A_1663 : vector<16xi32>
      %get3A_1665 = arith.index_cast %add3A_1546 : i32 to index
      %get3A_1666 = tpu.vector_load %arg10[%get3A_1665] {strides = array<i32>} : memref<9616xi32, #tpu.memory_space<vmem>>, vector<16xi32>,
      %shift_left3A_1667 = arith.constant 16 : i32
      %shift_left3A_1668 = vector.broadcast %shift_left3A_1667 : i32 to vector<16xi32>
      %shift_left3A_1669 = arith.shli %get3A_1666, %shift_left3A_1668 : vector<16xi32>
      %bitcast_convert_type3A_1670 = tpu.bitcast %shift_left3A_1669 : vector<16xi32> -> vector<16xf32>
      %and3A_1671 = arith.constant -65536 : i32
      %and3A_1672 = vector.broadcast %and3A_1671 : i32 to vector<16xi32>
      %and3A_1673 = arith.andi %get3A_1666, %and3A_1672 : vector<16xi32>
      %bitcast_convert_type3A_1674 = tpu.bitcast %and3A_1673 : vector<16xi32> -> vector<16xf32>
      %jit3A_1675 = arith.constant 0.000000e+00 : f32
      %broadcast_in_dim3A_1676 = vector.broadcast %jit3A_1675 : f32 to vector<16xf32>
      %select_n3A_1677 = arith.select %eq3A_1664, %bitcast_convert_type3A_1670, %broadcast_in_dim3A_1676 : vector<16xi1>, vector<16xf32>
      %add3A_1678 = arith.addf %add3A_1653, %select_n3A_1677 : vector<16xf32>
      %jit3A_1679 = arith.constant 0.000000e+00 : f32
      %broadcast_in_dim3A_1680 = vector.broadcast %jit3A_1679 : f32 to vector<16xf32>
      %select_n3A_1681 = arith.select %eq3A_1664, %bitcast_convert_type3A_1674, %broadcast_in_dim3A_1680 : vector<16xi1>, vector<16xf32>
      %add3A_1682 = arith.addf %add3A_1657, %select_n3A_1681 : vector<16xf32>
      %get3A_1683 = arith.index_cast %add3A_1550 : i32 to index
      %get3A_1684 = tpu.vector_load %arg8[%get3A_1683] {strides = array<i32>} : memref<9616xi32, #tpu.memory_space<vmem>>, vector<16xi32>,
      %gather3A_1685 = tpu.vector_load_idx %arg9[%get3A_1684] : memref<102008xi32, #tpu.memory_space<vmem>>[vector<16xi32>], vector<16xi32>,
      %add3A_1686 = arith.constant 32 : i32
      %add3A_1687 = vector.broadcast %add3A_1686 : i32 to vector<16xi32>
      %add3A_1688 = arith.addi %iota3A, %add3A_1687 : vector<16xi32>
      %eq3A_1689 = arith.cmpi eq, %gather3A_1685, %add3A_1688 : vector<16xi32>
      %get3A_1690 = arith.index_cast %add3A_1550 : i32 to index
      %get3A_1691 = tpu.vector_load %arg10[%get3A_1690] {strides = array<i32>} : memref<9616xi32, #tpu.memory_space<vmem>>, vector<16xi32>,
      %shift_left3A_1692 = arith.constant 16 : i32
      %shift_left3A_1693 = vector.broadcast %shift_left3A_1692 : i32 to vector<16xi32>
      %shift_left3A_1694 = arith.shli %get3A_1691, %shift_left3A_1693 : vector<16xi32>
      %bitcast_convert_type3A_1695 = tpu.bitcast %shift_left3A_1694 : vector<16xi32> -> vector<16xf32>
      %and3A_1696 = arith.constant -65536 : i32
      %and3A_1697 = vector.broadcast %and3A_1696 : i32 to vector<16xi32>
      %and3A_1698 = arith.andi %get3A_1691, %and3A_1697 : vector<16xi32>
      %bitcast_convert_type3A_1699 = tpu.bitcast %and3A_1698 : vector<16xi32> -> vector<16xf32>
      %jit3A_1700 = arith.constant 0.000000e+00 : f32
      %broadcast_in_dim3A_1701 = vector.broadcast %jit3A_1700 : f32 to vector<16xf32>
      %select_n3A_1702 = arith.select %eq3A_1689, %bitcast_convert_type3A_1695, %broadcast_in_dim3A_1701 : vector<16xi1>, vector<16xf32>
      %add3A_1703 = arith.addf %add3A_1678, %select_n3A_1702 : vector<16xf32>
      %jit3A_1704 = arith.constant 0.000000e+00 : f32
      %broadcast_in_dim3A_1705 = vector.broadcast %jit3A_1704 : f32 to vector<16xf32>
      %select_n3A_1706 = arith.select %eq3A_1689, %bitcast_convert_type3A_1699, %broadcast_in_dim3A_1705 : vector<16xi1>, vector<16xf32>
      %add3A_1707 = arith.addf %add3A_1682, %select_n3A_1706 : vector<16xf32>
      %get3A_1708 = arith.index_cast %add3A_1554 : i32 to index
      %get3A_1709 = tpu.vector_load %arg8[%get3A_1708] {strides = array<i32>} : memref<9616xi32, #tpu.memory_space<vmem>>, vector<16xi32>,
      %gather3A_1710 = tpu.vector_load_idx %arg9[%get3A_1709] : memref<102008xi32, #tpu.memory_space<vmem>>[vector<16xi32>], vector<16xi32>,
      %add3A_1711 = arith.constant 48 : i32
      %add3A_1712 = vector.broadcast %add3A_1711 : i32 to vector<16xi32>
      %add3A_1713 = arith.addi %iota3A, %add3A_1712 : vector<16xi32>
      %eq3A_1714 = arith.cmpi eq, %gather3A_1710, %add3A_1713 : vector<16xi32>
      %get3A_1715 = arith.index_cast %add3A_1554 : i32 to index
      %get3A_1716 = tpu.vector_load %arg10[%get3A_1715] {strides = array<i32>} : memref<9616xi32, #tpu.memory_space<vmem>>, vector<16xi32>,
      %shift_left3A_1717 = arith.constant 16 : i32
      %shift_left3A_1718 = vector.broadcast %shift_left3A_1717 : i32 to vector<16xi32>
      %shift_left3A_1719 = arith.shli %get3A_1716, %shift_left3A_1718 : vector<16xi32>
      %bitcast_convert_type3A_1720 = tpu.bitcast %shift_left3A_1719 : vector<16xi32> -> vector<16xf32>
      %and3A_1721 = arith.constant -65536 : i32
      %and3A_1722 = vector.broadcast %and3A_1721 : i32 to vector<16xi32>
      %and3A_1723 = arith.andi %get3A_1716, %and3A_1722 : vector<16xi32>
      %bitcast_convert_type3A_1724 = tpu.bitcast %and3A_1723 : vector<16xi32> -> vector<16xf32>
      %jit3A_1725 = arith.constant 0.000000e+00 : f32
      %broadcast_in_dim3A_1726 = vector.broadcast %jit3A_1725 : f32 to vector<16xf32>
      %select_n3A_1727 = arith.select %eq3A_1714, %bitcast_convert_type3A_1720, %broadcast_in_dim3A_1726 : vector<16xi1>, vector<16xf32>
      %add3A_1728 = arith.addf %add3A_1703, %select_n3A_1727 : vector<16xf32>
      %jit3A_1729 = arith.constant 0.000000e+00 : f32
      %broadcast_in_dim3A_1730 = vector.broadcast %jit3A_1729 : f32 to vector<16xf32>
      %select_n3A_1731 = arith.select %eq3A_1714, %bitcast_convert_type3A_1724, %broadcast_in_dim3A_1730 : vector<16xi1>, vector<16xf32>
      %add3A_1732 = arith.addf %add3A_1707, %select_n3A_1731 : vector<16xf32>
      %get3A_1733 = arith.index_cast %add3A_1558 : i32 to index
      %get3A_1734 = tpu.vector_load %arg8[%get3A_1733] {strides = array<i32>} : memref<9616xi32, #tpu.memory_space<vmem>>, vector<16xi32>,
      %gather3A_1735 = tpu.vector_load_idx %arg9[%get3A_1734] : memref<102008xi32, #tpu.memory_space<vmem>>[vector<16xi32>], vector<16xi32>,
      %add3A_1736 = arith.constant 64 : i32
      %add3A_1737 = vector.broadcast %add3A_1736 : i32 to vector<16xi32>
      %add3A_1738 = arith.addi %iota3A, %add3A_1737 : vector<16xi32>
      %eq3A_1739 = arith.cmpi eq, %gather3A_1735, %add3A_1738 : vector<16xi32>
      %get3A_1740 = arith.index_cast %add3A_1558 : i32 to index
      %get3A_1741 = tpu.vector_load %arg10[%get3A_1740] {strides = array<i32>} : memref<9616xi32, #tpu.memory_space<vmem>>, vector<16xi32>,
      %shift_left3A_1742 = arith.constant 16 : i32
      %shift_left3A_1743 = vector.broadcast %shift_left3A_1742 : i32 to vector<16xi32>
      %shift_left3A_1744 = arith.shli %get3A_1741, %shift_left3A_1743 : vector<16xi32>
      %bitcast_convert_type3A_1745 = tpu.bitcast %shift_left3A_1744 : vector<16xi32> -> vector<16xf32>
      %and3A_1746 = arith.constant -65536 : i32
      %and3A_1747 = vector.broadcast %and3A_1746 : i32 to vector<16xi32>
      %and3A_1748 = arith.andi %get3A_1741, %and3A_1747 : vector<16xi32>
      %bitcast_convert_type3A_1749 = tpu.bitcast %and3A_1748 : vector<16xi32> -> vector<16xf32>
      %jit3A_1750 = arith.constant 0.000000e+00 : f32
      %broadcast_in_dim3A_1751 = vector.broadcast %jit3A_1750 : f32 to vector<16xf32>
      %select_n3A_1752 = arith.select %eq3A_1739, %bitcast_convert_type3A_1745, %broadcast_in_dim3A_1751 : vector<16xi1>, vector<16xf32>
      %add3A_1753 = arith.addf %add3A_1728, %select_n3A_1752 : vector<16xf32>
      %jit3A_1754 = arith.constant 0.000000e+00 : f32
      %broadcast_in_dim3A_1755 = vector.broadcast %jit3A_1754 : f32 to vector<16xf32>
      %select_n3A_1756 = arith.select %eq3A_1739, %bitcast_convert_type3A_1749, %broadcast_in_dim3A_1755 : vector<16xi1>, vector<16xf32>
      %add3A_1757 = arith.addf %add3A_1732, %select_n3A_1756 : vector<16xf32>
      %get3A_1758 = arith.index_cast %add3A_1562 : i32 to index
      %get3A_1759 = tpu.vector_load %arg8[%get3A_1758] {strides = array<i32>} : memref<9616xi32, #tpu.memory_space<vmem>>, vector<16xi32>,
      %gather3A_1760 = tpu.vector_load_idx %arg9[%get3A_1759] : memref<102008xi32, #tpu.memory_space<vmem>>[vector<16xi32>], vector<16xi32>,
      %add3A_1761 = arith.constant 80 : i32
      %add3A_1762 = vector.broadcast %add3A_1761 : i32 to vector<16xi32>
      %add3A_1763 = arith.addi %iota3A, %add3A_1762 : vector<16xi32>
      %eq3A_1764 = arith.cmpi eq, %gather3A_1760, %add3A_1763 : vector<16xi32>
      %get3A_1765 = arith.index_cast %add3A_1562 : i32 to index
      %get3A_1766 = tpu.vector_load %arg10[%get3A_1765] {strides = array<i32>} : memref<9616xi32, #tpu.memory_space<vmem>>, vector<16xi32>,
      %shift_left3A_1767 = arith.constant 16 : i32
      %shift_left3A_1768 = vector.broadcast %shift_left3A_1767 : i32 to vector<16xi32>
      %shift_left3A_1769 = arith.shli %get3A_1766, %shift_left3A_1768 : vector<16xi32>
      %bitcast_convert_type3A_1770 = tpu.bitcast %shift_left3A_1769 : vector<16xi32> -> vector<16xf32>
      %and3A_1771 = arith.constant -65536 : i32
      %and3A_1772 = vector.broadcast %and3A_1771 : i32 to vector<16xi32>
      %and3A_1773 = arith.andi %get3A_1766, %and3A_1772 : vector<16xi32>
      %bitcast_convert_type3A_1774 = tpu.bitcast %and3A_1773 : vector<16xi32> -> vector<16xf32>
      %jit3A_1775 = arith.constant 0.000000e+00 : f32
      %broadcast_in_dim3A_1776 = vector.broadcast %jit3A_1775 : f32 to vector<16xf32>
      %select_n3A_1777 = arith.select %eq3A_1764, %bitcast_convert_type3A_1770, %broadcast_in_dim3A_1776 : vector<16xi1>, vector<16xf32>
      %add3A_1778 = arith.addf %add3A_1753, %select_n3A_1777 : vector<16xf32>
      %jit3A_1779 = arith.constant 0.000000e+00 : f32
      %broadcast_in_dim3A_1780 = vector.broadcast %jit3A_1779 : f32 to vector<16xf32>
      %select_n3A_1781 = arith.select %eq3A_1764, %bitcast_convert_type3A_1774, %broadcast_in_dim3A_1780 : vector<16xi1>, vector<16xf32>
      %add3A_1782 = arith.addf %add3A_1757, %select_n3A_1781 : vector<16xf32>
      %get3A_1783 = arith.index_cast %add3A_1566 : i32 to index
      %get3A_1784 = tpu.vector_load %arg8[%get3A_1783] {strides = array<i32>} : memref<9616xi32, #tpu.memory_space<vmem>>, vector<16xi32>,
      %gather3A_1785 = tpu.vector_load_idx %arg9[%get3A_1784] : memref<102008xi32, #tpu.memory_space<vmem>>[vector<16xi32>], vector<16xi32>,
      %add3A_1786 = arith.constant 96 : i32
      %add3A_1787 = vector.broadcast %add3A_1786 : i32 to vector<16xi32>
      %add3A_1788 = arith.addi %iota3A, %add3A_1787 : vector<16xi32>
      %eq3A_1789 = arith.cmpi eq, %gather3A_1785, %add3A_1788 : vector<16xi32>
      %get3A_1790 = arith.index_cast %add3A_1566 : i32 to index
      %get3A_1791 = tpu.vector_load %arg10[%get3A_1790] {strides = array<i32>} : memref<9616xi32, #tpu.memory_space<vmem>>, vector<16xi32>,
      %shift_left3A_1792 = arith.constant 16 : i32
      %shift_left3A_1793 = vector.broadcast %shift_left3A_1792 : i32 to vector<16xi32>
      %shift_left3A_1794 = arith.shli %get3A_1791, %shift_left3A_1793 : vector<16xi32>
      %bitcast_convert_type3A_1795 = tpu.bitcast %shift_left3A_1794 : vector<16xi32> -> vector<16xf32>
      %and3A_1796 = arith.constant -65536 : i32
      %and3A_1797 = vector.broadcast %and3A_1796 : i32 to vector<16xi32>
      %and3A_1798 = arith.andi %get3A_1791, %and3A_1797 : vector<16xi32>
      %bitcast_convert_type3A_1799 = tpu.bitcast %and3A_1798 : vector<16xi32> -> vector<16xf32>
      %jit3A_1800 = arith.constant 0.000000e+00 : f32
      %broadcast_in_dim3A_1801 = vector.broadcast %jit3A_1800 : f32 to vector<16xf32>
      %select_n3A_1802 = arith.select %eq3A_1789, %bitcast_convert_type3A_1795, %broadcast_in_dim3A_1801 : vector<16xi1>, vector<16xf32>
      %add3A_1803 = arith.addf %add3A_1778, %select_n3A_1802 : vector<16xf32>
      %jit3A_1804 = arith.constant 0.000000e+00 : f32
      %broadcast_in_dim3A_1805 = vector.broadcast %jit3A_1804 : f32 to vector<16xf32>
      %select_n3A_1806 = arith.select %eq3A_1789, %bitcast_convert_type3A_1799, %broadcast_in_dim3A_1805 : vector<16xi1>, vector<16xf32>
      %add3A_1807 = arith.addf %add3A_1782, %select_n3A_1806 : vector<16xf32>
      %get3A_1808 = arith.index_cast %add3A_1570 : i32 to index
      %get3A_1809 = tpu.vector_load %arg8[%get3A_1808] {strides = array<i32>} : memref<9616xi32, #tpu.memory_space<vmem>>, vector<16xi32>,
      %gather3A_1810 = tpu.vector_load_idx %arg9[%get3A_1809] : memref<102008xi32, #tpu.memory_space<vmem>>[vector<16xi32>], vector<16xi32>,
      %add3A_1811 = arith.constant 112 : i32
      %add3A_1812 = vector.broadcast %add3A_1811 : i32 to vector<16xi32>
      %add3A_1813 = arith.addi %iota3A, %add3A_1812 : vector<16xi32>
      %eq3A_1814 = arith.cmpi eq, %gather3A_1810, %add3A_1813 : vector<16xi32>
      %get3A_1815 = arith.index_cast %add3A_1570 : i32 to index
      %get3A_1816 = tpu.vector_load %arg10[%get3A_1815] {strides = array<i32>} : memref<9616xi32, #tpu.memory_space<vmem>>, vector<16xi32>,
      %shift_left3A_1817 = arith.constant 16 : i32
      %shift_left3A_1818 = vector.broadcast %shift_left3A_1817 : i32 to vector<16xi32>
      %shift_left3A_1819 = arith.shli %get3A_1816, %shift_left3A_1818 : vector<16xi32>
      %bitcast_convert_type3A_1820 = tpu.bitcast %shift_left3A_1819 : vector<16xi32> -> vector<16xf32>
      %and3A_1821 = arith.constant -65536 : i32
      %and3A_1822 = vector.broadcast %and3A_1821 : i32 to vector<16xi32>
      %and3A_1823 = arith.andi %get3A_1816, %and3A_1822 : vector<16xi32>
      %bitcast_convert_type3A_1824 = tpu.bitcast %and3A_1823 : vector<16xi32> -> vector<16xf32>
      %jit3A_1825 = arith.constant 0.000000e+00 : f32
      %broadcast_in_dim3A_1826 = vector.broadcast %jit3A_1825 : f32 to vector<16xf32>
      %select_n3A_1827 = arith.select %eq3A_1814, %bitcast_convert_type3A_1820, %broadcast_in_dim3A_1826 : vector<16xi1>, vector<16xf32>
      %add3A_1828 = arith.addf %add3A_1803, %select_n3A_1827 : vector<16xf32>
      %jit3A_1829 = arith.constant 0.000000e+00 : f32
      %broadcast_in_dim3A_1830 = vector.broadcast %jit3A_1829 : f32 to vector<16xf32>
      %select_n3A_1831 = arith.select %eq3A_1814, %bitcast_convert_type3A_1824, %broadcast_in_dim3A_1830 : vector<16xi1>, vector<16xf32>
      %add3A_1832 = arith.addf %add3A_1807, %select_n3A_1831 : vector<16xf32>
      %get3A_1833 = arith.index_cast %add3A_1574 : i32 to index
      %get3A_1834 = tpu.vector_load %arg8[%get3A_1833] {strides = array<i32>} : memref<9616xi32, #tpu.memory_space<vmem>>, vector<16xi32>,
      %gather3A_1835 = tpu.vector_load_idx %arg9[%get3A_1834] : memref<102008xi32, #tpu.memory_space<vmem>>[vector<16xi32>], vector<16xi32>,
      %add3A_1836 = arith.constant 128 : i32
      %add3A_1837 = vector.broadcast %add3A_1836 : i32 to vector<16xi32>
      %add3A_1838 = arith.addi %iota3A, %add3A_1837 : vector<16xi32>
      %eq3A_1839 = arith.cmpi eq, %gather3A_1835, %add3A_1838 : vector<16xi32>
      %get3A_1840 = arith.index_cast %add3A_1574 : i32 to index
      %get3A_1841 = tpu.vector_load %arg10[%get3A_1840] {strides = array<i32>} : memref<9616xi32, #tpu.memory_space<vmem>>, vector<16xi32>,
      %shift_left3A_1842 = arith.constant 16 : i32
      %shift_left3A_1843 = vector.broadcast %shift_left3A_1842 : i32 to vector<16xi32>
      %shift_left3A_1844 = arith.shli %get3A_1841, %shift_left3A_1843 : vector<16xi32>
      %bitcast_convert_type3A_1845 = tpu.bitcast %shift_left3A_1844 : vector<16xi32> -> vector<16xf32>
      %and3A_1846 = arith.constant -65536 : i32
      %and3A_1847 = vector.broadcast %and3A_1846 : i32 to vector<16xi32>
      %and3A_1848 = arith.andi %get3A_1841, %and3A_1847 : vector<16xi32>
      %bitcast_convert_type3A_1849 = tpu.bitcast %and3A_1848 : vector<16xi32> -> vector<16xf32>
      %jit3A_1850 = arith.constant 0.000000e+00 : f32
      %broadcast_in_dim3A_1851 = vector.broadcast %jit3A_1850 : f32 to vector<16xf32>
      %select_n3A_1852 = arith.select %eq3A_1839, %bitcast_convert_type3A_1845, %broadcast_in_dim3A_1851 : vector<16xi1>, vector<16xf32>
      %add3A_1853 = arith.addf %add3A_1828, %select_n3A_1852 : vector<16xf32>
      %jit3A_1854 = arith.constant 0.000000e+00 : f32
      %broadcast_in_dim3A_1855 = vector.broadcast %jit3A_1854 : f32 to vector<16xf32>
      %select_n3A_1856 = arith.select %eq3A_1839, %bitcast_convert_type3A_1849, %broadcast_in_dim3A_1855 : vector<16xi1>, vector<16xf32>
      %add3A_1857 = arith.addf %add3A_1832, %select_n3A_1856 : vector<16xf32>
      %get3A_1858 = arith.index_cast %add3A_1578 : i32 to index
      %get3A_1859 = tpu.vector_load %arg8[%get3A_1858] {strides = array<i32>} : memref<9616xi32, #tpu.memory_space<vmem>>, vector<16xi32>,
      %gather3A_1860 = tpu.vector_load_idx %arg9[%get3A_1859] : memref<102008xi32, #tpu.memory_space<vmem>>[vector<16xi32>], vector<16xi32>,
      %add3A_1861 = arith.constant 144 : i32
      %add3A_1862 = vector.broadcast %add3A_1861 : i32 to vector<16xi32>
      %add3A_1863 = arith.addi %iota3A, %add3A_1862 : vector<16xi32>
      %eq3A_1864 = arith.cmpi eq, %gather3A_1860, %add3A_1863 : vector<16xi32>
      %get3A_1865 = arith.index_cast %add3A_1578 : i32 to index
      %get3A_1866 = tpu.vector_load %arg10[%get3A_1865] {strides = array<i32>} : memref<9616xi32, #tpu.memory_space<vmem>>, vector<16xi32>,
      %shift_left3A_1867 = arith.constant 16 : i32
      %shift_left3A_1868 = vector.broadcast %shift_left3A_1867 : i32 to vector<16xi32>
      %shift_left3A_1869 = arith.shli %get3A_1866, %shift_left3A_1868 : vector<16xi32>
      %bitcast_convert_type3A_1870 = tpu.bitcast %shift_left3A_1869 : vector<16xi32> -> vector<16xf32>
      %and3A_1871 = arith.constant -65536 : i32
      %and3A_1872 = vector.broadcast %and3A_1871 : i32 to vector<16xi32>
      %and3A_1873 = arith.andi %get3A_1866, %and3A_1872 : vector<16xi32>
      %bitcast_convert_type3A_1874 = tpu.bitcast %and3A_1873 : vector<16xi32> -> vector<16xf32>
      %jit3A_1875 = arith.constant 0.000000e+00 : f32
      %broadcast_in_dim3A_1876 = vector.broadcast %jit3A_1875 : f32 to vector<16xf32>
      %select_n3A_1877 = arith.select %eq3A_1864, %bitcast_convert_type3A_1870, %broadcast_in_dim3A_1876 : vector<16xi1>, vector<16xf32>
      %add3A_1878 = arith.addf %add3A_1853, %select_n3A_1877 : vector<16xf32>
      %jit3A_1879 = arith.constant 0.000000e+00 : f32
      %broadcast_in_dim3A_1880 = vector.broadcast %jit3A_1879 : f32 to vector<16xf32>
      %select_n3A_1881 = arith.select %eq3A_1864, %bitcast_convert_type3A_1874, %broadcast_in_dim3A_1880 : vector<16xi1>, vector<16xf32>
      %add3A_1882 = arith.addf %add3A_1857, %select_n3A_1881 : vector<16xf32>
      %get3A_1883 = arith.index_cast %add3A_1582 : i32 to index
      %get3A_1884 = tpu.vector_load %arg8[%get3A_1883] {strides = array<i32>} : memref<9616xi32, #tpu.memory_space<vmem>>, vector<16xi32>,
      %gather3A_1885 = tpu.vector_load_idx %arg9[%get3A_1884] : memref<102008xi32, #tpu.memory_space<vmem>>[vector<16xi32>], vector<16xi32>,
      %add3A_1886 = arith.constant 160 : i32
      %add3A_1887 = vector.broadcast %add3A_1886 : i32 to vector<16xi32>
      %add3A_1888 = arith.addi %iota3A, %add3A_1887 : vector<16xi32>
      %eq3A_1889 = arith.cmpi eq, %gather3A_1885, %add3A_1888 : vector<16xi32>
      %get3A_1890 = arith.index_cast %add3A_1582 : i32 to index
      %get3A_1891 = tpu.vector_load %arg10[%get3A_1890] {strides = array<i32>} : memref<9616xi32, #tpu.memory_space<vmem>>, vector<16xi32>,
      %shift_left3A_1892 = arith.constant 16 : i32
      %shift_left3A_1893 = vector.broadcast %shift_left3A_1892 : i32 to vector<16xi32>
      %shift_left3A_1894 = arith.shli %get3A_1891, %shift_left3A_1893 : vector<16xi32>
      %bitcast_convert_type3A_1895 = tpu.bitcast %shift_left3A_1894 : vector<16xi32> -> vector<16xf32>
      %and3A_1896 = arith.constant -65536 : i32
      %and3A_1897 = vector.broadcast %and3A_1896 : i32 to vector<16xi32>
      %and3A_1898 = arith.andi %get3A_1891, %and3A_1897 : vector<16xi32>
      %bitcast_convert_type3A_1899 = tpu.bitcast %and3A_1898 : vector<16xi32> -> vector<16xf32>
      %jit3A_1900 = arith.constant 0.000000e+00 : f32
      %broadcast_in_dim3A_1901 = vector.broadcast %jit3A_1900 : f32 to vector<16xf32>
      %select_n3A_1902 = arith.select %eq3A_1889, %bitcast_convert_type3A_1895, %broadcast_in_dim3A_1901 : vector<16xi1>, vector<16xf32>
      %add3A_1903 = arith.addf %add3A_1878, %select_n3A_1902 : vector<16xf32>
      %jit3A_1904 = arith.constant 0.000000e+00 : f32
      %broadcast_in_dim3A_1905 = vector.broadcast %jit3A_1904 : f32 to vector<16xf32>
      %select_n3A_1906 = arith.select %eq3A_1889, %bitcast_convert_type3A_1899, %broadcast_in_dim3A_1905 : vector<16xi1>, vector<16xf32>
      %add3A_1907 = arith.addf %add3A_1882, %select_n3A_1906 : vector<16xf32>
      %get3A_1908 = arith.index_cast %add3A_1586 : i32 to index
      %get3A_1909 = tpu.vector_load %arg8[%get3A_1908] {strides = array<i32>} : memref<9616xi32, #tpu.memory_space<vmem>>, vector<16xi32>,
      %gather3A_1910 = tpu.vector_load_idx %arg9[%get3A_1909] : memref<102008xi32, #tpu.memory_space<vmem>>[vector<16xi32>], vector<16xi32>,
      %add3A_1911 = arith.constant 176 : i32
      %add3A_1912 = vector.broadcast %add3A_1911 : i32 to vector<16xi32>
      %add3A_1913 = arith.addi %iota3A, %add3A_1912 : vector<16xi32>
      %eq3A_1914 = arith.cmpi eq, %gather3A_1910, %add3A_1913 : vector<16xi32>
      %get3A_1915 = arith.index_cast %add3A_1586 : i32 to index
      %get3A_1916 = tpu.vector_load %arg10[%get3A_1915] {strides = array<i32>} : memref<9616xi32, #tpu.memory_space<vmem>>, vector<16xi32>,
      %shift_left3A_1917 = arith.constant 16 : i32
      %shift_left3A_1918 = vector.broadcast %shift_left3A_1917 : i32 to vector<16xi32>
      %shift_left3A_1919 = arith.shli %get3A_1916, %shift_left3A_1918 : vector<16xi32>
      %bitcast_convert_type3A_1920 = tpu.bitcast %shift_left3A_1919 : vector<16xi32> -> vector<16xf32>
      %and3A_1921 = arith.constant -65536 : i32
      %and3A_1922 = vector.broadcast %and3A_1921 : i32 to vector<16xi32>
      %and3A_1923 = arith.andi %get3A_1916, %and3A_1922 : vector<16xi32>
      %bitcast_convert_type3A_1924 = tpu.bitcast %and3A_1923 : vector<16xi32> -> vector<16xf32>
      %jit3A_1925 = arith.constant 0.000000e+00 : f32
      %broadcast_in_dim3A_1926 = vector.broadcast %jit3A_1925 : f32 to vector<16xf32>
      %select_n3A_1927 = arith.select %eq3A_1914, %bitcast_convert_type3A_1920, %broadcast_in_dim3A_1926 : vector<16xi1>, vector<16xf32>
      %add3A_1928 = arith.addf %add3A_1903, %select_n3A_1927 : vector<16xf32>
      %jit3A_1929 = arith.constant 0.000000e+00 : f32
      %broadcast_in_dim3A_1930 = vector.broadcast %jit3A_1929 : f32 to vector<16xf32>
      %select_n3A_1931 = arith.select %eq3A_1914, %bitcast_convert_type3A_1924, %broadcast_in_dim3A_1930 : vector<16xi1>, vector<16xf32>
      %add3A_1932 = arith.addf %add3A_1907, %select_n3A_1931 : vector<16xf32>
      %get3A_1933 = arith.index_cast %add3A_1590 : i32 to index
      %get3A_1934 = tpu.vector_load %arg8[%get3A_1933] {strides = array<i32>} : memref<9616xi32, #tpu.memory_space<vmem>>, vector<16xi32>,
      %gather3A_1935 = tpu.vector_load_idx %arg9[%get3A_1934] : memref<102008xi32, #tpu.memory_space<vmem>>[vector<16xi32>], vector<16xi32>,
      %add3A_1936 = arith.constant 192 : i32
      %add3A_1937 = vector.broadcast %add3A_1936 : i32 to vector<16xi32>
      %add3A_1938 = arith.addi %iota3A, %add3A_1937 : vector<16xi32>
      %eq3A_1939 = arith.cmpi eq, %gather3A_1935, %add3A_1938 : vector<16xi32>
      %lt3A_1940 = arith.constant 8 : i32
      %lt3A_1941 = vector.broadcast %lt3A_1940 : i32 to vector<16xi32>
      %lt3A_1942 = arith.cmpi slt, %iota3A, %lt3A_1941 : vector<16xi32>
      %and3A_1943 = arith.andi %eq3A_1939, %lt3A_1942 : vector<16xi1>
      %get3A_1944 = arith.index_cast %add3A_1590 : i32 to index
      %get3A_1945 = tpu.vector_load %arg10[%get3A_1944] {strides = array<i32>} : memref<9616xi32, #tpu.memory_space<vmem>>, vector<16xi32>,
      %shift_left3A_1946 = arith.constant 16 : i32
      %shift_left3A_1947 = vector.broadcast %shift_left3A_1946 : i32 to vector<16xi32>
      %shift_left3A_1948 = arith.shli %get3A_1945, %shift_left3A_1947 : vector<16xi32>
      %bitcast_convert_type3A_1949 = tpu.bitcast %shift_left3A_1948 : vector<16xi32> -> vector<16xf32>
      %and3A_1950 = arith.constant -65536 : i32
      %and3A_1951 = vector.broadcast %and3A_1950 : i32 to vector<16xi32>
      %and3A_1952 = arith.andi %get3A_1945, %and3A_1951 : vector<16xi32>
      %bitcast_convert_type3A_1953 = tpu.bitcast %and3A_1952 : vector<16xi32> -> vector<16xf32>
      %jit3A_1954 = arith.constant 0.000000e+00 : f32
      %broadcast_in_dim3A_1955 = vector.broadcast %jit3A_1954 : f32 to vector<16xf32>
      %select_n3A_1956 = arith.select %and3A_1943, %bitcast_convert_type3A_1949, %broadcast_in_dim3A_1955 : vector<16xi1>, vector<16xf32>
      %add3A_1957 = arith.addf %add3A_1928, %select_n3A_1956 : vector<16xf32>
      %jit3A_1958 = arith.constant 0.000000e+00 : f32
      %broadcast_in_dim3A_1959 = vector.broadcast %jit3A_1958 : f32 to vector<16xf32>
      %select_n3A_1960 = arith.select %and3A_1943, %bitcast_convert_type3A_1953, %broadcast_in_dim3A_1959 : vector<16xi1>, vector<16xf32>
      %add3A_1961 = arith.addf %add3A_1932, %select_n3A_1960 : vector<16xf32>
      %get3A_1962 = arith.index_cast %add3A_1596 : i32 to index
      %get3A_1963 = tpu.vector_load %arg8[%get3A_1962] {strides = array<i32>} : memref<9616xi32, #tpu.memory_space<vmem>>, vector<16xi32>,
      %gather3A_1964 = tpu.vector_load_idx %arg9[%get3A_1963] : memref<102008xi32, #tpu.memory_space<vmem>>[vector<16xi32>], vector<16xi32>,
      %add3A_1965 = arith.constant 200 : i32
      %add3A_1966 = vector.broadcast %add3A_1965 : i32 to vector<16xi32>
      %add3A_1967 = arith.addi %iota3A, %add3A_1966 : vector<16xi32>
      %eq3A_1968 = arith.cmpi eq, %gather3A_1964, %add3A_1967 : vector<16xi32>
      %get3A_1969 = arith.index_cast %add3A_1596 : i32 to index
      %get3A_1970 = tpu.vector_load %arg10[%get3A_1969] {strides = array<i32>} : memref<9616xi32, #tpu.memory_space<vmem>>, vector<16xi32>,
      %shift_left3A_1971 = arith.constant 16 : i32
      %shift_left3A_1972 = vector.broadcast %shift_left3A_1971 : i32 to vector<16xi32>
      %shift_left3A_1973 = arith.shli %get3A_1970, %shift_left3A_1972 : vector<16xi32>
      %bitcast_convert_type3A_1974 = tpu.bitcast %shift_left3A_1973 : vector<16xi32> -> vector<16xf32>
      %and3A_1975 = arith.constant -65536 : i32
      %and3A_1976 = vector.broadcast %and3A_1975 : i32 to vector<16xi32>
      %and3A_1977 = arith.andi %get3A_1970, %and3A_1976 : vector<16xi32>
      %bitcast_convert_type3A_1978 = tpu.bitcast %and3A_1977 : vector<16xi32> -> vector<16xf32>
      %jit3A_1979 = arith.constant 0.000000e+00 : f32
      %broadcast_in_dim3A_1980 = vector.broadcast %jit3A_1979 : f32 to vector<16xf32>
      %select_n3A_1981 = arith.select %eq3A_1968, %bitcast_convert_type3A_1974, %broadcast_in_dim3A_1980 : vector<16xi1>, vector<16xf32>
      %add3A_1982 = arith.addf %add3A_1957, %select_n3A_1981 : vector<16xf32>
      %jit3A_1983 = arith.constant 0.000000e+00 : f32
      %broadcast_in_dim3A_1984 = vector.broadcast %jit3A_1983 : f32 to vector<16xf32>
      %select_n3A_1985 = arith.select %eq3A_1968, %bitcast_convert_type3A_1978, %broadcast_in_dim3A_1984 : vector<16xi1>, vector<16xf32>
      %add3A_1986 = arith.addf %add3A_1961, %select_n3A_1985 : vector<16xf32>
      %get3A_1987 = arith.index_cast %add3A_1602 : i32 to index
      %get3A_1988 = tpu.vector_load %arg8[%get3A_1987] {strides = array<i32>} : memref<9616xi32, #tpu.memory_space<vmem>>, vector<16xi32>,
      %gather3A_1989 = tpu.vector_load_idx %arg9[%get3A_1988] : memref<102008xi32, #tpu.memory_space<vmem>>[vector<16xi32>], vector<16xi32>,
      %add3A_1990 = arith.constant 216 : i32
      %add3A_1991 = vector.broadcast %add3A_1990 : i32 to vector<16xi32>
      %add3A_1992 = arith.addi %iota3A, %add3A_1991 : vector<16xi32>
      %eq3A_1993 = arith.cmpi eq, %gather3A_1989, %add3A_1992 : vector<16xi32>
      %get3A_1994 = arith.index_cast %add3A_1602 : i32 to index
      %get3A_1995 = tpu.vector_load %arg10[%get3A_1994] {strides = array<i32>} : memref<9616xi32, #tpu.memory_space<vmem>>, vector<16xi32>,
      %shift_left3A_1996 = arith.constant 16 : i32
      %shift_left3A_1997 = vector.broadcast %shift_left3A_1996 : i32 to vector<16xi32>
      %shift_left3A_1998 = arith.shli %get3A_1995, %shift_left3A_1997 : vector<16xi32>
      %bitcast_convert_type3A_1999 = tpu.bitcast %shift_left3A_1998 : vector<16xi32> -> vector<16xf32>
      %and3A_2000 = arith.constant -65536 : i32
      %and3A_2001 = vector.broadcast %and3A_2000 : i32 to vector<16xi32>
      %and3A_2002 = arith.andi %get3A_1995, %and3A_2001 : vector<16xi32>
      %bitcast_convert_type3A_2003 = tpu.bitcast %and3A_2002 : vector<16xi32> -> vector<16xf32>
      %jit3A_2004 = arith.constant 0.000000e+00 : f32
      %broadcast_in_dim3A_2005 = vector.broadcast %jit3A_2004 : f32 to vector<16xf32>
      %select_n3A_2006 = arith.select %eq3A_1993, %bitcast_convert_type3A_1999, %broadcast_in_dim3A_2005 : vector<16xi1>, vector<16xf32>
      %add3A_2007 = arith.addf %add3A_1982, %select_n3A_2006 : vector<16xf32>
      %jit3A_2008 = arith.constant 0.000000e+00 : f32
      %broadcast_in_dim3A_2009 = vector.broadcast %jit3A_2008 : f32 to vector<16xf32>
      %select_n3A_2010 = arith.select %eq3A_1993, %bitcast_convert_type3A_2003, %broadcast_in_dim3A_2009 : vector<16xi1>, vector<16xf32>
      %add3A_2011 = arith.addf %add3A_1986, %select_n3A_2010 : vector<16xf32>
      %get3A_2012 = arith.index_cast %add3A_1608 : i32 to index
      %get3A_2013 = tpu.vector_load %arg8[%get3A_2012] {strides = array<i32>} : memref<9616xi32, #tpu.memory_space<vmem>>, vector<16xi32>,
      %gather3A_2014 = tpu.vector_load_idx %arg9[%get3A_2013] : memref<102008xi32, #tpu.memory_space<vmem>>[vector<16xi32>], vector<16xi32>,
      %add3A_2015 = arith.constant 232 : i32
      %add3A_2016 = vector.broadcast %add3A_2015 : i32 to vector<16xi32>
      %add3A_2017 = arith.addi %iota3A, %add3A_2016 : vector<16xi32>
      %eq3A_2018 = arith.cmpi eq, %gather3A_2014, %add3A_2017 : vector<16xi32>
      %get3A_2019 = arith.index_cast %add3A_1608 : i32 to index
      %get3A_2020 = tpu.vector_load %arg10[%get3A_2019] {strides = array<i32>} : memref<9616xi32, #tpu.memory_space<vmem>>, vector<16xi32>,
      %shift_left3A_2021 = arith.constant 16 : i32
      %shift_left3A_2022 = vector.broadcast %shift_left3A_2021 : i32 to vector<16xi32>
      %shift_left3A_2023 = arith.shli %get3A_2020, %shift_left3A_2022 : vector<16xi32>
      %bitcast_convert_type3A_2024 = tpu.bitcast %shift_left3A_2023 : vector<16xi32> -> vector<16xf32>
      %and3A_2025 = arith.constant -65536 : i32
      %and3A_2026 = vector.broadcast %and3A_2025 : i32 to vector<16xi32>
      %and3A_2027 = arith.andi %get3A_2020, %and3A_2026 : vector<16xi32>
      %bitcast_convert_type3A_2028 = tpu.bitcast %and3A_2027 : vector<16xi32> -> vector<16xf32>
      %jit3A_2029 = arith.constant 0.000000e+00 : f32
      %broadcast_in_dim3A_2030 = vector.broadcast %jit3A_2029 : f32 to vector<16xf32>
      %select_n3A_2031 = arith.select %eq3A_2018, %bitcast_convert_type3A_2024, %broadcast_in_dim3A_2030 : vector<16xi1>, vector<16xf32>
      %add3A_2032 = arith.addf %add3A_2007, %select_n3A_2031 : vector<16xf32>
      %jit3A_2033 = arith.constant 0.000000e+00 : f32
      %broadcast_in_dim3A_2034 = vector.broadcast %jit3A_2033 : f32 to vector<16xf32>
      %select_n3A_2035 = arith.select %eq3A_2018, %bitcast_convert_type3A_2028, %broadcast_in_dim3A_2034 : vector<16xi1>, vector<16xf32>
      %add3A_2036 = arith.addf %add3A_2011, %select_n3A_2035 : vector<16xf32>
      %get3A_2037 = arith.index_cast %add3A_1614 : i32 to index
      %get3A_2038 = tpu.vector_load %arg8[%get3A_2037] {strides = array<i32>} : memref<9616xi32, #tpu.memory_space<vmem>>, vector<16xi32>,
      %gather3A_2039 = tpu.vector_load_idx %arg9[%get3A_2038] : memref<102008xi32, #tpu.memory_space<vmem>>[vector<16xi32>], vector<16xi32>,
      %add3A_2040 = arith.constant 248 : i32
      %add3A_2041 = vector.broadcast %add3A_2040 : i32 to vector<16xi32>
      %add3A_2042 = arith.addi %iota3A, %add3A_2041 : vector<16xi32>
      %eq3A_2043 = arith.cmpi eq, %gather3A_2039, %add3A_2042 : vector<16xi32>
      %lt3A_2044 = arith.constant 2 : i32
      %lt3A_2045 = vector.broadcast %lt3A_2044 : i32 to vector<16xi32>
      %lt3A_2046 = arith.cmpi slt, %iota3A, %lt3A_2045 : vector<16xi32>
      %and3A_2047 = arith.andi %eq3A_2043, %lt3A_2046 : vector<16xi1>
      %get3A_2048 = arith.index_cast %add3A_1614 : i32 to index
      %get3A_2049 = tpu.vector_load %arg10[%get3A_2048] {strides = array<i32>} : memref<9616xi32, #tpu.memory_space<vmem>>, vector<16xi32>,
      %shift_left3A_2050 = arith.constant 16 : i32
      %shift_left3A_2051 = vector.broadcast %shift_left3A_2050 : i32 to vector<16xi32>
      %shift_left3A_2052 = arith.shli %get3A_2049, %shift_left3A_2051 : vector<16xi32>
      %bitcast_convert_type3A_2053 = tpu.bitcast %shift_left3A_2052 : vector<16xi32> -> vector<16xf32>
      %and3A_2054 = arith.constant -65536 : i32
      %and3A_2055 = vector.broadcast %and3A_2054 : i32 to vector<16xi32>
      %and3A_2056 = arith.andi %get3A_2049, %and3A_2055 : vector<16xi32>
      %bitcast_convert_type3A_2057 = tpu.bitcast %and3A_2056 : vector<16xi32> -> vector<16xf32>
      %jit3A_2058 = arith.constant 0.000000e+00 : f32
      %broadcast_in_dim3A_2059 = vector.broadcast %jit3A_2058 : f32 to vector<16xf32>
      %select_n3A_2060 = arith.select %and3A_2047, %bitcast_convert_type3A_2053, %broadcast_in_dim3A_2059 : vector<16xi1>, vector<16xf32>
      %add3A_2061 = arith.addf %add3A_2032, %select_n3A_2060 : vector<16xf32>
      %jit3A_2062 = arith.constant 0.000000e+00 : f32
      %broadcast_in_dim3A_2063 = vector.broadcast %jit3A_2062 : f32 to vector<16xf32>
      %select_n3A_2064 = arith.select %and3A_2047, %bitcast_convert_type3A_2057, %broadcast_in_dim3A_2063 : vector<16xi1>, vector<16xf32>
      %add3A_2065 = arith.addf %add3A_2036, %select_n3A_2064 : vector<16xf32>
      %get3A_2066 = arith.index_cast %add3A_1620 : i32 to index
      %get3A_2067 = tpu.vector_load %arg8[%get3A_2066] {strides = array<i32>} : memref<9616xi32, #tpu.memory_space<vmem>>, vector<16xi32>,
      %gather3A_2068 = tpu.vector_load_idx %arg9[%get3A_2067] : memref<102008xi32, #tpu.memory_space<vmem>>[vector<16xi32>], vector<16xi32>,
      %add3A_2069 = arith.constant 250 : i32
      %add3A_2070 = vector.broadcast %add3A_2069 : i32 to vector<16xi32>
      %add3A_2071 = arith.addi %iota3A, %add3A_2070 : vector<16xi32>
      %eq3A_2072 = arith.cmpi eq, %gather3A_2068, %add3A_2071 : vector<16xi32>
      %get3A_2073 = arith.index_cast %add3A_1620 : i32 to index
      %get3A_2074 = tpu.vector_load %arg10[%get3A_2073] {strides = array<i32>} : memref<9616xi32, #tpu.memory_space<vmem>>, vector<16xi32>,
      %shift_left3A_2075 = arith.constant 16 : i32
      %shift_left3A_2076 = vector.broadcast %shift_left3A_2075 : i32 to vector<16xi32>
      %shift_left3A_2077 = arith.shli %get3A_2074, %shift_left3A_2076 : vector<16xi32>
      %bitcast_convert_type3A_2078 = tpu.bitcast %shift_left3A_2077 : vector<16xi32> -> vector<16xf32>
      %and3A_2079 = arith.constant -65536 : i32
      %and3A_2080 = vector.broadcast %and3A_2079 : i32 to vector<16xi32>
      %and3A_2081 = arith.andi %get3A_2074, %and3A_2080 : vector<16xi32>
      %bitcast_convert_type3A_2082 = tpu.bitcast %and3A_2081 : vector<16xi32> -> vector<16xf32>
      %jit3A_2083 = arith.constant 0.000000e+00 : f32
      %broadcast_in_dim3A_2084 = vector.broadcast %jit3A_2083 : f32 to vector<16xf32>
      %select_n3A_2085 = arith.select %eq3A_2072, %bitcast_convert_type3A_2078, %broadcast_in_dim3A_2084 : vector<16xi1>, vector<16xf32>
      %add3A_2086 = arith.addf %add3A_2061, %select_n3A_2085 : vector<16xf32>
      %jit3A_2087 = arith.constant 0.000000e+00 : f32
      %broadcast_in_dim3A_2088 = vector.broadcast %jit3A_2087 : f32 to vector<16xf32>
      %select_n3A_2089 = arith.select %eq3A_2072, %bitcast_convert_type3A_2082, %broadcast_in_dim3A_2088 : vector<16xi1>, vector<16xf32>
      %add3A_2090 = arith.addf %add3A_2065, %select_n3A_2089 : vector<16xf32>
      %get3A_2091 = arith.index_cast %add3A_1626 : i32 to index
      %get3A_2092 = tpu.vector_load %arg8[%get3A_2091] {strides = array<i32>} : memref<9616xi32, #tpu.memory_space<vmem>>, vector<16xi32>,
      %gather3A_2093 = tpu.vector_load_idx %arg9[%get3A_2092] : memref<102008xi32, #tpu.memory_space<vmem>>[vector<16xi32>], vector<16xi32>,
      %add3A_2094 = arith.constant 266 : i32
      %add3A_2095 = vector.broadcast %add3A_2094 : i32 to vector<16xi32>
      %add3A_2096 = arith.addi %iota3A, %add3A_2095 : vector<16xi32>
      %eq3A_2097 = arith.cmpi eq, %gather3A_2093, %add3A_2096 : vector<16xi32>
      %get3A_2098 = arith.index_cast %add3A_1626 : i32 to index
      %get3A_2099 = tpu.vector_load %arg10[%get3A_2098] {strides = array<i32>} : memref<9616xi32, #tpu.memory_space<vmem>>, vector<16xi32>,
      %shift_left3A_2100 = arith.constant 16 : i32
      %shift_left3A_2101 = vector.broadcast %shift_left3A_2100 : i32 to vector<16xi32>
      %shift_left3A_2102 = arith.shli %get3A_2099, %shift_left3A_2101 : vector<16xi32>
      %bitcast_convert_type3A_2103 = tpu.bitcast %shift_left3A_2102 : vector<16xi32> -> vector<16xf32>
      %and3A_2104 = arith.constant -65536 : i32
      %and3A_2105 = vector.broadcast %and3A_2104 : i32 to vector<16xi32>
      %and3A_2106 = arith.andi %get3A_2099, %and3A_2105 : vector<16xi32>
      %bitcast_convert_type3A_2107 = tpu.bitcast %and3A_2106 : vector<16xi32> -> vector<16xf32>
      %jit3A_2108 = arith.constant 0.000000e+00 : f32
      %broadcast_in_dim3A_2109 = vector.broadcast %jit3A_2108 : f32 to vector<16xf32>
      %select_n3A_2110 = arith.select %eq3A_2097, %bitcast_convert_type3A_2103, %broadcast_in_dim3A_2109 : vector<16xi1>, vector<16xf32>
      %add3A_2111 = arith.addf %add3A_2086, %select_n3A_2110 : vector<16xf32>
      %jit3A_2112 = arith.constant 0.000000e+00 : f32
      %broadcast_in_dim3A_2113 = vector.broadcast %jit3A_2112 : f32 to vector<16xf32>
      %select_n3A_2114 = arith.select %eq3A_2097, %bitcast_convert_type3A_2107, %broadcast_in_dim3A_2113 : vector<16xi1>, vector<16xf32>
      %add3A_2115 = arith.addf %add3A_2090, %select_n3A_2114 : vector<16xf32>
      %get3A_2116 = arith.index_cast %add3A_1632 : i32 to index
      %get3A_2117 = tpu.vector_load %arg8[%get3A_2116] {strides = array<i32>} : memref<9616xi32, #tpu.memory_space<vmem>>, vector<16xi32>,
      %gather3A_2118 = tpu.vector_load_idx %arg9[%get3A_2117] : memref<102008xi32, #tpu.memory_space<vmem>>[vector<16xi32>], vector<16xi32>,
      %add3A_2119 = arith.constant 282 : i32
      %add3A_2120 = vector.broadcast %add3A_2119 : i32 to vector<16xi32>
      %add3A_2121 = arith.addi %iota3A, %add3A_2120 : vector<16xi32>
      %eq3A_2122 = arith.cmpi eq, %gather3A_2118, %add3A_2121 : vector<16xi32>
      %get3A_2123 = arith.index_cast %add3A_1632 : i32 to index
      %get3A_2124 = tpu.vector_load %arg10[%get3A_2123] {strides = array<i32>} : memref<9616xi32, #tpu.memory_space<vmem>>, vector<16xi32>,
      %shift_left3A_2125 = arith.constant 16 : i32
      %shift_left3A_2126 = vector.broadcast %shift_left3A_2125 : i32 to vector<16xi32>
      %shift_left3A_2127 = arith.shli %get3A_2124, %shift_left3A_2126 : vector<16xi32>
      %bitcast_convert_type3A_2128 = tpu.bitcast %shift_left3A_2127 : vector<16xi32> -> vector<16xf32>
      %and3A_2129 = arith.constant -65536 : i32
      %and3A_2130 = vector.broadcast %and3A_2129 : i32 to vector<16xi32>
      %and3A_2131 = arith.andi %get3A_2124, %and3A_2130 : vector<16xi32>
      %bitcast_convert_type3A_2132 = tpu.bitcast %and3A_2131 : vector<16xi32> -> vector<16xf32>
      %jit3A_2133 = arith.constant 0.000000e+00 : f32
      %broadcast_in_dim3A_2134 = vector.broadcast %jit3A_2133 : f32 to vector<16xf32>
      %select_n3A_2135 = arith.select %eq3A_2122, %bitcast_convert_type3A_2128, %broadcast_in_dim3A_2134 : vector<16xi1>, vector<16xf32>
      %add3A_2136 = arith.addf %add3A_2111, %select_n3A_2135 : vector<16xf32>
      %jit3A_2137 = arith.constant 0.000000e+00 : f32
      %broadcast_in_dim3A_2138 = vector.broadcast %jit3A_2137 : f32 to vector<16xf32>
      %select_n3A_2139 = arith.select %eq3A_2122, %bitcast_convert_type3A_2132, %broadcast_in_dim3A_2138 : vector<16xi1>, vector<16xf32>
      %add3A_2140 = arith.addf %add3A_2115, %select_n3A_2139 : vector<16xf32>
      %get3A_2141 = arith.index_cast %add3A_1638 : i32 to index
      %get3A_2142 = tpu.vector_load %arg8[%get3A_2141] {strides = array<i32>} : memref<9616xi32, #tpu.memory_space<vmem>>, vector<16xi32>,
      %gather3A_2143 = tpu.vector_load_idx %arg9[%get3A_2142] : memref<102008xi32, #tpu.memory_space<vmem>>[vector<16xi32>], vector<16xi32>,
      %add3A_2144 = arith.constant 298 : i32
      %add3A_2145 = vector.broadcast %add3A_2144 : i32 to vector<16xi32>
      %add3A_2146 = arith.addi %iota3A, %add3A_2145 : vector<16xi32>
      %eq3A_2147 = arith.cmpi eq, %gather3A_2143, %add3A_2146 : vector<16xi32>
      %lt3A_2148 = arith.constant 2 : i32
      %lt3A_2149 = vector.broadcast %lt3A_2148 : i32 to vector<16xi32>
      %lt3A_2150 = arith.cmpi slt, %iota3A, %lt3A_2149 : vector<16xi32>
      %and3A_2151 = arith.andi %eq3A_2147, %lt3A_2150 : vector<16xi1>
      %get3A_2152 = arith.index_cast %add3A_1638 : i32 to index
      %get3A_2153 = tpu.vector_load %arg10[%get3A_2152] {strides = array<i32>} : memref<9616xi32, #tpu.memory_space<vmem>>, vector<16xi32>,
      %shift_left3A_2154 = arith.constant 16 : i32
      %shift_left3A_2155 = vector.broadcast %shift_left3A_2154 : i32 to vector<16xi32>
      %shift_left3A_2156 = arith.shli %get3A_2153, %shift_left3A_2155 : vector<16xi32>
      %bitcast_convert_type3A_2157 = tpu.bitcast %shift_left3A_2156 : vector<16xi32> -> vector<16xf32>
      %and3A_2158 = arith.constant -65536 : i32
      %and3A_2159 = vector.broadcast %and3A_2158 : i32 to vector<16xi32>
      %and3A_2160 = arith.andi %get3A_2153, %and3A_2159 : vector<16xi32>
      %bitcast_convert_type3A_2161 = tpu.bitcast %and3A_2160 : vector<16xi32> -> vector<16xf32>
      %jit3A_2162 = arith.constant 0.000000e+00 : f32
      %broadcast_in_dim3A_2163 = vector.broadcast %jit3A_2162 : f32 to vector<16xf32>
      %select_n3A_2164 = arith.select %and3A_2151, %bitcast_convert_type3A_2157, %broadcast_in_dim3A_2163 : vector<16xi1>, vector<16xf32>
      %add3A_2165 = arith.addf %add3A_2136, %select_n3A_2164 : vector<16xf32>
      %jit3A_2166 = arith.constant 0.000000e+00 : f32
      %broadcast_in_dim3A_2167 = vector.broadcast %jit3A_2166 : f32 to vector<16xf32>
      %select_n3A_2168 = arith.select %and3A_2151, %bitcast_convert_type3A_2161, %broadcast_in_dim3A_2167 : vector<16xi1>, vector<16xf32>
      %add3A_2169 = arith.addf %add3A_2140, %select_n3A_2168 : vector<16xf32>
      %reduce_sum3A = arith.constant true
      %reduce_sum3A_2170 = vector.broadcast %reduce_sum3A : i1 to vector<16xi1>
      %reduce_sum3A_2171 = tpu.scan <sum>, %add3A_2165 masked %reduce_sum3A_2170 : vector<16xf32>, vector<16xi1> -> vector<16xf32>
      %reduce_sum3A_2172 = vector.extract %reduce_sum3A_2171[15] : f32 from vector<16xf32>
      %reduce_sum3A_2173 = arith.constant true
      %reduce_sum3A_2174 = vector.broadcast %reduce_sum3A_2173 : i1 to vector<16xi1>
      %reduce_sum3A_2175 = tpu.scan <sum>, %add3A_2169 masked %reduce_sum3A_2174 : vector<16xf32>, vector<16xi1> -> vector<16xf32>
      %reduce_sum3A_2176 = vector.extract %reduce_sum3A_2175[15] : f32 from vector<16xf32>
      %eq3A_2177 = arith.constant 0 : i32
      %eq3A_2178 = vector.broadcast %eq3A_2177 : i32 to vector<16xi32>
      %eq3A_2179 = arith.cmpi eq, %iota3A, %eq3A_2178 : vector<16xi32>
      %eq3A_2180 = arith.constant 1 : i32
      %eq3A_2181 = vector.broadcast %eq3A_2180 : i32 to vector<16xi32>
      %eq3A_2182 = arith.cmpi eq, %iota3A, %eq3A_2181 : vector<16xi32>
      %jit3A_2183 = arith.constant 0.000000e+00 : f32
      %broadcast_in_dim3A_2184 = vector.broadcast %reduce_sum3A_2176 : f32 to vector<16xf32>
      %broadcast_in_dim3A_2185 = vector.broadcast %jit3A_2183 : f32 to vector<16xf32>
      %select_n3A_2186 = arith.select %eq3A_2182, %broadcast_in_dim3A_2184, %broadcast_in_dim3A_2185 : vector<16xi1>, vector<16xf32>
      %broadcast_in_dim3A_2187 = vector.broadcast %reduce_sum3A_2172 : f32 to vector<16xf32>
      %select_n3A_2188 = arith.select %eq3A_2179, %broadcast_in_dim3A_2187, %select_n3A_2186 : vector<16xi1>, vector<16xf32>
      %get3A_2189 = arith.constant 0 : index
      %get3A_2190 = tpu.vector_load %arg12[%get3A_2189] {strides = array<i32>} : memref<16xf32, #tpu.memory_space<vmem>>, vector<16xf32>,
      %add3A_2191 = arith.addf %select_n3A_2188, %get3A_2190 : vector<16xf32>
      %mul3A_2192 = arith.constant 16 : i32
      %mul3A_2193 = arith.muli %scan3A_1534, %mul3A_2192 : i32
      %swap3A_2194 = arith.index_cast %mul3A_2193 : i32 to index
      %swap3A_2195 = tpu.vector_load %arg11[%swap3A_2194] {strides = array<i32>} : memref<512xf32, #tpu.memory_space<vmem>>, vector<16xf32>,
      tpu.vector_store %arg11[%swap3A_2194], %add3A_2191 {strides = array<i32>} : memref<512xf32, #tpu.memory_space<vmem>>, vector<16xf32>,
      %lt3A_2196 = arith.constant 31 : i32
      %lt3A_2197 = arith.cmpi slt, %scan3A_1534, %lt3A_2196 : i32
      %convert_element_type3A_2198 = arith.extui %lt3A_2197 : i1 to i32
      %cond3A_2199 = arith.constant 0 : i32
      %cond3A_2200 = arith.cmpi ne, %convert_element_type3A_2198, %cond3A_2199 : i32
      scf.if %cond3A_2200 {
        %add3A_2201 = arith.constant 1 : i32
        %add3A_2202 = arith.addi %scan3A_1534, %add3A_2201 : i32
        %mul3A_2203 = arith.constant 200 : i32
        %mul3A_2204 = arith.muli %mul3A_2203, %add3A_2202 : i32
        %add3A_2205 = arith.constant 0 : i32
        %add3A_2206 = arith.addi %mul3A_2204, %add3A_2205 : i32
        %mul3A_2207 = arith.constant 200 : i32
        %mul3A_2208 = arith.muli %mul3A_2207, %add3A_2202 : i32
        %add3A_2209 = arith.constant 16 : i32
        %add3A_2210 = arith.addi %mul3A_2208, %add3A_2209 : i32
        %mul3A_2211 = arith.constant 200 : i32
        %mul3A_2212 = arith.muli %mul3A_2211, %add3A_2202 : i32
        %add3A_2213 = arith.constant 32 : i32
        %add3A_2214 = arith.addi %mul3A_2212, %add3A_2213 : i32
        %mul3A_2215 = arith.constant 200 : i32
        %mul3A_2216 = arith.muli %mul3A_2215, %add3A_2202 : i32
        %add3A_2217 = arith.constant 48 : i32
        %add3A_2218 = arith.addi %mul3A_2216, %add3A_2217 : i32
        %mul3A_2219 = arith.constant 200 : i32
        %mul3A_2220 = arith.muli %mul3A_2219, %add3A_2202 : i32
        %add3A_2221 = arith.constant 64 : i32
        %add3A_2222 = arith.addi %mul3A_2220, %add3A_2221 : i32
        %mul3A_2223 = arith.constant 200 : i32
        %mul3A_2224 = arith.muli %mul3A_2223, %add3A_2202 : i32
        %add3A_2225 = arith.constant 80 : i32
        %add3A_2226 = arith.addi %mul3A_2224, %add3A_2225 : i32
        %mul3A_2227 = arith.constant 200 : i32
        %mul3A_2228 = arith.muli %mul3A_2227, %add3A_2202 : i32
        %add3A_2229 = arith.constant 96 : i32
        %add3A_2230 = arith.addi %mul3A_2228, %add3A_2229 : i32
        %mul3A_2231 = arith.constant 200 : i32
        %mul3A_2232 = arith.muli %mul3A_2231, %add3A_2202 : i32
        %add3A_2233 = arith.constant 112 : i32
        %add3A_2234 = arith.addi %mul3A_2232, %add3A_2233 : i32
        %mul3A_2235 = arith.constant 200 : i32
        %mul3A_2236 = arith.muli %mul3A_2235, %add3A_2202 : i32
        %add3A_2237 = arith.constant 128 : i32
        %add3A_2238 = arith.addi %mul3A_2236, %add3A_2237 : i32
        %mul3A_2239 = arith.constant 200 : i32
        %mul3A_2240 = arith.muli %mul3A_2239, %add3A_2202 : i32
        %add3A_2241 = arith.constant 144 : i32
        %add3A_2242 = arith.addi %mul3A_2240, %add3A_2241 : i32
        %mul3A_2243 = arith.constant 200 : i32
        %mul3A_2244 = arith.muli %mul3A_2243, %add3A_2202 : i32
        %add3A_2245 = arith.constant 160 : i32
        %add3A_2246 = arith.addi %mul3A_2244, %add3A_2245 : i32
        %mul3A_2247 = arith.constant 200 : i32
        %mul3A_2248 = arith.muli %mul3A_2247, %add3A_2202 : i32
        %add3A_2249 = arith.constant 176 : i32
        %add3A_2250 = arith.addi %mul3A_2248, %add3A_2249 : i32
        %mul3A_2251 = arith.constant 200 : i32
        %mul3A_2252 = arith.muli %mul3A_2251, %add3A_2202 : i32
        %add3A_2253 = arith.constant 192 : i32
        %add3A_2254 = arith.addi %mul3A_2252, %add3A_2253 : i32
        %mul3A_2255 = arith.constant 50 : i32
        %mul3A_2256 = arith.muli %mul3A_2255, %add3A_2202 : i32
        %add3A_2257 = arith.constant 6400 : i32
        %add3A_2258 = arith.addi %add3A_2257, %mul3A_2256 : i32
        %add3A_2259 = arith.constant 0 : i32
        %add3A_2260 = arith.addi %add3A_2258, %add3A_2259 : i32
        %mul3A_2261 = arith.constant 50 : i32
        %mul3A_2262 = arith.muli %mul3A_2261, %add3A_2202 : i32
        %add3A_2263 = arith.constant 6400 : i32
        %add3A_2264 = arith.addi %add3A_2263, %mul3A_2262 : i32
        %add3A_2265 = arith.constant 16 : i32
        %add3A_2266 = arith.addi %add3A_2264, %add3A_2265 : i32
        %mul3A_2267 = arith.constant 50 : i32
        %mul3A_2268 = arith.muli %mul3A_2267, %add3A_2202 : i32
        %add3A_2269 = arith.constant 6400 : i32
        %add3A_2270 = arith.addi %add3A_2269, %mul3A_2268 : i32
        %add3A_2271 = arith.constant 32 : i32
        %add3A_2272 = arith.addi %add3A_2270, %add3A_2271 : i32
        %mul3A_2273 = arith.constant 50 : i32
        %mul3A_2274 = arith.muli %mul3A_2273, %add3A_2202 : i32
        %add3A_2275 = arith.constant 6400 : i32
        %add3A_2276 = arith.addi %add3A_2275, %mul3A_2274 : i32
        %add3A_2277 = arith.constant 48 : i32
        %add3A_2278 = arith.addi %add3A_2276, %add3A_2277 : i32
        %mul3A_2279 = arith.constant 50 : i32
        %mul3A_2280 = arith.muli %mul3A_2279, %add3A_2202 : i32
        %add3A_2281 = arith.constant 8000 : i32
        %add3A_2282 = arith.addi %add3A_2281, %mul3A_2280 : i32
        %add3A_2283 = arith.constant 0 : i32
        %add3A_2284 = arith.addi %add3A_2282, %add3A_2283 : i32
        %mul3A_2285 = arith.constant 50 : i32
        %mul3A_2286 = arith.muli %mul3A_2285, %add3A_2202 : i32
        %add3A_2287 = arith.constant 8000 : i32
        %add3A_2288 = arith.addi %add3A_2287, %mul3A_2286 : i32
        %add3A_2289 = arith.constant 16 : i32
        %add3A_2290 = arith.addi %add3A_2288, %add3A_2289 : i32
        %mul3A_2291 = arith.constant 50 : i32
        %mul3A_2292 = arith.muli %mul3A_2291, %add3A_2202 : i32
        %add3A_2293 = arith.constant 8000 : i32
        %add3A_2294 = arith.addi %add3A_2293, %mul3A_2292 : i32
        %add3A_2295 = arith.constant 32 : i32
        %add3A_2296 = arith.addi %add3A_2294, %add3A_2295 : i32
        %mul3A_2297 = arith.constant 50 : i32
        %mul3A_2298 = arith.muli %mul3A_2297, %add3A_2202 : i32
        %add3A_2299 = arith.constant 8000 : i32
        %add3A_2300 = arith.addi %add3A_2299, %mul3A_2298 : i32
        %add3A_2301 = arith.constant 48 : i32
        %add3A_2302 = arith.addi %add3A_2300, %add3A_2301 : i32
        %get3A_2303 = arith.index_cast %add3A_2206 : i32 to index
        %get3A_2304 = tpu.vector_load %arg8[%get3A_2303] {strides = array<i32>} : memref<9616xi32, #tpu.memory_space<vmem>>, vector<16xi32>,
        %add3A_2305 = arith.constant 0 : i32
        %add3A_2306 = vector.broadcast %add3A_2305 : i32 to vector<16xi32>
        %add3A_2307 = arith.addi %iota3A, %add3A_2306 : vector<16xi32>
        tpu.vector_store_idx %arg9[%get3A_2304], %add3A_2307 : memref<102008xi32, #tpu.memory_space<vmem>>[vector<16xi32>], vector<16xi32>,
        %get3A_2308 = arith.index_cast %add3A_2210 : i32 to index
        %get3A_2309 = tpu.vector_load %arg8[%get3A_2308] {strides = array<i32>} : memref<9616xi32, #tpu.memory_space<vmem>>, vector<16xi32>,
        %add3A_2310 = arith.constant 16 : i32
        %add3A_2311 = vector.broadcast %add3A_2310 : i32 to vector<16xi32>
        %add3A_2312 = arith.addi %iota3A, %add3A_2311 : vector<16xi32>
        tpu.vector_store_idx %arg9[%get3A_2309], %add3A_2312 : memref<102008xi32, #tpu.memory_space<vmem>>[vector<16xi32>], vector<16xi32>,
        %get3A_2313 = arith.index_cast %add3A_2214 : i32 to index
        %get3A_2314 = tpu.vector_load %arg8[%get3A_2313] {strides = array<i32>} : memref<9616xi32, #tpu.memory_space<vmem>>, vector<16xi32>,
        %add3A_2315 = arith.constant 32 : i32
        %add3A_2316 = vector.broadcast %add3A_2315 : i32 to vector<16xi32>
        %add3A_2317 = arith.addi %iota3A, %add3A_2316 : vector<16xi32>
        tpu.vector_store_idx %arg9[%get3A_2314], %add3A_2317 : memref<102008xi32, #tpu.memory_space<vmem>>[vector<16xi32>], vector<16xi32>,
        %get3A_2318 = arith.index_cast %add3A_2218 : i32 to index
        %get3A_2319 = tpu.vector_load %arg8[%get3A_2318] {strides = array<i32>} : memref<9616xi32, #tpu.memory_space<vmem>>, vector<16xi32>,
        %add3A_2320 = arith.constant 48 : i32
        %add3A_2321 = vector.broadcast %add3A_2320 : i32 to vector<16xi32>
        %add3A_2322 = arith.addi %iota3A, %add3A_2321 : vector<16xi32>
        tpu.vector_store_idx %arg9[%get3A_2319], %add3A_2322 : memref<102008xi32, #tpu.memory_space<vmem>>[vector<16xi32>], vector<16xi32>,
        %get3A_2323 = arith.index_cast %add3A_2222 : i32 to index
        %get3A_2324 = tpu.vector_load %arg8[%get3A_2323] {strides = array<i32>} : memref<9616xi32, #tpu.memory_space<vmem>>, vector<16xi32>,
        %add3A_2325 = arith.constant 64 : i32
        %add3A_2326 = vector.broadcast %add3A_2325 : i32 to vector<16xi32>
        %add3A_2327 = arith.addi %iota3A, %add3A_2326 : vector<16xi32>
        tpu.vector_store_idx %arg9[%get3A_2324], %add3A_2327 : memref<102008xi32, #tpu.memory_space<vmem>>[vector<16xi32>], vector<16xi32>,
        %get3A_2328 = arith.index_cast %add3A_2226 : i32 to index
        %get3A_2329 = tpu.vector_load %arg8[%get3A_2328] {strides = array<i32>} : memref<9616xi32, #tpu.memory_space<vmem>>, vector<16xi32>,
        %add3A_2330 = arith.constant 80 : i32
        %add3A_2331 = vector.broadcast %add3A_2330 : i32 to vector<16xi32>
        %add3A_2332 = arith.addi %iota3A, %add3A_2331 : vector<16xi32>
        tpu.vector_store_idx %arg9[%get3A_2329], %add3A_2332 : memref<102008xi32, #tpu.memory_space<vmem>>[vector<16xi32>], vector<16xi32>,
        %get3A_2333 = arith.index_cast %add3A_2230 : i32 to index
        %get3A_2334 = tpu.vector_load %arg8[%get3A_2333] {strides = array<i32>} : memref<9616xi32, #tpu.memory_space<vmem>>, vector<16xi32>,
        %add3A_2335 = arith.constant 96 : i32
        %add3A_2336 = vector.broadcast %add3A_2335 : i32 to vector<16xi32>
        %add3A_2337 = arith.addi %iota3A, %add3A_2336 : vector<16xi32>
        tpu.vector_store_idx %arg9[%get3A_2334], %add3A_2337 : memref<102008xi32, #tpu.memory_space<vmem>>[vector<16xi32>], vector<16xi32>,
        %get3A_2338 = arith.index_cast %add3A_2234 : i32 to index
        %get3A_2339 = tpu.vector_load %arg8[%get3A_2338] {strides = array<i32>} : memref<9616xi32, #tpu.memory_space<vmem>>, vector<16xi32>,
        %add3A_2340 = arith.constant 112 : i32
        %add3A_2341 = vector.broadcast %add3A_2340 : i32 to vector<16xi32>
        %add3A_2342 = arith.addi %iota3A, %add3A_2341 : vector<16xi32>
        tpu.vector_store_idx %arg9[%get3A_2339], %add3A_2342 : memref<102008xi32, #tpu.memory_space<vmem>>[vector<16xi32>], vector<16xi32>,
        %get3A_2343 = arith.index_cast %add3A_2238 : i32 to index
        %get3A_2344 = tpu.vector_load %arg8[%get3A_2343] {strides = array<i32>} : memref<9616xi32, #tpu.memory_space<vmem>>, vector<16xi32>,
        %add3A_2345 = arith.constant 128 : i32
        %add3A_2346 = vector.broadcast %add3A_2345 : i32 to vector<16xi32>
        %add3A_2347 = arith.addi %iota3A, %add3A_2346 : vector<16xi32>
        tpu.vector_store_idx %arg9[%get3A_2344], %add3A_2347 : memref<102008xi32, #tpu.memory_space<vmem>>[vector<16xi32>], vector<16xi32>,
        %get3A_2348 = arith.index_cast %add3A_2242 : i32 to index
        %get3A_2349 = tpu.vector_load %arg8[%get3A_2348] {strides = array<i32>} : memref<9616xi32, #tpu.memory_space<vmem>>, vector<16xi32>,
        %add3A_2350 = arith.constant 144 : i32
        %add3A_2351 = vector.broadcast %add3A_2350 : i32 to vector<16xi32>
        %add3A_2352 = arith.addi %iota3A, %add3A_2351 : vector<16xi32>
        tpu.vector_store_idx %arg9[%get3A_2349], %add3A_2352 : memref<102008xi32, #tpu.memory_space<vmem>>[vector<16xi32>], vector<16xi32>,
        %get3A_2353 = arith.index_cast %add3A_2246 : i32 to index
        %get3A_2354 = tpu.vector_load %arg8[%get3A_2353] {strides = array<i32>} : memref<9616xi32, #tpu.memory_space<vmem>>, vector<16xi32>,
        %add3A_2355 = arith.constant 160 : i32
        %add3A_2356 = vector.broadcast %add3A_2355 : i32 to vector<16xi32>
        %add3A_2357 = arith.addi %iota3A, %add3A_2356 : vector<16xi32>
        tpu.vector_store_idx %arg9[%get3A_2354], %add3A_2357 : memref<102008xi32, #tpu.memory_space<vmem>>[vector<16xi32>], vector<16xi32>,
        %get3A_2358 = arith.index_cast %add3A_2250 : i32 to index
        %get3A_2359 = tpu.vector_load %arg8[%get3A_2358] {strides = array<i32>} : memref<9616xi32, #tpu.memory_space<vmem>>, vector<16xi32>,
        %add3A_2360 = arith.constant 176 : i32
        %add3A_2361 = vector.broadcast %add3A_2360 : i32 to vector<16xi32>
        %add3A_2362 = arith.addi %iota3A, %add3A_2361 : vector<16xi32>
        tpu.vector_store_idx %arg9[%get3A_2359], %add3A_2362 : memref<102008xi32, #tpu.memory_space<vmem>>[vector<16xi32>], vector<16xi32>,
        %get3A_2363 = arith.index_cast %add3A_2254 : i32 to index
        %get3A_2364 = tpu.vector_load %arg8[%get3A_2363] {strides = array<i32>} : memref<9616xi32, #tpu.memory_space<vmem>>, vector<16xi32>,
        %add3A_2365 = arith.constant 192 : i32
        %add3A_2366 = vector.broadcast %add3A_2365 : i32 to vector<16xi32>
        %add3A_2367 = arith.addi %iota3A, %add3A_2366 : vector<16xi32>
        %lt3A_2368 = arith.constant 8 : i32
        %lt3A_2369 = vector.broadcast %lt3A_2368 : i32 to vector<16xi32>
        %lt3A_2370 = arith.cmpi slt, %iota3A, %lt3A_2369 : vector<16xi32>
        tpu.vector_store_idx %arg9[%get3A_2364], %add3A_2367 masked %lt3A_2370 : memref<102008xi32, #tpu.memory_space<vmem>>[vector<16xi32>], vector<16xi32>, vector<16xi1>
        %get3A_2371 = arith.index_cast %add3A_2260 : i32 to index
        %get3A_2372 = tpu.vector_load %arg8[%get3A_2371] {strides = array<i32>} : memref<9616xi32, #tpu.memory_space<vmem>>, vector<16xi32>,
        %add3A_2373 = arith.constant 200 : i32
        %add3A_2374 = vector.broadcast %add3A_2373 : i32 to vector<16xi32>
        %add3A_2375 = arith.addi %iota3A, %add3A_2374 : vector<16xi32>
        tpu.vector_store_idx %arg9[%get3A_2372], %add3A_2375 : memref<102008xi32, #tpu.memory_space<vmem>>[vector<16xi32>], vector<16xi32>,
        %get3A_2376 = arith.index_cast %add3A_2266 : i32 to index
        %get3A_2377 = tpu.vector_load %arg8[%get3A_2376] {strides = array<i32>} : memref<9616xi32, #tpu.memory_space<vmem>>, vector<16xi32>,
        %add3A_2378 = arith.constant 216 : i32
        %add3A_2379 = vector.broadcast %add3A_2378 : i32 to vector<16xi32>
        %add3A_2380 = arith.addi %iota3A, %add3A_2379 : vector<16xi32>
        tpu.vector_store_idx %arg9[%get3A_2377], %add3A_2380 : memref<102008xi32, #tpu.memory_space<vmem>>[vector<16xi32>], vector<16xi32>,
        %get3A_2381 = arith.index_cast %add3A_2272 : i32 to index
        %get3A_2382 = tpu.vector_load %arg8[%get3A_2381] {strides = array<i32>} : memref<9616xi32, #tpu.memory_space<vmem>>, vector<16xi32>,
        %add3A_2383 = arith.constant 232 : i32
        %add3A_2384 = vector.broadcast %add3A_2383 : i32 to vector<16xi32>
        %add3A_2385 = arith.addi %iota3A, %add3A_2384 : vector<16xi32>
        tpu.vector_store_idx %arg9[%get3A_2382], %add3A_2385 : memref<102008xi32, #tpu.memory_space<vmem>>[vector<16xi32>], vector<16xi32>,
        %get3A_2386 = arith.index_cast %add3A_2278 : i32 to index
        %get3A_2387 = tpu.vector_load %arg8[%get3A_2386] {strides = array<i32>} : memref<9616xi32, #tpu.memory_space<vmem>>, vector<16xi32>,
        %add3A_2388 = arith.constant 248 : i32
        %add3A_2389 = vector.broadcast %add3A_2388 : i32 to vector<16xi32>
        %add3A_2390 = arith.addi %iota3A, %add3A_2389 : vector<16xi32>
        %lt3A_2391 = arith.constant 2 : i32
        %lt3A_2392 = vector.broadcast %lt3A_2391 : i32 to vector<16xi32>
        %lt3A_2393 = arith.cmpi slt, %iota3A, %lt3A_2392 : vector<16xi32>
        tpu.vector_store_idx %arg9[%get3A_2387], %add3A_2390 masked %lt3A_2393 : memref<102008xi32, #tpu.memory_space<vmem>>[vector<16xi32>], vector<16xi32>, vector<16xi1>
        %get3A_2394 = arith.index_cast %add3A_2284 : i32 to index
        %get3A_2395 = tpu.vector_load %arg8[%get3A_2394] {strides = array<i32>} : memref<9616xi32, #tpu.memory_space<vmem>>, vector<16xi32>,
        %add3A_2396 = arith.constant 250 : i32
        %add3A_2397 = vector.broadcast %add3A_2396 : i32 to vector<16xi32>
        %add3A_2398 = arith.addi %iota3A, %add3A_2397 : vector<16xi32>
        tpu.vector_store_idx %arg9[%get3A_2395], %add3A_2398 : memref<102008xi32, #tpu.memory_space<vmem>>[vector<16xi32>], vector<16xi32>,
        %get3A_2399 = arith.index_cast %add3A_2290 : i32 to index
        %get3A_2400 = tpu.vector_load %arg8[%get3A_2399] {strides = array<i32>} : memref<9616xi32, #tpu.memory_space<vmem>>, vector<16xi32>,
        %add3A_2401 = arith.constant 266 : i32
        %add3A_2402 = vector.broadcast %add3A_2401 : i32 to vector<16xi32>
        %add3A_2403 = arith.addi %iota3A, %add3A_2402 : vector<16xi32>
        tpu.vector_store_idx %arg9[%get3A_2400], %add3A_2403 : memref<102008xi32, #tpu.memory_space<vmem>>[vector<16xi32>], vector<16xi32>,
        %get3A_2404 = arith.index_cast %add3A_2296 : i32 to index
        %get3A_2405 = tpu.vector_load %arg8[%get3A_2404] {strides = array<i32>} : memref<9616xi32, #tpu.memory_space<vmem>>, vector<16xi32>,
        %add3A_2406 = arith.constant 282 : i32
        %add3A_2407 = vector.broadcast %add3A_2406 : i32 to vector<16xi32>
        %add3A_2408 = arith.addi %iota3A, %add3A_2407 : vector<16xi32>
        tpu.vector_store_idx %arg9[%get3A_2405], %add3A_2408 : memref<102008xi32, #tpu.memory_space<vmem>>[vector<16xi32>], vector<16xi32>,
        %get3A_2409 = arith.index_cast %add3A_2302 : i32 to index
        %get3A_2410 = tpu.vector_load %arg8[%get3A_2409] {strides = array<i32>} : memref<9616xi32, #tpu.memory_space<vmem>>, vector<16xi32>,
        %add3A_2411 = arith.constant 298 : i32
        %add3A_2412 = vector.broadcast %add3A_2411 : i32 to vector<16xi32>
        %add3A_2413 = arith.addi %iota3A, %add3A_2412 : vector<16xi32>
        %lt3A_2414 = arith.constant 2 : i32
        %lt3A_2415 = vector.broadcast %lt3A_2414 : i32 to vector<16xi32>
        %lt3A_2416 = arith.cmpi slt, %iota3A, %lt3A_2415 : vector<16xi32>
        tpu.vector_store_idx %arg9[%get3A_2410], %add3A_2413 masked %lt3A_2416 : memref<102008xi32, #tpu.memory_space<vmem>>[vector<16xi32>], vector<16xi32>, vector<16xi1>
      } else {
      }
    }
    %scan3A_1529 = arith.constant 32 : i32
    %mul3A_1530 = arith.constant 32 : i32
    %mul3A_1531 = arith.muli %add3A, %mul3A_1530 : i32
    %mul3A_1532 = arith.constant 16 : i32
    %mul3A_1533 = arith.muli %mul3A_1531, %mul3A_1532 : i32
    "tpu.region"() ({
      %run_scoped3A = tpu.sem_alloc : memref<!tpu.dma_semaphore, #tpu.memory_space<semaphore_mem>>
      %dma_start3A_1534 = tpu.memref_slice %arg7[%mul3A_1533] : memref<16384xf32, #tpu.memory_space<hbm>> -> memref<512xf32, #tpu.memory_space<hbm>>
      %dma_start3A_1535 = tpu.memref_slice %arg7[%mul3A_1533] : memref<16384xf32, #tpu.memory_space<hbm>> -> memref<512xf32, #tpu.memory_space<hbm>>
      tpu.enqueue_dma source(%arg11 : memref<512xf32, #tpu.memory_space<vmem>>) target(%dma_start3A_1535 : memref<512xf32, #tpu.memory_space<hbm>>) target_semaphore(%run_scoped3A : memref<!tpu.dma_semaphore, #tpu.memory_space<semaphore_mem>>)
      %dma_wait3A_1536 = tpu.memref_slice %arg7[%mul3A_1533] : memref<16384xf32, #tpu.memory_space<hbm>> -> memref<512xf32, #tpu.memory_space<hbm>>
      %dma_wait3A_1537 = tpu.memref_slice %arg7[%mul3A_1533] : memref<16384xf32, #tpu.memory_space<hbm>> -> memref<512xf32, #tpu.memory_space<hbm>>
      tpu.wait_dma2 semaphore(%run_scoped3A : memref<!tpu.dma_semaphore, #tpu.memory_space<semaphore_mem>>) src(%arg11 : memref<512xf32, #tpu.memory_space<vmem>>) dst(%dma_wait3A_1537 : memref<512xf32, #tpu.memory_space<hbm>>)
      tpu.yield
    }) : () -> ()
    return
  }
}

</mosaic_0001>

<sc_bundles>
// kernel: kernel.3.cloned.1.call-start
scs
__scs_entry_jumppad:
0x0: {  	(pc) =	sbr.rel $0x88, $3  }
0x1: {  	(tag) =	ssettag $0x0;
	lr =	simm.s32 $0x1  }
0x2: {  	[smem:$0x3F9C] =	sst lr;
	_ =	strace $0xD0000000  }
0x3: {  	_ = 	snop  }
0x4: {  	_ = 	snop  }
0x5: {  	_ = 	snop  }
0x6: {  	_ = 	snop  }
0x7: {  	_ = 	snop  }
__scs_overlays_trampoline_lowered:
0x8: {  	[smem:$0x3FAB] =	sst s0  }
0x9: {  	[smem:$0x3FAC] =	sst s1  }
0xa: {  	[smem:$0x3FAD] =	sst s2  }
0xb: {  	[smem:$0x3FAE] =	sst s3  }
0xc: {  	[smem:$0x3FAF] =	sst s4  }
0xd: {  	[smem:$0x3FB0] =	sst s5  }
0xe: {  	[smem:$0x3FB1] =	sst s6  }
0xf: {  	[smem:$0x3FB2] =	sst s7  }
0x10: {  	[smem:$0x3FB3] =	sst s8  }
0x11: {  	[smem:$0x3FB4] =	sst s9;
	s0 =	simm.s32 @!p0 $0x0  }
0x12: {  	s1 =	sld [smem:$0x3F9A];
	s0 =	simm.s32 @p0 $0x1  }
0x13: {  	[smem:$0x3FB5] =	sst s0;
	s0 =	simm.s32 @!p1 $0x0  }
0x14: {  	s2 =	sld [smem:$0x3F99];
	s0 =	simm.s32 @p1 $0x1  }
0x15: {  	[smem:$0x3FB6] =	sst s0;
	s0 =	simm.s32 @!p2 $0x0  }
0x16: {  	s3 =	sld [smem:$0x3FDB];
	s0 =	simm.s32 @p2 $0x1  }
0x17: {  	s4 =	simm.s32 $0x1BF5;
	[smem:$0x3FB8] =	sst s0  }
0x18: {  	s0 =	sld [smem:$0x3F9B];
	_ =	swait.ge [sflag:s4], $0x0  }
0x19: {  	s7 =	sld [smem:$0x3F9C]  }
0x1a: {  	s8 =	sadd.s32 $0xFFFFE003, lr  }
0x1b: {  	s9 =	sadd.s32 $0xFFFFFEF7, lr;
	s5 =	simm.s32 $0xFFFFFFFF;
	p2 =	slt.u32 s8, $0xFFFFF086  }
0x1c: {  	p1 =	slt.u32 s9, $0xF7A;
	s5 =	simm.s32 @!p2 $0x0  }
0x1d: {  	s5 =	simm.s32 @p1 $0x1;
	p0 =	seq.s32 s7, s2  }
0x1e: {  	s7 =	smul.u32 @!p0 $0xF7A, s2;
	p2 =	seq.s32 @!p0 s5, $0x0  }
0x1f: {  	s9 =	smul.u32 $0xF7A, s1;
	s8 =	simm.s32 @!p0 $0x1BF5;
	p2 =	por !p2, p0  }
0x20: {  	[sflag:s8] =	ssyncset.s32 @!p0 $0xFFFFF086;
	s6 =	sadd.s32 @!p0 s3, s7;
	s7 =	simm.s32 @!p0 $0x108  }
0x21: {  	s3 =	sadd.s32 s3, s9;
	s6 =	sadd.s32 @!p0 $0x88, s6;
	s7 =	simm.s32 @p2 $0x1082  }
0x22: {  	[simem:s7], [sflag:s8] =	dma.local @!p0 [hbm:s6], $0xF7A  }
0x23: {  	s9 =	sor.u32 $0xD0000000, s2;
	s6 =	simm.s32 $0x108;
	_ =	swait.ge @!p0 [sflag:s8], $0x0  }
0x24: {  	s3 =	sadd.s32 $0x88, s3;
	s6 =	simm.s32 @!p1 $0x1082;
	[sflag:s4] =	ssyncset.s32 $0xFFFFF086  }
0x25: {  	[simem:s6], [sflag:s4] =	dma.local [hbm:s3], $0xF7A  }
0x26: {  	[smem:$0x3F9C] =	sst s1;
	(tag) =	ssettag s2;
	_ =	strace s9  }
0x27: {  	s1 =	sld [smem:$0x3FAC]  }
0x28: {  	s2 =	sld [smem:$0x3FAD]  }
0x29: {  	s4 =	sld [smem:$0x3FAF]  }
0x2a: {  	p0 =	seq.s32 s5, $0x0;
	s5 =	sld [smem:$0x3FB0]  }
0x2b: {  	s6 =	sld [smem:$0x3FB1]  }
0x2c: {  	s7 =	sld [smem:$0x3FB2]  }
0x2d: {  	s3 =	simm.s32 $0x108;
	s8 =	sld [smem:$0x3FB3]  }
0x2e: {  	s3 =	simm.s32 @!p0 $0x1082;
	s9 =	sld [smem:$0x3FB4]  }
0x2f: {  	lr =	sadd.s32 s0, s3;
	s0 =	sld [smem:$0x3FAB]  }
0x30: {  	s3 =	sld [smem:$0x3FAE]  }
0x31: {  	[smem:$0x3FB7] =	sst s10  }
0x32: {  	s10 =	sld [smem:$0x3FB5];
	_ =	sdelay $0x3  }
0x33: {  	p0 =	seq.s32 s10, $0x1;
	s10 =	sld [smem:$0x3FB7];
	_ =	sdelay $0x3  }
0x34: {  	[smem:$0x3FB7] =	sst s10  }
0x35: {  	s10 =	sld [smem:$0x3FB6];
	_ =	sdelay $0x3  }
0x36: {  	p1 =	seq.s32 s10, $0x1;
	s10 =	sld [smem:$0x3FB7];
	_ =	sdelay $0x3  }
0x37: {  	[smem:$0x3FB7] =	sst s10  }
0x38: {  	s10 =	sld [smem:$0x3FB8]  }
0x39: {  	_ = 	snop;
	(pc) =	sbr.ind lr, $3  }
0x3a: {  	_ = 	snop  }
0x3b: {  	_ = 	snop  }
0x3c: {  	p2 =	seq.s32 s10, $0x1;
	s10 =	sld [smem:$0x3FB7]  }
0x3d: {  	_ =	shalt  }
0x3e: {  	_ =	shalt  }
0x3f: {  	_ =	shalt  }
0x40: {  	_ =	shalt  }
0x41: {  	_ =	shalt  }
0x42: {  	_ =	shalt  }
0x43: {  	_ =	shalt  }
0x44: {  	_ =	shalt  }
0x45: {  	_ =	shalt  }
0x46: {  	_ =	shalt  }
0x47: {  	_ =	shalt  }
0x48: {  	_ =	shalt  }
0x49: {  	_ =	shalt  }
0x4a: {  	_ =	shalt  }
0x4b: {  	_ =	shalt  }
0x4c: {  	_ =	shalt  }
0x4d: {  	_ =	shalt  }
0x4e: {  	_ =	shalt  }
0x4f: {  	_ =	shalt  }
0x50: {  	_ =	shalt  }
0x51: {  	_ =	shalt  }
0x52: {  	_ =	shalt  }
0x53: {  	_ =	shalt  }
0x54: {  	_ =	shalt  }
0x55: {  	_ =	shalt  }
0x56: {  	_ =	shalt  }
0x57: {  	_ =	shalt  }
0x58: {  	_ =	shalt  }
0x59: {  	_ =	shalt  }
0x5a: {  	_ =	shalt  }
0x5b: {  	_ =	shalt  }
0x5c: {  	_ =	shalt  }
0x5d: {  	_ =	shalt  }
0x5e: {  	_ =	shalt  }
0x5f: {  	_ =	shalt  }
0x60: {  	_ =	shalt  }
0x61: {  	_ =	shalt  }
0x62: {  	_ =	shalt  }
0x63: {  	_ =	shalt  }
0x64: {  	_ =	shalt  }
0x65: {  	_ =	shalt  }
0x66: {  	_ =	shalt  }
0x67: {  	_ =	shalt  }
0x68: {  	_ =	shalt  }
0x69: {  	_ =	shalt  }
0x6a: {  	_ =	shalt  }
0x6b: {  	_ =	shalt  }
0x6c: {  	_ =	shalt  }
0x6d: {  	_ =	shalt  }
0x6e: {  	_ =	shalt  }
0x6f: {  	_ =	shalt  }
0x70: {  	_ =	shalt  }
0x71: {  	_ =	shalt  }
0x72: {  	_ =	shalt  }
0x73: {  	_ =	shalt  }
0x74: {  	_ =	shalt  }
0x75: {  	_ =	shalt  }
0x76: {  	_ =	shalt  }
0x77: {  	_ =	shalt  }
0x78: {  	_ =	shalt  }
0x79: {  	_ =	shalt  }
0x7a: {  	_ =	shalt  }
0x7b: {  	_ =	shalt  }
0x7c: {  	_ =	shalt  }
0x7d: {  	_ =	shalt  }
0x7e: {  	_ =	shalt  }
0x7f: {  	_ =	shalt  }
0x80: {  	_ =	shalt  }
0x81: {  	_ =	shalt  }
0x82: {  	_ =	shalt  }
0x83: {  	_ =	shalt  }
0x84: {  	_ =	shalt  }
0x85: {  	_ =	shalt  }
0x86: {  	_ =	shalt  }
0x87: {  	_ =	shalt  }
.Lfunc_end0:
.L_simem_size_0:
called_computation_lowered:
.L_overlay_start_0:
0x88: {  	s2 =	sld [smem:$0x3FD9]  }
0x89: {  	s3 =	sld [smem:$0x3FFE];
	_ =	sdelay $0x1  }
0x8a: {  	s1 =	srdreg.scid  }
0x8b: {  	s0 =	sand.u32 $0x1, s1  }
0x8c: {  	s17 =	sshll.u32 s0, $0xA;
	s2 =	sadd.s32 s3, s2  }
0x8d: {  	s2 =	sadd.s32 s2, s17  }
0x8e: {  	[smem:$0x3FC3] =	sst s2  }
0x8f: {  	_ = 	snop  }
0x90: {  	s2 =	sld [smem:$0x3FD0];
	(tm) =	ssettm $0x1  }
0x91: {  	s18 =	sld [smem:$0x3FFB];
	_ =	sdelay $0x3  }
0x92: {  	_ =	strace s18  }
0x93: {  	s3 =	sld [smem:$0x3FFC];
	_ =	sdelay $0x3  }
0x94: {  	_ =	strace s3  }
0x95: {  	s3 =	sld [smem:$0x3FFD];
	_ =	sdelay $0x3  }
0x96: {  	_ =	strace s3  }
0x97: {  	_ =	strace $0x8FFFFFFF  }
0x98: {  	s19 =	sld [smem:$0x3FDB];
	_ =	sdelay $0x1  }
0x99: {  	s4 =	simm.s32 $_scs_section_size  }
0x9a: {  	s5 =	simm.s32 $_size__tile_overlayer_lowered;
	s6 =	simm.s32 $_tile_overlayer_lowered  }
0x9b: {  	s22 =	simm.s32 $0x1BFF;
	s21 =	sshll.u32 s6, $0x1;
	s3 =	sadd.s32 s4, s19  }
0x9c: {  	s7 =	simm.s32 $0x0;
	s20 =	sshll.u32 s5, $0x1;
	s5 =	sadd.s32 s21, s3  }
0x9d: {  	[timem:s7], [sflag:s22] =	dma.local [hbm:s5], s20  }
0x9e: {  	_ =	swait.ge [sflag:s22], s20  }
0x9f: {  	s4 =	ssub.s32 $0x0, s20;
	[sflag:s22] =	ssyncset.done $0x0  }
0xa0: {  	[sflag:s22] =	ssyncadd.s32 s4;
	_ =	sdelay $0x1  }
0xa1: {  	s23 =	simm.s32 $0x1B8B  }
0xa2: {  	_ =	swait.ge [sflag:s23], $0x1  }
0xa3: {  	[sflag:s23] =	ssyncset.done $0x0  }
0xa4: {  	s25 =	simm.s32 $0x1B8E;
	s24 =	sld [smem:$0x3FFE];
	[sflag:s23] =	ssyncadd.s32 $0xFFFFFFFF  }
0xa5: {  	s26 =	simm.s32 $execute0_lowered;
	[smem:$0x3FD2] =	sst s25  }
0xa6: {  	s5 =	sshll.u32 s26, $0x1;
	_ =	strace $0x80000046;
	[dreg:$0x1] =	wrdreg $0xFFFFFFFF  }
0xa7: {  	s28 =	simm.s32 $_size_execute0_lowered;
	s3 =	sadd.s32 s3, s5;
	[dreg:$0x0] =	wrdreg $0x0  }
0xa8: {  	s5 =	sshll.u32 s28, $0x1;
	[dreg:$0x2] =	wrdreg s3  }
0xa9: {  	[dreg:$0x3] =	wrdreg s5  }
0xaa: {  	[dreg:$0x4] =	wrdreg $0xC0  }
0xab: {  	_ =	task [dreg:s7], $0x5FFFF  }
0xac: {  	[dreg:$0x1] =	wrdreg $0xFFFFFFFF  }
0xad: {  	[dreg:$0x0] =	wrdreg $0x60  }
0xae: {  	[dreg:$0x2] =	wrdreg s24  }
0xaf: {  	[dreg:$0x3] =	wrdreg s2  }
0xb0: {  	[dreg:$0x4] =	wrdreg $0x1DBA80  }
0xb1: {  	[dreg:$0x5] =	wrdreg $0x9  }
0xb2: {  	_ =	task.clear_ibuf [dreg:s7], $0x6FFFF;
	_ =	strace $0x90000046  }
0xb3: {  	s29 =	simm.s32 $0x9;
	_ =	strace $0x80000048  }
0xb4: {  	_ =	swait.ge [sflag:s29], $0x1  }
0xb5: {  	[sflag:s29] =	ssyncadd.s32 $0xFFFFFFFF  }
0xb6: {  	_ =	strace $0x90000048  }
0xb7: {  	_ =	sfence  }
0xb8: {  	s30 =	sld [smem:$0x0];
	_ =	sdelay $0x2  }
0xb9: {  	s31 =	sshll.u32 s1, $0xD;
	s1 =	sshrl.u32 s1, $0x2  }
0xba: {  	s3 =	sand.u32 $0x4000, s31;
	s1 =	sadd.s32 s1, s30  }
0xbb: {  	s0 =	sor.u32 s3, s0;
	s1 =	sshll.u32 s1, $0x11  }
0xbc: {  	s0 =	sor.u32 s1, s0  }
0xbd: {  	s0 =	sadd.s32 $0x8F2B, s0  }
0xbe: {  	[sflag:s0] =	ssyncadd.remote.s32 $0x1  }
0xbf: {  	_ =	sfence.sel $0xFFFF  }
0xc0: {  	[dreg:$0x0] =	wrdreg $0xFFFFFFFF;
	(pc) =	sbr.abs _section_cstart, $3  }
0xc1: {  	[dreg:$0x1] =	wrdreg $0xFFFFFFFF  }
0xc2: {  	_ =	task.clear_ibuf [dreg:s7], $0x2FFFF;
	_ =	strace $0x9FFFFFFF  }
0xc3: {  	(tm) =	ssettm $0x7FFFFFFF  }
tec
execute0_lowered:
.L_overlay_start_1:
0x0: {  	(tag) =	ssettag $0x1  }
0x1: {  	s5 =	rddreg [dreg:$0x0]  }
0x2: {  	s0 =	srdreg.scid;
	s1 =	rddreg [dreg:$0x1]  }
0x3: {  	s8 =	stileid.u32;
	s2 =	rddreg [dreg:$0x2];
	s3 =	simm.s32 $0x0  }
0x4: {  	s13 =	simm.s32 $0x1F40;
	s14 =	simm.s32 $0x1DB98;
	s15 =	simm.s32 $0x2590  }
0x5: {  	s16 =	simm.s32 $0x1B408;
	s17 =	simm.s32 $0x1;
	s18 =	simm.s32 $0x1D998  }
0x6: {  	v0 =	vimm.s32 $0x0;
	v1 =	vlaneseq.u32;
	s4 =	sand.u32 $0x1, s0;
	s31 =	sshll.u32 s8, $0x1;
	s0 =	rddreg [dreg:$0x3]  }
0x7: {  	vm0 =	vmmov $0xff;
	vm1 =	vmmov $0x3;
	vm2 =	vcmask $0x704;
	s19 =	simm.s32 $0x0;
	[smem:$0x7FF] =	sst s3;
	s6 =	sor.u32 s4, s31  }
0x8: {  	vm3 =	vcmask $0x3F04;
	v2 =	vor.u32 $0x10, v1;
	v3 =	vor.u32 $0x20, v1;
	p0 =	sne.s32 s8, $0x0;
	_ =	strace $0x80000047;
	s7 =	smul.u32 $0x320, s6  }
0x9: {  	v4 =	vor.u32 $0x30, v1;
	v5 =	vor.u32 $0x40, v1;
	v6 =	vor.u32 $0x50, v1;
	s10 =	ssub.s32 $0x2, s4;
	s4 =	sadd.s32 $0x6C00, s5;
	s9 =	smul.u32 $0xC8, s6  }
.Ltmp0:
0xa: {  	v7 =	vor.u32 $0x60, v1;
	v8 =	vor.u32 $0x70, v1;
	v9 =	vor.u32 $0x80, v1;
	s6 =	sshll.u32 s6, $0x6;
	s11 =	sshrl.u32 s10, $0x1;
	(pc) =	sbr.rel .LBB2_1-.Ltmp0, $4  }
0xb: {  	v10 =	vor.u32 $0x90, v1;
	v11 =	vor.u32 $0xA0, v1;
	v12 =	vor.u32 $0xB0, v1;
	s12 =	sadd.s32 s6, s5;
	s10 =	ssub.s32 s10, s11;
	s11 =	simm.s32 $0x2  }
0xc: {  	v13 =	vor.u32 $0xC0, v1;
	v14 =	vadd.s32 $0xC8, v1;
	v15 =	vadd.s32 $0xD8, v1;
	s7 =	sadd.s32 s7, s5;
	s9 =	sadd.s32 s9, s5;
	s8 =	sadd.s32 $0xD200, s12  }
0xd: {  	v16 =	vadd.s32 $0xE8, v1;
	v17 =	vadd.s32 $0xF8, v1;
	v18 =	vadd.s32 $0xFA, v1;
	s12 =	simm.s32 $0x1900;
	s5 =	sadd.s32 $0x800, s7;
	s6 =	sadd.s32 $0xB800, s9  }
0xe: {  	v19 =	vadd.s32 $0x10A, v1;
	v20 =	vadd.s32 $0x11A, v1;
	v21 =	vadd.s32 $0x12A, v1;
	s7 =	sadd.s32 $0x9E00, s9;
	s9 =	smax.u32 s10, $0x1;
	s10 =	sshrl.u32 @!p0 s2, $0x3  }
.LBB2_4:
0xf: {  	s19 =	sadd.s32 $0x1, s19  }
0x10: {  	p1 =	sne.s32 s19, s9  }
.Ltmp1:
0x11: {  	_ = 	snop;
	(pc) =	sbr.rel @!p1 .LBB2_5-.Ltmp1, $4  }
0x12: {  	[hbm4b:s8+s3] =	stream.linear.scatter [tilespmem:s18], [sflag:$0x2], $0x200, $0x38;
	[tilespmem:$0x1F490] =	vst v63  }
0x13: {  	_ =	swait.ge [sflag:s11], $0x200  }
0x14: {  	[sflag:s11] =	ssyncset.done $0x0  }
0x15: {  	[sflag:s11] =	ssyncadd.s32 $0xFFFFFE00  }
.LBB2_1:
0x16: {  	s20 =	simm.s32 @!p0 $0x1C02  }
0x17: {  	[spmem:s10], [sflag:s20] =	dma.local @!p0 [hbm:s4], $0x31CF  }
0x18: {  	s20 =	simm.s32 @!p0 $0x2  }
0x19: {  	_ =	swait.ge @!p0 [sflag:s20], $0x31CF  }
0x1a: {  	[sflag:s20] =	ssyncset.done @!p0 $0x0  }
0x1b: {  	[sflag:s20] =	ssyncadd.s32 @!p0 $0xFFFFCE31  }
0x1c: {  	[tilespmem:s3], [sflag:$0x2] =	stream.linear.gather [hbm4b:s5+s3], $0x1900, $0x38;
	[tilespmem:$0x1F490] =	vst v63  }
0x1d: {  	_ =	swait.ge [sflag:s11], $0x1900  }
0x1e: {  	[sflag:s11] =	ssyncset.done $0x0  }
0x1f: {  	[sflag:s11] =	ssyncadd.s32 $0xFFFFE700  }
0x20: {  	[tilespmem:s12], [sflag:$0x2] =	stream.linear.gather [hbm4b:s6+s3], $0x640, $0x38;
	[tilespmem:$0x1F490] =	vst v63  }
0x21: {  	_ =	swait.ge [sflag:s11], $0x640  }
0x22: {  	[sflag:s11] =	ssyncset.done $0x0  }
0x23: {  	[sflag:s11] =	ssyncadd.s32 $0xFFFFF9C0  }
0x24: {  	[tilespmem:s13], [sflag:$0x2] =	stream.linear.gather [hbm4b:s7+s3], $0x640, $0x38;
	[tilespmem:$0x1F490] =	vst v63  }
0x25: {  	_ =	swait.ge [sflag:s11], $0x640  }
0x26: {  	[sflag:s11] =	ssyncset.done $0x0  }
0x27: {  	[sflag:s11] =	ssyncadd.s32 $0xFFFFF9C0  }
0x28: {  	[tilespmem:s14], [sflag:$0x2] =	stream.linear.gather [hbm4b:s1+s3], $0x10, $0x38;
	[tilespmem:$0x1F490] =	vst v63  }
0x29: {  	_ =	swait.ge [sflag:s11], $0x10  }
0x2a: {  	[sflag:s11] =	ssyncset.done $0x0  }
0x2b: {  	[sflag:s11] =	ssyncadd.s32 $0xFFFFFFF0  }
0x2c: {  	v22 =	vld [tilespmem:$0x1900]  }
0x2d: {  	v23 =	vld [tilespmem:$0x1910]  }
0x2e: {  	v24 =	vld [tilespmem:$0x1920]  }
0x2f: {  	v25 =	vld [tilespmem:$0x1930]  }
0x30: {  	v26 =	vld [tilespmem:$0x1940]  }
0x31: {  	v27 =	vld [tilespmem:$0x1950];
	[tilespmem:$0x2580] =	vst v0;
	v22 =	vadd.s32 $0x186A0, v22  }
0x32: {  	[tilespmem:$0x1900] =	vst v22;
	v22 =	vadd.s32 $0x186A0, v23;
	v23 =	vld [tilespmem:$0x1960]  }
0x33: {  	v45 =	vld [tilespmem:$0x1970];
	[tilespmem:$0x1910] =	vst v22;
	v22 =	vadd.s32 $0x186A0, v24  }
0x34: {  	v46 =	vld [tilespmem:$0x1980];
	[tilespmem:$0x1920] =	vst v22;
	v22 =	vadd.s32 $0x186A0, v25  }
0x35: {  	v47 =	vld [tilespmem:$0x1990];
	[tilespmem:$0x1930] =	vst v22;
	v22 =	vadd.s32 $0x186A0, v26  }
0x36: {  	v48 =	vld [tilespmem:$0x19A0];
	[tilespmem:$0x1940] =	vst v22;
	v22 =	vadd.s32 $0x186A0, v27  }
0x37: {  	[tilespmem:$0x1950] =	vst v22;
	v22 =	vadd.s32 $0x186A0, v23;
	v23 =	vld [tilespmem:$0x19B0]  }
0x38: {  	v49 =	vld [tilespmem:$0x19C0];
	[tilespmem:$0x1960] =	vst v22;
	v22 =	vadd.s32 $0x186A0, v45  }
0x39: {  	v50 =	vld [tilespmem:$0x19D0];
	[tilespmem:$0x1970] =	vst v22;
	v22 =	vadd.s32 $0x186A0, v46  }
0x3a: {  	v51 =	vld [tilespmem:$0x19E0];
	[tilespmem:$0x1980] =	vst v22;
	v22 =	vadd.s32 $0x186A0, v47  }
0x3b: {  	v52 =	vld [tilespmem:$0x19F0];
	[tilespmem:$0x1990] =	vst v22;
	v22 =	vadd.s32 $0x186A0, v48  }
0x3c: {  	[tilespmem:$0x19A0] =	vst v22;
	v22 =	vadd.s32 $0x186A0, v23;
	v23 =	vld [tilespmem:$0x1A00]  }
0x3d: {  	v53 =	vld [tilespmem:$0x1A10];
	[tilespmem:$0x19B0] =	vst v22;
	v22 =	vadd.s32 $0x186A0, v49  }
0x3e: {  	v54 =	vld [tilespmem:$0x1A20];
	[tilespmem:$0x19C0] =	vst v22;
	v22 =	vadd.s32 $0x186A0, v50  }
0x3f: {  	v55 =	vld [tilespmem:$0x1A30];
	[tilespmem:$0x19D0] =	vst v22;
	v22 =	vadd.s32 $0x186A0, v51  }
0x40: {  	v56 =	vld [tilespmem:$0x1A40];
	[tilespmem:$0x19E0] =	vst v22;
	v22 =	vadd.s32 $0x186A0, v52  }
0x41: {  	[tilespmem:$0x19F0] =	vst v22;
	v22 =	vadd.s32 $0x186A0, v23;
	v23 =	vld [tilespmem:$0x1A50]  }
0x42: {  	v57 =	vld [tilespmem:$0x1A60];
	[tilespmem:$0x1A00] =	vst v22;
	v22 =	vadd.s32 $0x186A0, v53  }
0x43: {  	v58 =	vld [tilespmem:$0x1A70];
	[tilespmem:$0x1A10] =	vst v22;
	v22 =	vadd.s32 $0x186A0, v54  }
0x44: {  	v59 =	vld [tilespmem:$0x1A80];
	[tilespmem:$0x1A20] =	vst v22;
	v22 =	vadd.s32 $0x186A0, v55  }
0x45: {  	v60 =	vld [tilespmem:$0x1A90];
	[tilespmem:$0x1A30] =	vst v22;
	v22 =	vadd.s32 $0x186A0, v56  }
0x46: {  	[tilespmem:$0x1A40] =	vst v22;
	v22 =	vadd.s32 $0x186A0, v23;
	v23 =	vld [tilespmem:$0x1AA0]  }
0x47: {  	v61 =	vld [tilespmem:$0x1AB0];
	[tilespmem:$0x1A50] =	vst v22;
	v22 =	vadd.s32 $0x186A0, v57  }
0x48: {  	v62 =	vld [tilespmem:$0x1AC0];
	[tilespmem:$0x1A60] =	vst v22;
	v22 =	vadd.s32 $0x186A0, v58  }
0x49: {  	v63 =	vld [tilespmem:$0x1AD0];
	[tilespmem:$0x1A70] =	vst v22;
	v22 =	vadd.s32 $0x186A0, v59  }
0x4a: {  	v30 =	vld [tilespmem:$0x1AE0];
	[tilespmem:$0x1A80] =	vst v22;
	v22 =	vadd.s32 $0x186A0, v60  }
0x4b: {  	[tilespmem:$0x1A90] =	vst v22;
	v22 =	vadd.s32 $0x186A0, v23;
	v23 =	vld [tilespmem:$0x1AF0]  }
0x4c: {  	v31 =	vld [tilespmem:$0x1B00];
	[tilespmem:$0x1AA0] =	vst v22;
	v22 =	vadd.s32 $0x186A0, v61  }
0x4d: {  	v32 =	vld [tilespmem:$0x1B10];
	[tilespmem:$0x1AB0] =	vst v22;
	v22 =	vadd.s32 $0x186A0, v62  }
0x4e: {  	v33 =	vld [tilespmem:$0x1B20];
	[tilespmem:$0x1AC0] =	vst v22;
	v22 =	vadd.s32 $0x186A0, v63  }
0x4f: {  	v34 =	vld [tilespmem:$0x1B30];
	[tilespmem:$0x1AD0] =	vst v22;
	v22 =	vadd.s32 $0x186A0, v30  }
0x50: {  	[tilespmem:$0x1AE0] =	vst v22;
	v22 =	vadd.s32 $0x186A0, v23;
	v23 =	vld [tilespmem:$0x1B40]  }
0x51: {  	v35 =	vld [tilespmem:$0x1B50];
	[tilespmem:$0x1AF0] =	vst v22;
	v22 =	vadd.s32 $0x186A0, v31  }
0x52: {  	v36 =	vld [tilespmem:$0x1B60];
	[tilespmem:$0x1B00] =	vst v22;
	v22 =	vadd.s32 $0x186A0, v32  }
0x53: {  	v37 =	vld [tilespmem:$0x1B70];
	[tilespmem:$0x1B10] =	vst v22;
	v22 =	vadd.s32 $0x186A0, v33  }
0x54: {  	v38 =	vld [tilespmem:$0x1B80];
	[tilespmem:$0x1B20] =	vst v22;
	v22 =	vadd.s32 $0x186A0, v34  }
0x55: {  	[tilespmem:$0x1B30] =	vst v22;
	v22 =	vadd.s32 $0x186A0, v23;
	v23 =	vld [tilespmem:$0x1B90]  }
0x56: {  	v39 =	vld [tilespmem:$0x1BA0];
	[tilespmem:$0x1B40] =	vst v22;
	v22 =	vadd.s32 $0x186A0, v35  }
0x57: {  	v40 =	vld [tilespmem:$0x1BB0];
	[tilespmem:$0x1B50] =	vst v22;
	v22 =	vadd.s32 $0x186A0, v36  }
0x58: {  	v41 =	vld [tilespmem:$0x1BC0];
	[tilespmem:$0x1B60] =	vst v22;
	v22 =	vadd.s32 $0x186A0, v37  }
0x59: {  	v42 =	vld [tilespmem:$0x1BD0];
	[tilespmem:$0x1B70] =	vst v22;
	v22 =	vadd.s32 $0x186A0, v38  }
0x5a: {  	[tilespmem:$0x1B80] =	vst v22;
	v22 =	vadd.s32 $0x186A0, v23;
	v23 =	vld [tilespmem:$0x1BE0]  }
0x5b: {  	v43 =	vld [tilespmem:$0x1BF0];
	[tilespmem:$0x1B90] =	vst v22;
	v22 =	vadd.s32 $0x186A0, v39  }
0x5c: {  	v44 =	vld [tilespmem:$0x1C00];
	[tilespmem:$0x1BA0] =	vst v22;
	v22 =	vadd.s32 $0x186A0, v40  }
0x5d: {  	v45 =	vld [tilespmem:$0x1C10];
	[tilespmem:$0x1BB0] =	vst v22;
	v22 =	vadd.s32 $0x186A0, v41  }
0x5e: {  	v46 =	vld [tilespmem:$0x1C20];
	[tilespmem:$0x1BC0] =	vst v22;
	v22 =	vadd.s32 $0x186A0, v42  }
0x5f: {  	[tilespmem:$0x1BD0] =	vst v22;
	v22 =	vadd.s32 $0x186A0, v23;
	v23 =	vld [tilespmem:$0x1C30]  }
0x60: {  	v47 =	vld [tilespmem:$0x1C40];
	[tilespmem:$0x1BE0] =	vst v22;
	v22 =	vadd.s32 $0x186A0, v43  }
0x61: {  	v48 =	vld [tilespmem:$0x1C50];
	[tilespmem:$0x1BF0] =	vst v22;
	v22 =	vadd.s32 $0x186A0, v44  }
0x62: {  	v49 =	vld [tilespmem:$0x1C60];
	[tilespmem:$0x1C00] =	vst v22;
	v22 =	vadd.s32 $0x186A0, v45  }
0x63: {  	v50 =	vld [tilespmem:$0x1C70];
	[tilespmem:$0x1C10] =	vst v22;
	v22 =	vadd.s32 $0x186A0, v46  }
0x64: {  	[tilespmem:$0x1C20] =	vst v22;
	v22 =	vadd.s32 $0x186A0, v23;
	v23 =	vld [tilespmem:$0x1C80]  }
0x65: {  	v51 =	vld [tilespmem:$0x1C90];
	[tilespmem:$0x1C30] =	vst v22;
	v22 =	vadd.s32 $0x186A0, v47  }
0x66: {  	v52 =	vld [tilespmem:$0x1CA0];
	[tilespmem:$0x1C40] =	vst v22;
	v22 =	vadd.s32 $0x186A0, v48  }
0x67: {  	v53 =	vld [tilespmem:$0x1CB0];
	[tilespmem:$0x1C50] =	vst v22;
	v22 =	vadd.s32 $0x186A0, v49  }
0x68: {  	v54 =	vld [tilespmem:$0x1CC0];
	[tilespmem:$0x1C60] =	vst v22;
	v22 =	vadd.s32 $0x186A0, v50  }
0x69: {  	[tilespmem:$0x1C70] =	vst v22;
	v22 =	vadd.s32 $0x186A0, v23;
	v23 =	vld [tilespmem:$0x1CD0]  }
0x6a: {  	v55 =	vld [tilespmem:$0x1CE0];
	[tilespmem:$0x1C80] =	vst v22;
	v22 =	vadd.s32 $0x186A0, v51  }
0x6b: {  	v56 =	vld [tilespmem:$0x1CF0];
	[tilespmem:$0x1C90] =	vst v22;
	v22 =	vadd.s32 $0x186A0, v52  }
0x6c: {  	v57 =	vld [tilespmem:$0x1D00];
	[tilespmem:$0x1CA0] =	vst v22;
	v22 =	vadd.s32 $0x186A0, v53  }
0x6d: {  	v58 =	vld [tilespmem:$0x1D10];
	[tilespmem:$0x1CB0] =	vst v22;
	v22 =	vadd.s32 $0x186A0, v54  }
0x6e: {  	[tilespmem:$0x1CC0] =	vst v22;
	v22 =	vadd.s32 $0x186A0, v23;
	v23 =	vld [tilespmem:$0x1D20]  }
0x6f: {  	v59 =	vld [tilespmem:$0x1D30];
	[tilespmem:$0x1CD0] =	vst v22;
	v22 =	vadd.s32 $0x186A0, v55  }
0x70: {  	v60 =	vld [tilespmem:$0x1D40];
	[tilespmem:$0x1CE0] =	vst v22;
	v22 =	vadd.s32 $0x186A0, v56  }
0x71: {  	v61 =	vld [tilespmem:$0x1D50];
	[tilespmem:$0x1CF0] =	vst v22;
	v22 =	vadd.s32 $0x186A0, v57  }
0x72: {  	v62 =	vld [tilespmem:$0x1D60];
	[tilespmem:$0x1D00] =	vst v22;
	v22 =	vadd.s32 $0x186A0, v58  }
0x73: {  	[tilespmem:$0x1D10] =	vst v22;
	v22 =	vadd.s32 $0x186A0, v23;
	v23 =	vld [tilespmem:$0x1D70]  }
0x74: {  	v63 =	vld [tilespmem:$0x1D80];
	[tilespmem:$0x1D20] =	vst v22;
	v22 =	vadd.s32 $0x186A0, v59  }
0x75: {  	v30 =	vld [tilespmem:$0x1D90];
	[tilespmem:$0x1D30] =	vst v22;
	v22 =	vadd.s32 $0x186A0, v60  }
0x76: {  	v31 =	vld [tilespmem:$0x1DA0];
	[tilespmem:$0x1D40] =	vst v22;
	v22 =	vadd.s32 $0x186A0, v61  }
0x77: {  	v32 =	vld [tilespmem:$0x1DB0];
	[tilespmem:$0x1D50] =	vst v22;
	v22 =	vadd.s32 $0x186A0, v62  }
0x78: {  	[tilespmem:$0x1D60] =	vst v22;
	v22 =	vadd.s32 $0x186A0, v23;
	v23 =	vld [tilespmem:$0x1DC0]  }
0x79: {  	v33 =	vld [tilespmem:$0x1DD0];
	[tilespmem:$0x1D70] =	vst v22;
	v22 =	vadd.s32 $0x186A0, v63  }
0x7a: {  	v34 =	vld [tilespmem:$0x1DE0];
	[tilespmem:$0x1D80] =	vst v22;
	v22 =	vadd.s32 $0x186A0, v30  }
0x7b: {  	v35 =	vld [tilespmem:$0x1DF0];
	[tilespmem:$0x1D90] =	vst v22;
	v22 =	vadd.s32 $0x186A0, v31  }
0x7c: {  	v36 =	vld [tilespmem:$0x1E00];
	[tilespmem:$0x1DA0] =	vst v22;
	v22 =	vadd.s32 $0x186A0, v32  }
0x7d: {  	[tilespmem:$0x1DB0] =	vst v22;
	v22 =	vadd.s32 $0x186A0, v23;
	v23 =	vld [tilespmem:$0x1E10]  }
0x7e: {  	v37 =	vld [tilespmem:$0x1E20];
	[tilespmem:$0x1DC0] =	vst v22;
	v22 =	vadd.s32 $0x186A0, v33  }
0x7f: {  	v38 =	vld [tilespmem:$0x1E30];
	[tilespmem:$0x1DD0] =	vst v22;
	v22 =	vadd.s32 $0x186A0, v34  }
0x80: {  	v39 =	vld [tilespmem:$0x1E40];
	[tilespmem:$0x1DE0] =	vst v22;
	v22 =	vadd.s32 $0x186A0, v35  }
0x81: {  	v40 =	vld [tilespmem:$0x1E50];
	[tilespmem:$0x1DF0] =	vst v22;
	v22 =	vadd.s32 $0x186A0, v36  }
0x82: {  	[tilespmem:$0x1E00] =	vst v22;
	v22 =	vadd.s32 $0x186A0, v23;
	v23 =	vld [tilespmem:$0x1E60]  }
0x83: {  	v41 =	vld [tilespmem:$0x1E70];
	[tilespmem:$0x1E10] =	vst v22;
	v22 =	vadd.s32 $0x186A0, v37  }
0x84: {  	v42 =	vld [tilespmem:$0x1E80];
	[tilespmem:$0x1E20] =	vst v22;
	v22 =	vadd.s32 $0x186A0, v38  }
0x85: {  	v43 =	vld [tilespmem:$0x1E90];
	[tilespmem:$0x1E30] =	vst v22;
	v22 =	vadd.s32 $0x186A0, v39  }
0x86: {  	v44 =	vld [tilespmem:$0x1EA0];
	[tilespmem:$0x1E40] =	vst v22;
	v22 =	vadd.s32 $0x186A0, v40  }
0x87: {  	[tilespmem:$0x1E50] =	vst v22;
	v22 =	vadd.s32 $0x186A0, v23;
	v23 =	vld [tilespmem:$0x1EB0]  }
0x88: {  	v45 =	vld [tilespmem:$0x1EC0];
	[tilespmem:$0x1E60] =	vst v22;
	v22 =	vadd.s32 $0x186A0, v41  }
0x89: {  	v46 =	vld [tilespmem:$0x1ED0];
	[tilespmem:$0x1E70] =	vst v22;
	v22 =	vadd.s32 $0x186A0, v42  }
0x8a: {  	v47 =	vld [tilespmem:$0x1EE0];
	[tilespmem:$0x1E80] =	vst v22;
	v22 =	vadd.s32 $0x186A0, v43  }
0x8b: {  	v48 =	vld [tilespmem:$0x1EF0];
	[tilespmem:$0x1E90] =	vst v22;
	v22 =	vadd.s32 $0x186A0, v44  }
0x8c: {  	[tilespmem:$0x1EA0] =	vst v22;
	v22 =	vadd.s32 $0x186A0, v23;
	v23 =	vld [tilespmem:$0x1F00]  }
0x8d: {  	v49 =	vld [tilespmem:$0x1F10];
	[tilespmem:$0x1EB0] =	vst v22;
	v22 =	vadd.s32 $0x186A0, v45  }
0x8e: {  	v50 =	vld [tilespmem:$0x1F20];
	[tilespmem:$0x1EC0] =	vst v22;
	v22 =	vadd.s32 $0x186A0, v46  }
0x8f: {  	v51 =	vld [tilespmem:$0x1F30];
	[tilespmem:$0x1ED0] =	vst v22;
	v22 =	vadd.s32 $0x186A0, v47  }
0x90: {  	v52 =	vld [tilespmem:$0x1F40];
	[tilespmem:$0x1EE0] =	vst v22;
	v22 =	vadd.s32 $0x186A0, v48  }
0x91: {  	[tilespmem:$0x1EF0] =	vst v22;
	v22 =	vadd.s32 $0x186A0, v23;
	v23 =	vld [tilespmem:$0x1F50]  }
0x92: {  	v53 =	vld [tilespmem:$0x1F60];
	[tilespmem:$0x1F00] =	vst v22;
	v22 =	vadd.s32 $0x186A0, v49  }
0x93: {  	v54 =	vld [tilespmem:$0x1F70];
	[tilespmem:$0x1F10] =	vst v22;
	v22 =	vadd.s32 $0x186A0, v50  }
0x94: {  	v55 =	vld [tilespmem:$0x1F80];
	[tilespmem:$0x1F20] =	vst v22;
	v22 =	vadd.s32 $0x186A0, v51  }
0x95: {  	v56 =	vld [tilespmem:$0x1F90];
	[tilespmem:$0x1F30] =	vst v22;
	v22 =	vadd.s32 $0x18A88, v52  }
0x96: {  	[tilespmem:$0x1F40] =	vst v22;
	v22 =	vadd.s32 $0x18A88, v23;
	v23 =	vld [tilespmem:$0x1FA0]  }
0x97: {  	v57 =	vld [tilespmem:$0x1FB0];
	[tilespmem:$0x1F50] =	vst v22;
	v22 =	vadd.s32 $0x18A88, v53  }
0x98: {  	v58 =	vld [tilespmem:$0x1FC0];
	[tilespmem:$0x1F60] =	vst v22;
	v22 =	vadd.s32 $0x18A88, v54  }
0x99: {  	v59 =	vld [tilespmem:$0x1FD0];
	[tilespmem:$0x1F70] =	vst v22;
	v22 =	vadd.s32 $0x18A88, v55  }
0x9a: {  	v60 =	vld [tilespmem:$0x1FE0];
	[tilespmem:$0x1F80] =	vst v22;
	v22 =	vadd.s32 $0x18A88, v56  }
0x9b: {  	[tilespmem:$0x1F90] =	vst v22;
	v22 =	vadd.s32 $0x18A88, v23;
	v23 =	vld [tilespmem:$0x1FF0]  }
0x9c: {  	v61 =	vld [tilespmem:$0x2000];
	[tilespmem:$0x1FA0] =	vst v22;
	v22 =	vadd.s32 $0x18A88, v57  }
0x9d: {  	v62 =	vld [tilespmem:$0x2010];
	[tilespmem:$0x1FB0] =	vst v22;
	v22 =	vadd.s32 $0x18A88, v58  }
0x9e: {  	v63 =	vld [tilespmem:$0x2020];
	[tilespmem:$0x1FC0] =	vst v22;
	v22 =	vadd.s32 $0x18A88, v59  }
0x9f: {  	v30 =	vld [tilespmem:$0x2030];
	[tilespmem:$0x1FD0] =	vst v22;
	v22 =	vadd.s32 $0x18A88, v60  }
0xa0: {  	[tilespmem:$0x1FE0] =	vst v22;
	v22 =	vadd.s32 $0x18A88, v23;
	v23 =	vld [tilespmem:$0x2040]  }
0xa1: {  	v31 =	vld [tilespmem:$0x2050];
	[tilespmem:$0x1FF0] =	vst v22;
	v22 =	vadd.s32 $0x18A88, v61  }
0xa2: {  	v32 =	vld [tilespmem:$0x2060];
	[tilespmem:$0x2000] =	vst v22;
	v22 =	vadd.s32 $0x18A88, v62  }
0xa3: {  	v33 =	vld [tilespmem:$0x2070];
	[tilespmem:$0x2010] =	vst v22;
	v22 =	vadd.s32 $0x18A88, v63  }
0xa4: {  	v34 =	vld [tilespmem:$0x2080];
	[tilespmem:$0x2020] =	vst v22;
	v22 =	vadd.s32 $0x18A88, v30  }
0xa5: {  	[tilespmem:$0x2030] =	vst v22;
	v22 =	vadd.s32 $0x18A88, v23;
	v23 =	vld [tilespmem:$0x2090]  }
0xa6: {  	v35 =	vld [tilespmem:$0x20A0];
	[tilespmem:$0x2040] =	vst v22;
	v22 =	vadd.s32 $0x18A88, v31  }
0xa7: {  	v36 =	vld [tilespmem:$0x20B0];
	[tilespmem:$0x2050] =	vst v22;
	v22 =	vadd.s32 $0x18A88, v32  }
0xa8: {  	v37 =	vld [tilespmem:$0x20C0];
	[tilespmem:$0x2060] =	vst v22;
	v22 =	vadd.s32 $0x18A88, v33  }
0xa9: {  	v38 =	vld [tilespmem:$0x20D0];
	[tilespmem:$0x2070] =	vst v22;
	v22 =	vadd.s32 $0x18A88, v34  }
0xaa: {  	[tilespmem:$0x2080] =	vst v22;
	v22 =	vadd.s32 $0x18A88, v23;
	v23 =	vld [tilespmem:$0x20E0]  }
0xab: {  	v39 =	vld [tilespmem:$0x20F0];
	[tilespmem:$0x2090] =	vst v22;
	v22 =	vadd.s32 $0x18A88, v35  }
0xac: {  	v40 =	vld [tilespmem:$0x2100];
	[tilespmem:$0x20A0] =	vst v22;
	v22 =	vadd.s32 $0x18A88, v36  }
0xad: {  	v41 =	vld [tilespmem:$0x2110];
	[tilespmem:$0x20B0] =	vst v22;
	v22 =	vadd.s32 $0x18A88, v37  }
0xae: {  	v42 =	vld [tilespmem:$0x2120];
	[tilespmem:$0x20C0] =	vst v22;
	v22 =	vadd.s32 $0x18A88, v38  }
0xaf: {  	[tilespmem:$0x20D0] =	vst v22;
	v22 =	vadd.s32 $0x18A88, v23;
	v23 =	vld [tilespmem:$0x2130]  }
0xb0: {  	v43 =	vld [tilespmem:$0x2140];
	[tilespmem:$0x20E0] =	vst v22;
	v22 =	vadd.s32 $0x18A88, v39  }
0xb1: {  	v44 =	vld [tilespmem:$0x2150];
	[tilespmem:$0x20F0] =	vst v22;
	v22 =	vadd.s32 $0x18A88, v40  }
0xb2: {  	v45 =	vld [tilespmem:$0x2160];
	[tilespmem:$0x2100] =	vst v22;
	v22 =	vadd.s32 $0x18A88, v41  }
0xb3: {  	v46 =	vld [tilespmem:$0x2170];
	[tilespmem:$0x2110] =	vst v22;
	v22 =	vadd.s32 $0x18A88, v42  }
0xb4: {  	[tilespmem:$0x2120] =	vst v22;
	v22 =	vadd.s32 $0x18A88, v23;
	v23 =	vld [tilespmem:$0x2180]  }
0xb5: {  	v47 =	vld [tilespmem:$0x2190];
	[tilespmem:$0x2130] =	vst v22;
	v22 =	vadd.s32 $0x18A88, v43  }
0xb6: {  	v48 =	vld [tilespmem:$0x21A0];
	[tilespmem:$0x2140] =	vst v22;
	v22 =	vadd.s32 $0x18A88, v44  }
0xb7: {  	v49 =	vld [tilespmem:$0x21B0];
	[tilespmem:$0x2150] =	vst v22;
	v22 =	vadd.s32 $0x18A88, v45  }
0xb8: {  	v50 =	vld [tilespmem:$0x21C0];
	[tilespmem:$0x2160] =	vst v22;
	v22 =	vadd.s32 $0x18A88, v46  }
0xb9: {  	[tilespmem:$0x2170] =	vst v22;
	v22 =	vadd.s32 $0x18A88, v23;
	v23 =	vld [tilespmem:$0x21D0]  }
0xba: {  	v51 =	vld [tilespmem:$0x21E0];
	[tilespmem:$0x2180] =	vst v22;
	v22 =	vadd.s32 $0x18A88, v47  }
0xbb: {  	v52 =	vld [tilespmem:$0x21F0];
	[tilespmem:$0x2190] =	vst v22;
	v22 =	vadd.s32 $0x18A88, v48  }
0xbc: {  	v53 =	vld [tilespmem:$0x2200];
	[tilespmem:$0x21A0] =	vst v22;
	v22 =	vadd.s32 $0x18A88, v49  }
0xbd: {  	v54 =	vld [tilespmem:$0x2210];
	[tilespmem:$0x21B0] =	vst v22;
	v22 =	vadd.s32 $0x18A88, v50  }
0xbe: {  	[tilespmem:$0x21C0] =	vst v22;
	v22 =	vadd.s32 $0x18A88, v23;
	v23 =	vld [tilespmem:$0x2220]  }
0xbf: {  	v55 =	vld [tilespmem:$0x2230];
	[tilespmem:$0x21D0] =	vst v22;
	v22 =	vadd.s32 $0x18A88, v51  }
0xc0: {  	v56 =	vld [tilespmem:$0x2240];
	[tilespmem:$0x21E0] =	vst v22;
	v22 =	vadd.s32 $0x18A88, v52  }
0xc1: {  	v57 =	vld [tilespmem:$0x2250];
	[tilespmem:$0x21F0] =	vst v22;
	v22 =	vadd.s32 $0x18A88, v53  }
0xc2: {  	v58 =	vld [tilespmem:$0x2260];
	[tilespmem:$0x2200] =	vst v22;
	v22 =	vadd.s32 $0x18A88, v54  }
0xc3: {  	[tilespmem:$0x2210] =	vst v22;
	v22 =	vadd.s32 $0x18A88, v23;
	v23 =	vld [tilespmem:$0x2270]  }
0xc4: {  	v59 =	vld [tilespmem:$0x2280];
	[tilespmem:$0x2220] =	vst v22;
	v22 =	vadd.s32 $0x18A88, v55  }
0xc5: {  	v60 =	vld [tilespmem:$0x2290];
	[tilespmem:$0x2230] =	vst v22;
	v22 =	vadd.s32 $0x18A88, v56  }
0xc6: {  	v61 =	vld [tilespmem:$0x22A0];
	[tilespmem:$0x2240] =	vst v22;
	v22 =	vadd.s32 $0x18A88, v57  }
0xc7: {  	v62 =	vld [tilespmem:$0x22B0];
	[tilespmem:$0x2250] =	vst v22;
	v22 =	vadd.s32 $0x18A88, v58  }
0xc8: {  	[tilespmem:$0x2260] =	vst v22;
	v22 =	vadd.s32 $0x18A88, v23;
	v23 =	vld [tilespmem:$0x22C0]  }
0xc9: {  	v63 =	vld [tilespmem:$0x22D0];
	[tilespmem:$0x2270] =	vst v22;
	v22 =	vadd.s32 $0x18A88, v59  }
0xca: {  	v30 =	vld [tilespmem:$0x22E0];
	[tilespmem:$0x2280] =	vst v22;
	v22 =	vadd.s32 $0x18A88, v60  }
0xcb: {  	v31 =	vld [tilespmem:$0x22F0];
	[tilespmem:$0x2290] =	vst v22;
	v22 =	vadd.s32 $0x18A88, v61  }
0xcc: {  	v32 =	vld [tilespmem:$0x2300];
	[tilespmem:$0x22A0] =	vst v22;
	v22 =	vadd.s32 $0x18A88, v62  }
0xcd: {  	[tilespmem:$0x22B0] =	vst v22;
	v22 =	vadd.s32 $0x18A88, v23;
	v23 =	vld [tilespmem:$0x2310]  }
0xce: {  	v33 =	vld [tilespmem:$0x2320];
	[tilespmem:$0x22C0] =	vst v22;
	v22 =	vadd.s32 $0x18A88, v63  }
0xcf: {  	v34 =	vld [tilespmem:$0x2330];
	[tilespmem:$0x22D0] =	vst v22;
	v22 =	vadd.s32 $0x18A88, v30  }
0xd0: {  	v35 =	vld [tilespmem:$0x2340];
	[tilespmem:$0x22E0] =	vst v22;
	v22 =	vadd.s32 $0x18A88, v31  }
0xd1: {  	v36 =	vld [tilespmem:$0x2350];
	[tilespmem:$0x22F0] =	vst v22;
	v22 =	vadd.s32 $0x18A88, v32  }
0xd2: {  	[tilespmem:$0x2300] =	vst v22;
	v22 =	vadd.s32 $0x18A88, v23;
	v23 =	vld [tilespmem:$0x2360]  }
0xd3: {  	v37 =	vld [tilespmem:$0x2370];
	[tilespmem:$0x2310] =	vst v22;
	v22 =	vadd.s32 $0x18A88, v33  }
0xd4: {  	v38 =	vld [tilespmem:$0x2380];
	[tilespmem:$0x2320] =	vst v22;
	v22 =	vadd.s32 $0x18A88, v34  }
0xd5: {  	v39 =	vld [tilespmem:$0x2390];
	[tilespmem:$0x2330] =	vst v22;
	v22 =	vadd.s32 $0x18A88, v35  }
0xd6: {  	v40 =	vld [tilespmem:$0x23A0];
	[tilespmem:$0x2340] =	vst v22;
	v22 =	vadd.s32 $0x18A88, v36  }
0xd7: {  	[tilespmem:$0x2350] =	vst v22;
	v22 =	vadd.s32 $0x18A88, v23;
	v23 =	vld [tilespmem:$0x23B0]  }
0xd8: {  	v41 =	vld [tilespmem:$0x23C0];
	[tilespmem:$0x2360] =	vst v22;
	v22 =	vadd.s32 $0x18A88, v37  }
0xd9: {  	v42 =	vld [tilespmem:$0x23D0];
	[tilespmem:$0x2370] =	vst v22;
	v22 =	vadd.s32 $0x18A88, v38  }
0xda: {  	v43 =	vld [tilespmem:$0x23E0];
	[tilespmem:$0x2380] =	vst v22;
	v22 =	vadd.s32 $0x18A88, v39  }
0xdb: {  	v44 =	vld [tilespmem:$0x23F0];
	[tilespmem:$0x2390] =	vst v22;
	v22 =	vadd.s32 $0x18A88, v40  }
0xdc: {  	[tilespmem:$0x23A0] =	vst v22;
	v22 =	vadd.s32 $0x18A88, v23;
	v23 =	vld [tilespmem:$0x2400]  }
0xdd: {  	v45 =	vld [tilespmem:$0x2410];
	[tilespmem:$0x23B0] =	vst v22;
	v22 =	vadd.s32 $0x18A88, v41  }
0xde: {  	v46 =	vld [tilespmem:$0x2420];
	[tilespmem:$0x23C0] =	vst v22;
	v22 =	vadd.s32 $0x18A88, v42  }
0xdf: {  	v47 =	vld [tilespmem:$0x2430];
	[tilespmem:$0x23D0] =	vst v22;
	v22 =	vadd.s32 $0x18A88, v43  }
0xe0: {  	v48 =	vld [tilespmem:$0x2440];
	[tilespmem:$0x23E0] =	vst v22;
	v22 =	vadd.s32 $0x18A88, v44  }
0xe1: {  	[tilespmem:$0x23F0] =	vst v22;
	v22 =	vadd.s32 $0x18A88, v23;
	v23 =	vld [tilespmem:$0x2450]  }
0xe2: {  	v49 =	vld [tilespmem:$0x2460];
	[tilespmem:$0x2400] =	vst v22;
	v22 =	vadd.s32 $0x18A88, v45  }
0xe3: {  	v50 =	vld [tilespmem:$0x2470];
	[tilespmem:$0x2410] =	vst v22;
	v22 =	vadd.s32 $0x18A88, v46  }
0xe4: {  	v51 =	vld [tilespmem:$0x2480];
	[tilespmem:$0x2420] =	vst v22;
	v22 =	vadd.s32 $0x18A88, v47  }
0xe5: {  	v52 =	vld [tilespmem:$0x2490];
	[tilespmem:$0x2430] =	vst v22;
	v22 =	vadd.s32 $0x18A88, v48  }
0xe6: {  	[tilespmem:$0x2440] =	vst v22;
	v22 =	vadd.s32 $0x18A88, v23;
	v23 =	vld [tilespmem:$0x24A0]  }
0xe7: {  	v53 =	vld [tilespmem:$0x24B0];
	[tilespmem:$0x2450] =	vst v22;
	v22 =	vadd.s32 $0x18A88, v49  }
0xe8: {  	v54 =	vld [tilespmem:$0x24C0];
	[tilespmem:$0x2460] =	vst v22;
	v22 =	vadd.s32 $0x18A88, v50  }
0xe9: {  	v55 =	vld [tilespmem:$0x24D0];
	[tilespmem:$0x2470] =	vst v22;
	v22 =	vadd.s32 $0x18A88, v51  }
0xea: {  	v56 =	vld [tilespmem:$0x24E0];
	[tilespmem:$0x2480] =	vst v22;
	v22 =	vadd.s32 $0x18A88, v52  }
0xeb: {  	[tilespmem:$0x2490] =	vst v22;
	v22 =	vadd.s32 $0x18A88, v23;
	v23 =	vld [tilespmem:$0x24F0]  }
0xec: {  	v57 =	vld [tilespmem:$0x2500];
	[tilespmem:$0x24A0] =	vst v22;
	v22 =	vadd.s32 $0x18A88, v53  }
0xed: {  	v58 =	vld [tilespmem:$0x2510];
	[tilespmem:$0x24B0] =	vst v22;
	v22 =	vadd.s32 $0x18A88, v54  }
0xee: {  	v59 =	vld [tilespmem:$0x2520];
	[tilespmem:$0x24C0] =	vst v22;
	v22 =	vadd.s32 $0x18A88, v55  }
0xef: {  	v60 =	vld [tilespmem:$0x2530];
	[tilespmem:$0x24D0] =	vst v22;
	v22 =	vadd.s32 $0x18A88, v56  }
0xf0: {  	[tilespmem:$0x24E0] =	vst v22;
	v22 =	vadd.s32 $0x18A88, v23;
	v23 =	vld [tilespmem:$0x2540]  }
0xf1: {  	v61 =	vld [tilespmem:$0x2550];
	[tilespmem:$0x24F0] =	vst v22;
	v22 =	vadd.s32 $0x18A88, v57  }
0xf2: {  	v62 =	vld [tilespmem:$0x2560];
	[tilespmem:$0x2500] =	vst v22;
	v22 =	vadd.s32 $0x18A88, v58  }
0xf3: {  	v63 =	vld [tilespmem:$0x2570];
	[tilespmem:$0x2510] =	vst v22;
	v22 =	vadd.s32 $0x18A88, v59  }
0xf4: {  	[tilespmem:$0x2520] =	vst v22;
	v22 =	vadd.s32 $0x18A88, v60  }
0xf5: {  	[tilespmem:$0x2530] =	vst v22;
	v22 =	vadd.s32 $0x18A88, v23  }
0xf6: {  	[tilespmem:$0x2540] =	vst v22;
	v22 =	vadd.s32 $0x18A88, v61  }
0xf7: {  	[tilespmem:$0x2550] =	vst v22;
	v22 =	vadd.s32 $0x18A88, v62  }
0xf8: {  	[tilespmem:$0x2560] =	vst v22;
	v22 =	vadd.s32 $0x18A88, v63  }
0xf9: {  	[tilespmem:$0x2570] =	vst v22  }
0xfa: {  	[bflag:$0x0] =	sbarrier.arrive $0xFFFF  }
0xfb: {  	[tilespmem:s16], [sflag:$0x1] =	stream.indirect.gather [spmem:s2], $0x1, s3, s15, $0xb8;
	[tilespmem:$0x1F490] =	vst v63  }
0xfc: {  	v22 =	vld [tilespmem:$0x0];
	_ =	sdelay $0x7  }
0xfd: {  	[tilespmem:v22+s15+$0x0] =	vst.idx.msk $0xffff, v1  }
0xfe: {  	v22 =	vld [tilespmem:$0x10];
	_ =	sdelay $0x7  }
0xff: {  	[tilespmem:v22+s15+$0x0] =	vst.idx.msk $0xffff, v2  }
0x100: {  	v22 =	vld [tilespmem:$0x20];
	_ =	sdelay $0x7  }
0x101: {  	[tilespmem:v22+s15+$0x0] =	vst.idx.msk $0xffff, v3  }
0x102: {  	v22 =	vld [tilespmem:$0x30];
	_ =	sdelay $0x7  }
0x103: {  	[tilespmem:v22+s15+$0x0] =	vst.idx.msk $0xffff, v4  }
0x104: {  	v22 =	vld [tilespmem:$0x40];
	_ =	sdelay $0x7  }
0x105: {  	[tilespmem:v22+s15+$0x0] =	vst.idx.msk $0xffff, v5  }
0x106: {  	v22 =	vld [tilespmem:$0x50];
	_ =	sdelay $0x7  }
0x107: {  	[tilespmem:v22+s15+$0x0] =	vst.idx.msk $0xffff, v6  }
0x108: {  	v22 =	vld [tilespmem:$0x60];
	_ =	sdelay $0x7  }
0x109: {  	[tilespmem:v22+s15+$0x0] =	vst.idx.msk $0xffff, v7  }
0x10a: {  	v22 =	vld [tilespmem:$0x70];
	_ =	sdelay $0x7  }
0x10b: {  	[tilespmem:v22+s15+$0x0] =	vst.idx.msk $0xffff, v8  }
0x10c: {  	v22 =	vld [tilespmem:$0x80];
	_ =	sdelay $0x7  }
0x10d: {  	[tilespmem:v22+s15+$0x0] =	vst.idx.msk $0xffff, v9  }
0x10e: {  	v22 =	vld [tilespmem:$0x90];
	_ =	sdelay $0x7  }
0x10f: {  	[tilespmem:v22+s15+$0x0] =	vst.idx.msk $0xffff, v10  }
0x110: {  	v22 =	vld [tilespmem:$0xA0];
	_ =	sdelay $0x7  }
0x111: {  	[tilespmem:v22+s15+$0x0] =	vst.idx.msk $0xffff, v11  }
0x112: {  	v22 =	vld [tilespmem:$0xB0];
	_ =	sdelay $0x7  }
0x113: {  	[tilespmem:v22+s15+$0x0] =	vst.idx.msk $0xffff, v12  }
0x114: {  	v22 =	vld [tilespmem:$0xC0];
	_ =	sdelay $0x7  }
0x115: {  	[tilespmem:v22+s15+$0x0] =	vst.idx.msk $0xff, v13  }
0x116: {  	v22 =	vld [tilespmem:$0x1900];
	_ =	sdelay $0x7  }
0x117: {  	[tilespmem:v22+s15+$0x0] =	vst.idx.msk $0xffff, v14  }
0x118: {  	v22 =	vld [tilespmem:$0x1910];
	_ =	sdelay $0x7  }
0x119: {  	[tilespmem:v22+s15+$0x0] =	vst.idx.msk $0xffff, v15  }
0x11a: {  	v22 =	vld [tilespmem:$0x1920];
	_ =	sdelay $0x7  }
0x11b: {  	[tilespmem:v22+s15+$0x0] =	vst.idx.msk $0xffff, v16  }
0x11c: {  	v22 =	vld [tilespmem:$0x1930];
	_ =	sdelay $0x7  }
0x11d: {  	[tilespmem:v22+s15+$0x0] =	vst.idx.msk $0x3, v17  }
0x11e: {  	v22 =	vld [tilespmem:$0x1F40];
	_ =	sdelay $0x7  }
0x11f: {  	[tilespmem:v22+s15+$0x0] =	vst.idx.msk $0xffff, v18  }
0x120: {  	v22 =	vld [tilespmem:$0x1F50];
	_ =	sdelay $0x7  }
0x121: {  	[tilespmem:v22+s15+$0x0] =	vst.idx.msk $0xffff, v19  }
0x122: {  	v22 =	vld [tilespmem:$0x1F60];
	_ =	sdelay $0x7  }
0x123: {  	[tilespmem:v22+s15+$0x0] =	vst.idx.msk $0xffff, v20  }
0x124: {  	v22 =	vld [tilespmem:$0x1F70];
	_ =	sdelay $0x7  }
0x125: {  	[tilespmem:v22+s15+$0x0] =	vst.idx.msk $0x3, v21  }
0x126: {  	_ =	swait.ge [sflag:s17], $0x2590  }
0x127: {  	s21 =	simm.s32 $0xC8;
	s22 =	simm.s32 $0x1D998;
	[sflag:s17] =	ssyncset.done $0x0  }
0x128: {  	s23 =	simm.s32 $0x0;
	s20 =	simm.s32 $0x1B468;
	[sflag:s17] =	ssyncadd.s32 $0xFFFFDA70  }
.LBB2_2:
0x129: {  	v22 =	vld [tilespmem:s21+$0xFFFFFF38]  }
0x12a: {  	v23 =	vld [tilespmem:s21+$0xFFFFFF48]  }
0x12b: {  	v24 =	vld [tilespmem:s21+$0xFFFFFF58]  }
0x12c: {  	v25 =	vld [tilespmem:s20+$0xFFFFFFA0]  }
0x12d: {  	v26 =	vld [tilespmem:s21+$0xFFFFFF68]  }
0x12e: {  	v27 =	vld [tilespmem:s21+$0xFFFFFF78]  }
0x12f: {  	v28 =	vld [tilespmem:s20+$0xFFFFFFB0]  }
0x130: {  	v30 =	vld [tilespmem:s21+$0xFFFFFF88]  }
0x131: {  	v63 =	vld [tilespmem:s20+$0xFFFFFFC0]  }
0x132: {  	v31 =	vld [tilespmem:s21+$0xFFFFFF98]  }
0x133: {  	v32 =	vld [tilespmem:s20+$0xFFFFFFD0]  }
0x134: {  	v36 =	vld [tilespmem:s21+$0xFFFFFFA8]  }
0x135: {  	v37 =	vld [tilespmem:s20+$0xFFFFFFE0]  }
0x136: {  	v41 =	vld [tilespmem:s21+$0xFFFFFFB8]  }
0x137: {  	v42 =	vld [tilespmem:s20+$0xFFFFFFF0]  }
0x138: {  	v46 =	vld [tilespmem:s21+$0xFFFFFFC8]  }
0x139: {  	v47 =	vld [tilespmem:s20+$0x0]  }
0x13a: {  	v51 =	vld [tilespmem:s21+$0xFFFFFFD8]  }
0x13b: {  	v52 =	vld [tilespmem:s20+$0x10]  }
0x13c: {  	v56 =	vld [tilespmem:s21+$0xFFFFFFE8]  }
0x13d: {  	v57 =	vld [tilespmem:s20+$0x20]  }
0x13e: {  	v61 =	vld [tilespmem:s21+$0xFFFFFFF8]  }
0x13f: {  	v22 =	vld.idx.msk [tilespmem:v22+s15+$0x0], $0xffff  }
0x140: {  	v29 =	vshll.u32 v25, $0x10;
	v35 =	vshll.u32 v63, $0x10;
	v39 =	vshll.u32 v32, $0x10;
	v23 =	vld.idx.msk [tilespmem:v23+s15+$0x0], $0xffff  }
0x141: {  	v62 =	vld [tilespmem:s20+$0x30];
	s24 =	sand.u32 $0x7FE, s23;
	v40 =	vand.u32 $0xFFFF0000, v32;
	v44 =	vshll.u32 v37, $0x10;
	v45 =	vand.u32 $0xFFFF0000, v37  }
0x142: {  	v49 =	vshll.u32 v42, $0x10;
	v50 =	vand.u32 $0xFFFF0000, v42;
	v54 =	vshll.u32 v47, $0x10;
	v37 =	vld [tilespmem:s24+$0x1900]  }
0x143: {  	v55 =	vand.u32 $0xFFFF0000, v47;
	v59 =	vshll.u32 v52, $0x10;
	v60 =	vand.u32 $0xFFFF0000, v52;
	v24 =	vld.idx.msk [tilespmem:v24+s15+$0x0], $0xffff  }
0x144: {  	v29 =	vadd.f32 $0.0e+00, v29;
	v26 =	vld.idx.msk [tilespmem:v26+s15+$0x0], $0xffff;
	vm4 =	veq.s32 v22, v1;
	v22 =	vand.u32 $0xFFFF0000, v25  }
0x145: {  	v42 =	vld [tilespmem:s24+$0x1910];
	vm5 =	veq.s32 v23, v2;
	v23 =	vshll.u32 v28, $0x10;
	v22 =	vadd.f32 $0.0e+00, v22  }
0x146: {  	v27 =	vld.idx.msk [tilespmem:v27+s15+$0x0], $0xffff;
	v28 =	vand.u32 $0xFFFF0000, v28;
	v25 =	vand.u32 $0xFFFF0000, v63;
	v29 =	vnsel vm4, $0x0, v29  }
0x147: {  	v47 =	vld [tilespmem:s24+$0x1920];
	v23 =	vnsel vm5, $0x0, v23;
	v28 =	vnsel vm5, $0x0, v28;
	v22 =	vnsel vm4, $0x0, v22  }
0x148: {  	v38 =	vld.idx.msk [tilespmem:v30+s15+$0x0], $0xffff;
	v23 =	vadd.f32 v23, v29;
	vm4 =	veq.s32 v24, v3;
	v22 =	vadd.f32 v28, v22  }
0x149: {  	v43 =	vld.idx.msk [tilespmem:v31+s15+$0x0], $0xffff;
	v24 =	vnsel vm4, $0x0, v35;
	v25 =	vnsel vm4, $0x0, v25;
	vm4 =	veq.s32 v26, v4  }
0x14a: {  	v53 =	vld.idx.msk [tilespmem:v41+s15+$0x0], $0xffff;
	v41 =	vand.u32 $0xFFFF0000, v62;
	v23 =	vadd.f32 v24, v23;
	v26 =	vnsel vm4, $0x0, v40  }
0x14b: {  	v52 =	vld [tilespmem:s24+$0x1930];
	v22 =	vadd.f32 v25, v22;
	v25 =	vnsel vm4, $0x0, v39;
	vm4 =	veq.s32 v27, v5  }
0x14c: {  	v48 =	vld.idx.msk [tilespmem:v36+s15+$0x0], $0xffff;
	v40 =	vshll.u32 v62, $0x10;
	v23 =	vadd.f32 v25, v23;
	v27 =	vnsel vm4, $0x0, v45  }
0x14d: {  	v62 =	vld [tilespmem:s24+$0x1CD28];
	v22 =	vadd.f32 v26, v22;
	v26 =	vnsel vm4, $0x0, v44;
	vm4 =	veq.s32 v38, v6  }
0x14e: {  	v36 =	vand.u32 $0xFFFF0000, v57;
	v38 =	vld [tilespmem:s20+$0x40];
	v23 =	vadd.f32 v26, v23;
	v24 =	vnsel vm4, $0x0, v49  }
0x14f: {  	v58 =	vld.idx.msk [tilespmem:v46+s15+$0x0], $0xffff;
	v22 =	vadd.f32 v27, v22;
	v27 =	vnsel vm4, $0x0, v50;
	vm4 =	veq.s32 v43, v7  }
0x150: {  	v35 =	vshll.u32 v57, $0x10;
	v43 =	vld [tilespmem:s20+$0x50];
	v23 =	vadd.f32 v24, v23;
	v25 =	vnsel vm4, $0x0, v54  }
0x151: {  	v63 =	vld.idx.msk [tilespmem:v51+s15+$0x0], $0xffff;
	v22 =	vadd.f32 v27, v22;
	v27 =	vnsel vm4, $0x0, v55;
	vm4 =	veq.s32 v48, v8  }
0x152: {  	v54 =	vld.idx.msk [tilespmem:v42+s15+$0x0], $0xffff;
	v42 =	vshll.u32 v62, $0x10;
	v23 =	vadd.f32 v25, v23;
	v26 =	vnsel vm4, $0x0, v59  }
0x153: {  	v48 =	vld [tilespmem:s20+$0x60];
	v45 =	vshll.u32 v38, $0x10;
	v46 =	vand.u32 $0xFFFF0000, v38;
	v22 =	vadd.f32 v27, v22  }
0x154: {  	v57 =	vld [tilespmem:s24+$0x1F40];
	v27 =	vnsel vm4, $0x0, v60;
	vm4 =	veq.s32 v53, v9;
	v23 =	vadd.f32 v26, v23  }
0x155: {  	v53 =	vld [tilespmem:s24+$0x1CD08];
	v24 =	vnsel vm4, $0x0, v35;
	v50 =	vshll.u32 v43, $0x10;
	v51 =	vand.u32 $0xFFFF0000, v43  }
0x156: {  	v39 =	vld.idx.msk [tilespmem:v56+s15+$0x0], $0xffff;
	v22 =	vadd.f32 v27, v22;
	v27 =	vnsel vm4, $0x0, v36;
	vm4 =	veq.s32 v58, v10  }
0x157: {  	v43 =	vand.u32 $0xFFFF0000, v62;
	v58 =	vld [tilespmem:s24+$0x1CD18];
	v23 =	vadd.f32 v24, v23;
	v25 =	vnsel vm4, $0x0, v40  }
0x158: {  	v44 =	vld.idx.msk [tilespmem:v61+s15+$0x0], $0xffff;
	v55 =	vshll.u32 v48, $0x10;
	v56 =	vand.u32 $0xFFFF0000, v48;
	v22 =	vadd.f32 v27, v22  }
0x159: {  	v49 =	vld.idx.msk [tilespmem:v37+s15+$0x0], $0xffff;
	v27 =	vnsel vm4, $0x0, v41;
	vm4 =	veq.s32 v63, v11;
	v23 =	vadd.f32 v25, v23  }
0x15a: {  	v63 =	vld [tilespmem:s24+$0x1F50];
	v26 =	vnsel vm4, $0x0, v45;
	v60 =	vshll.u32 v53, $0x10;
	v61 =	vand.u32 $0xFFFF0000, v53  }
0x15b: {  	v45 =	vld [tilespmem:s24+$0x1D348];
	v22 =	vadd.f32 v27, v22;
	v27 =	vnsel vm4, $0x0, v46;
	vm4 =	veq.s32 v39, v12  }
0x15c: {  	v53 =	vld [tilespmem:s24+$0x1D368];
	v23 =	vadd.f32 v26, v23;
	v24 =	vnsel vm4, $0x0, v50;
	v37 =	vshll.u32 v58, $0x10  }
0x15d: {  	v39 =	vld [tilespmem:s24+$0x1CD38];
	v22 =	vadd.f32 v27, v22;
	v27 =	vnsel vm4, $0x0, v51;
	vm4 =	veq.s32 v44, v13  }
0x15e: {  	v59 =	vld.idx.msk [tilespmem:v47+s15+$0x0], $0xffff;
	v38 =	vand.u32 $0xFFFF0000, v58;
	v23 =	vadd.f32 v24, v23;
	vm4 =	vmand vm4, vm0  }
0x15f: {  	v40 =	vld [tilespmem:s24+$0x1F60];
	v22 =	vadd.f32 v27, v22;
	v25 =	vnsel vm4, $0x0, v55;
	v27 =	vnsel vm4, $0x0, v56  }
0x160: {  	v36 =	vld.idx.msk [tilespmem:v52+s15+$0x0], $0xffff;
	vm4 =	veq.s32 v49, v14;
	v50 =	vshll.u32 v45, $0x10;
	v51 =	vand.u32 $0xFFFF0000, v45  }
0x161: {  	v44 =	vld [tilespmem:s24+$0x1F70];
	v58 =	vshll.u32 v53, $0x10;
	v23 =	vadd.f32 v25, v23;
	v22 =	vadd.f32 v27, v22  }
0x162: {  	v26 =	vnsel vm4, $0x0, v60;
	v46 =	vshll.u32 v39, $0x10;
	v27 =	vnsel vm4, $0x0, v61  }
0x163: {  	v41 =	vld.idx.msk [tilespmem:v57+s15+$0x0], $0xffff;
	vm4 =	veq.s32 v54, v15;
	v23 =	vadd.f32 v26, v23;
	v22 =	vadd.f32 v27, v22  }
0x164: {  	v49 =	vld [tilespmem:s24+$0x1D358];
	v47 =	vand.u32 $0xFFFF0000, v39;
	v24 =	vnsel vm4, $0x0, v37;
	v27 =	vnsel vm4, $0x0, v38  }
0x165: {  	v48 =	vld.idx.msk [tilespmem:v63+s15+$0x0], $0xffff;
	vm4 =	veq.s32 v59, v16;
	v23 =	vadd.f32 v24, v23;
	v22 =	vadd.f32 v27, v22  }
0x166: {  	v25 =	vnsel vm4, $0x0, v42;
	v27 =	vnsel vm4, $0x0, v43;
	vm4 =	veq.s32 v36, v17  }
0x167: {  	v52 =	vld.idx.msk [tilespmem:v40+s15+$0x0], $0xffff;
	v23 =	vadd.f32 v25, v23;
	vm4 =	vmand vm4, vm1;
	v22 =	vadd.f32 v27, v22  }
0x168: {  	v25 =	vnsel vm4, $0x0, v46;
	v26 =	vnsel vm4, $0x0, v47;
	vm4 =	veq.s32 v41, v18  }
0x169: {  	v56 =	vand.u32 $0xFFFF0000, v49;
	v54 =	vld.idx.msk [tilespmem:v44+s15+$0x0], $0xffff;
	v23 =	vadd.f32 v25, v23;
	v24 =	vnsel vm4, $0x0, v50  }
0x16a: {  	v57 =	vld [tilespmem:s24+$0x1D378];
	v25 =	vnsel vm4, $0x0, v51;
	vm4 =	veq.s32 v48, v19;
	v22 =	vadd.f32 v26, v22  }
0x16b: {  	v55 =	vshll.u32 v49, $0x10;
	v27 =	vnsel vm4, $0x0, v56;
	v23 =	vadd.f32 v24, v23  }
0x16c: {  	v22 =	vadd.f32 v25, v22;
	v25 =	vnsel vm4, $0x0, v55;
	vm4 =	veq.s32 v52, v20  }
0x16d: {  	v59 =	vand.u32 $0xFFFF0000, v53;
	v23 =	vadd.f32 v25, v23;
	v25 =	vnsel vm4, $0x0, v58  }
0x16e: {  	v26 =	vnsel vm4, $0x0, v59;
	vm4 =	veq.s32 v54, v21;
	v22 =	vadd.f32 v27, v22  }
0x16f: {  	v60 =	vshll.u32 v57, $0x10;
	vm4 =	vmand vm4, vm1;
	v23 =	vadd.f32 v25, v23  }
0x170: {  	v61 =	vand.u32 $0xFFFF0000, v57;
	v24 =	vnsel vm4, $0x0, v60;
	v22 =	vadd.f32 v26, v22  }
0x171: {  	v62 =	vnsel vm4, $0x0, v61;
	v23 =	vadd.f32 v24, v23  }
0x172: {  	v22 =	vadd.f32 v62, v22  }
0x173: {  	(xrf2) =	vadd.scan.msk.f32 $0xffff, v23  }
0x174: {  	(xrf2) =	vadd.scan.msk.f32 $0xffff, v22;
	_ =	sdelay $0x8  }
0x175: {  	v22, _, _ =	vpop (xrf2)  }
0x176: {  	v63 =	vld [tilespmem:$0x1DB98];
	v23, _, _ =	vpop (xrf2)  }
0x177: {  	v23 =	vbroadcast v23, $0xF  }
0x178: {  	p1 =	seq.s32 s23, $0x60E;
	v22 =	vbroadcast v22, $0xF  }
.Ltmp2:
0x179: {  	v23 =	vnsel vm2, $0x0, v23;
	(pc) =	sbr.rel @p1 .LBB2_4-.Ltmp2, $3  }
0x17a: {  	v22 =	vsel vm3, v23, v22  }
0x17b: {  	v22 =	vadd.f32 v22, v63;
	_ =	sdelay $0x1  }
0x17c: {  	[tilespmem:s22+$0x0] =	vst v22  }
0x17d: {  	v22 =	vld [tilespmem:s21+$0x0];
	_ =	sdelay $0x7  }
0x17e: {  	[tilespmem:v22+s15+$0x0] =	vst.idx.msk $0xffff, v1  }
0x17f: {  	v22 =	vld [tilespmem:s21+$0x10];
	_ =	sdelay $0x7  }
0x180: {  	[tilespmem:v22+s15+$0x0] =	vst.idx.msk $0xffff, v2  }
0x181: {  	v22 =	vld [tilespmem:s21+$0x20];
	_ =	sdelay $0x7  }
0x182: {  	[tilespmem:v22+s15+$0x0] =	vst.idx.msk $0xffff, v3  }
0x183: {  	v22 =	vld [tilespmem:s21+$0x30];
	_ =	sdelay $0x7  }
0x184: {  	[tilespmem:v22+s15+$0x0] =	vst.idx.msk $0xffff, v4  }
0x185: {  	v22 =	vld [tilespmem:s21+$0x40];
	_ =	sdelay $0x7  }
0x186: {  	[tilespmem:v22+s15+$0x0] =	vst.idx.msk $0xffff, v5  }
0x187: {  	v22 =	vld [tilespmem:s21+$0x50];
	_ =	sdelay $0x7  }
0x188: {  	[tilespmem:v22+s15+$0x0] =	vst.idx.msk $0xffff, v6  }
0x189: {  	v22 =	vld [tilespmem:s21+$0x60];
	_ =	sdelay $0x7  }
0x18a: {  	[tilespmem:v22+s15+$0x0] =	vst.idx.msk $0xffff, v7  }
0x18b: {  	v22 =	vld [tilespmem:s21+$0x70];
	_ =	sdelay $0x7  }
0x18c: {  	[tilespmem:v22+s15+$0x0] =	vst.idx.msk $0xffff, v8  }
0x18d: {  	v22 =	vld [tilespmem:s21+$0x80];
	_ =	sdelay $0x7  }
0x18e: {  	[tilespmem:v22+s15+$0x0] =	vst.idx.msk $0xffff, v9  }
0x18f: {  	v22 =	vld [tilespmem:s21+$0x90];
	_ =	sdelay $0x7  }
0x190: {  	[tilespmem:v22+s15+$0x0] =	vst.idx.msk $0xffff, v10  }
0x191: {  	v22 =	vld [tilespmem:s21+$0xA0];
	_ =	sdelay $0x7  }
0x192: {  	[tilespmem:v22+s15+$0x0] =	vst.idx.msk $0xffff, v11  }
0x193: {  	v22 =	vld [tilespmem:s21+$0xB0];
	_ =	sdelay $0x7  }
0x194: {  	[tilespmem:v22+s15+$0x0] =	vst.idx.msk $0xffff, v12  }
0x195: {  	v22 =	vld [tilespmem:s21+$0xC0];
	_ =	sdelay $0x6  }
0x196: {  	s23 =	sadd.s32 $0x32, s23  }
0x197: {  	s24 =	sand.u32 $0xFFE, s23;
	[tilespmem:v22+s15+$0x0] =	vst.idx.msk $0xff, v13  }
0x198: {  	v22 =	vld [tilespmem:s24+$0x1900];
	_ =	sdelay $0x7  }
0x199: {  	[tilespmem:v22+s15+$0x0] =	vst.idx.msk $0xffff, v14  }
0x19a: {  	v22 =	vld [tilespmem:s24+$0x1910];
	_ =	sdelay $0x7  }
0x19b: {  	[tilespmem:v22+s15+$0x0] =	vst.idx.msk $0xffff, v15  }
0x19c: {  	v22 =	vld [tilespmem:s24+$0x1920];
	_ =	sdelay $0x7  }
0x19d: {  	[tilespmem:v22+s15+$0x0] =	vst.idx.msk $0xffff, v16  }
0x19e: {  	v22 =	vld [tilespmem:s24+$0x1930];
	_ =	sdelay $0x7  }
0x19f: {  	[tilespmem:v22+s15+$0x0] =	vst.idx.msk $0x3, v17  }
0x1a0: {  	v22 =	vld [tilespmem:s24+$0x1F40];
	_ =	sdelay $0x7  }
0x1a1: {  	[tilespmem:v22+s15+$0x0] =	vst.idx.msk $0xffff, v18  }
0x1a2: {  	v22 =	vld [tilespmem:s24+$0x1F50];
	_ =	sdelay $0x7  }
0x1a3: {  	[tilespmem:v22+s15+$0x0] =	vst.idx.msk $0xffff, v19  }
0x1a4: {  	v22 =	vld [tilespmem:s24+$0x1F60];
	_ =	sdelay $0x7  }
0x1a5: {  	[tilespmem:v22+s15+$0x0] =	vst.idx.msk $0xffff, v20  }
0x1a6: {  	v22 =	vld [tilespmem:s24+$0x1F70];
	_ =	sdelay $0x3  }
.Ltmp3:
0x1a7: {  	_ = 	snop;
	(pc) =	sbr.rel .LBB2_2-.Ltmp3, $2  }
0x1a8: {  	_ =	sdelay $0x2  }
0x1a9: {  	s20 =	sadd.s32 $0xC8, s20;
	s22 =	sadd.s32 $0x10, s22;
	s21 =	sadd.s32 $0xC8, s21;
	[tilespmem:v22+s15+$0x0] =	vst.idx.msk $0x3, v21  }
.LBB2_5:
0x1aa: {  	_ =	sfence.sel $0x180000  }
0x1ab: {  	[bflag:$0x0] =	sbarrier.arrive $0xFFFF  }
0x1ac: {  	_ =	strace $0x90000047  }
0x1ad: {  	s0 =	sadd.s32 @!p0 $0x100000, s0;
	[bflag:$0x2] =	sbarrier.arrive $0xFFFF  }
0x1ae: {  	[sflag:s0] =	ssyncadd.tile.s32 @!p0 $0x1;
	_ =	shalt  }
.Lfunc_end2:
_tile_overlayer_lowered:
.L_overlay_start_2:
0x1af: {  	(tag) =	ssettag $0x2  }
0x1b0: {  	s0 =	rddreg [dreg:$0x0];
	s2 =	stileid.u32  }
0x1b1: {  	s1 =	rddreg [dreg:$0x1];
	p0 =	sne.s32 s2, $0x0  }
0x1b2: {  	s3 =	rddreg [dreg:$0x2];
	[bflag:$0x3] =	sbarrier.arrive $0xFFFF;
	s2 =	simm.s32 @!p0 $0x1C02  }
0x1b3: {  	[timem:s3], [sflag:s2] =	dma.local @!p0 [hbm:s0], s1  }
0x1b4: {  	s0 =	simm.s32 @!p0 $0x2  }
0x1b5: {  	_ =	swait.ge @!p0 [sflag:s0], s1  }
0x1b6: {  	s1 =	ssub.s32 @!p0 $0x0, s1;
	[sflag:s0] =	ssyncset.done @!p0 $0x0  }
0x1b7: {  	[sflag:s0] =	ssyncadd.s32 @!p0 s1  }
0x1b8: {  	[bflag:$0x3] =	sbarrier.arrive $0xFFFF  }
0x1b9: {  	_ =	shalt  }

</sc_bundles>
